<compile_context>
chip_gen: v7x
topology: tpu7x:2x2x1
jax: 0.10.2.dev20260603
libtpu: 0.0.44.dev20260713+nightly
codegen_flags: <defaults>
</compile_context>

<pallas_src>
import functools

import jax
import jax.numpy as jnp
from jax import lax
from jax.experimental import pallas as pl
from jax.experimental.pallas import tpu as pltpu
from jax.experimental.pallas import tpu_sc as plsc

N_NODES = 10000
D = 128
N_EDGES = 320000
MAX_DEG = 10
N_GRAPHS = 64

NC, NS, L = 2, 16, 16
NW = NC * NS
CHUNK = 128
CPT = 160
EDGES_PAD = NS * CPT * CHUNK
HD = D // NC
NPAD = 10016
ROWS_PT = NPAD // NS
CPT_CNT = CPT // NC

BM = 2000



NB = 5
PF = 2


def _make_sc_agg(with_count):
    mesh = plsc.VectorSubcoreMesh(
        core_axis_name="c", subcore_axis_name="s",
        num_cores=NC, num_subcores=NS)

    out_type = [jax.ShapeDtypeStruct((NC, NPAD, HD), jnp.float32)]
    scratch = [
        pltpu.VMEM((CPT, CHUNK), jnp.int32),
        pltpu.VMEM((CPT, CHUNK), jnp.int32),
        [pltpu.VMEM((CHUNK, HD), jnp.float32)] * NB,
        pltpu.VMEM_SHARED((NPAD, HD), jnp.float32),
        [pltpu.SemaphoreType.DMA] * NB,
        [pltpu.SemaphoreType.DMA] * NB,
    ]
    if with_count:
        out_type.append(jax.ShapeDtypeStruct((NC, NPAD, L), jnp.int32))
        scratch.append(pltpu.VMEM((CHUNK, L), jnp.int32))
        scratch.append(pltpu.VMEM_SHARED((NPAD, L), jnp.int32))
        scratch.append(pltpu.SemaphoreType.DMA)

    @functools.partial(
        pl.kernel,
        out_type=out_type,
        mesh=mesh,
        compiler_params=pltpu.CompilerParams(use_tc_tiling_on_sc=False),
        scratch_types=scratch,
    )
    def sc_agg(h_hbm, srcs_hbm, dsts_hbm, *refs):
        if with_count:
            (out_hbm, cnt_hbm, src_v, dst_v, bufs, acc, gsem, ssem,
             ones_v, cacc, csem) = refs
        else:
            out_hbm, src_v, dst_v, bufs, acc, gsem, ssem = refs
        c = lax.axis_index("c")
        s = lax.axis_index("s")

        pltpu.sync_copy(srcs_hbm.at[c, s], src_v)
        pltpu.sync_copy(dsts_hbm.at[s], dst_v)

        zeros = jnp.zeros((L,), jnp.float32)

        def zrow(r, _):
            for cc in range(HD // L):
                bufs[0][r, pl.ds(cc * L, L)] = zeros
            return 0

        lax.fori_loop(0, CHUNK, zrow, 0)
        for r in range(ROWS_PT // CHUNK + 1):
            n = min(CHUNK, ROWS_PT - r * CHUNK)
            if n > 0:
                pltpu.sync_copy(
                    bufs[0].at[pl.ds(0, n)],
                    acc.at[pl.ds(s * ROWS_PT + r * CHUNK, n)])

        if with_count:
            izeros = jnp.zeros((L,), jnp.int32)

            def czrow(r, _):
                ones_v[r, pl.ds(0, L)] = izeros
                return 0

            lax.fori_loop(0, CHUNK, czrow, 0)
            for r in range(ROWS_PT // CHUNK + 1):
                n = min(CHUNK, ROWS_PT - r * CHUNK)
                if n > 0:
                    pltpu.sync_copy(
                        ones_v.at[pl.ds(0, n)],
                        cacc.at[pl.ds(s * ROWS_PT + r * CHUNK, n)])
            iones = jnp.ones((L,), jnp.int32)

            def corow(r, _):
                ones_v[r, pl.ds(0, L)] = iones
                return 0

            lax.fori_loop(0, CHUNK, corow, 0)
        plsc.subcore_barrier()

        def gather(j, b):
            pltpu.async_copy(h_hbm.at[src_v.at[j]], bufs[b], gsem[b])

        def wait_gather(j, b):
            pltpu.make_async_copy(h_hbm.at[src_v.at[j]], bufs[b],
                                  gsem[b]).wait()

        def scatter(j, b):
            pltpu.async_copy(bufs[b], acc.at[dst_v.at[j]], ssem[b], add=True)

        def wait_scatter(j, b):
            pltpu.make_async_copy(bufs[b], acc.at[dst_v.at[j]],
                                  ssem[b]).wait()

        for j in range(PF):
            gather(j, j % NB)

        NCNT = CPT_CNT // (CPT // NB)

        def body(t, _):
            for b in range(NB):
                j = t * NB + b
                wait_gather(j, b)
                scatter(j, b)
                bq = (b + PF) % NB
                k = j + PF - NB

                @pl.when(k >= 0)
                def _():
                    wait_scatter(k, bq)

                @pl.when(j + PF < CPT)
                def _():
                    gather(j + PF, bq)
            if with_count:
                for q in range(NCNT):
                    jq = c * CPT_CNT + t * NCNT + q
                    pltpu.async_copy(ones_v, cacc.at[dst_v.at[jq]], csem,
                                     add=True)
            return 0

        lax.fori_loop(0, CPT // NB, body, 0)
        for j in range(CPT + PF - NB, CPT):
            wait_scatter(j, j % NB)
        if with_count:
            def cdrain(j, _):
                pltpu.make_async_copy(ones_v, cacc.at[dst_v.at[j]],
                                      csem).wait()
                return 0
            lax.fori_loop(0, CPT_CNT, cdrain, 0)
        plsc.subcore_barrier()

        pltpu.sync_copy(acc.at[pl.ds(s * ROWS_PT, ROWS_PT)],
                        out_hbm.at[c, pl.ds(s * ROWS_PT, ROWS_PT)])
        if with_count:
            pltpu.sync_copy(cacc.at[pl.ds(s * ROWS_PT, ROWS_PT)],
                            cnt_hbm.at[c, pl.ds(s * ROWS_PT, ROWS_PT)])

    return sc_agg


_sc_aggs = {}


def _get_sc_agg(with_count):
    if with_count not in _sc_aggs:
        _sc_aggs[with_count] = _make_sc_agg(with_count)
    return _sc_aggs[with_count]



def _make_sc_cnt():
    mesh = plsc.VectorSubcoreMesh(
        core_axis_name="c", subcore_axis_name="s",
        num_cores=NC, num_subcores=NS)

    @functools.partial(
        pl.kernel,
        out_type=jax.ShapeDtypeStruct((NC, NPAD, L), jnp.int32),
        mesh=mesh,
        compiler_params=pltpu.CompilerParams(use_tc_tiling_on_sc=False),
        scratch_types=[
            pltpu.VMEM((CPT_CNT, CHUNK), jnp.int32),
            pltpu.VMEM((CHUNK, L), jnp.int32),
            pltpu.VMEM((CHUNK, L), jnp.int32),
            pltpu.VMEM_SHARED((NPAD, L), jnp.int32),
        ],
    )
    def sc_cnt(dsts_hbm, out_hbm, dst_v, ones_v, zbuf, acc):
        c = lax.axis_index("c")
        s = lax.axis_index("s")

        pltpu.sync_copy(dsts_hbm.at[s, pl.ds(c * CPT_CNT, CPT_CNT)], dst_v)

        ones = jnp.ones((L,), jnp.int32)
        zeros = jnp.zeros((L,), jnp.int32)

        def fill(r, _):
            ones_v[r, pl.ds(0, L)] = ones
            zbuf[r, pl.ds(0, L)] = zeros
            return 0

        lax.fori_loop(0, CHUNK, fill, 0)
        for r in range(ROWS_PT // CHUNK + 1):
            n = min(CHUNK, ROWS_PT - r * CHUNK)
            if n > 0:
                pltpu.sync_copy(
                    zbuf.at[pl.ds(0, n)],
                    acc.at[pl.ds(s * ROWS_PT + r * CHUNK, n)])
        plsc.subcore_barrier()

        def body(j, _):
            pltpu.sync_copy(ones_v, acc.at[dst_v.at[j]], add=True)
            return 0

        lax.fori_loop(0, CPT_CNT, body, 0)
        plsc.subcore_barrier()

        pltpu.sync_copy(acc.at[pl.ds(s * ROWS_PT, ROWS_PT)],
                        out_hbm.at[c, pl.ds(s * ROWS_PT, ROWS_PT)])

    return sc_cnt


_sc_cnt = None


def _get_sc_cnt():
    global _sc_cnt
    if _sc_cnt is None:
        _sc_cnt = _make_sc_cnt()
    return _sc_cnt



def _embed_body(x_ref, w_ref, b_ref, o_ref):
    o_ref[...] = (jnp.dot(x_ref[...], w_ref[...],
                          preferred_element_type=jnp.float32) + b_ref[...])


def _tc_embed(x, w, b2d):
    return pl.pallas_call(
        _embed_body,
        out_shape=jax.ShapeDtypeStruct((N_NODES, D), jnp.float32),
        grid=(N_NODES // BM,),
        in_specs=[
            pl.BlockSpec((BM, D), lambda i: (i, 0)),
            pl.BlockSpec((D, D), lambda i: (0, 0)),
            pl.BlockSpec((1, D), lambda i: (0, 0)),
        ],
        out_specs=pl.BlockSpec((BM, D), lambda i: (i, 0)),
    )(x, w, b2d)



def _mfconv_core(p0_ref, p1_ref, x_ref, c0_ref, c1_ref,
                 wl_ref, wr_ref, bs_ref, relu):
    agg = jnp.concatenate([p0_ref[...], p1_ref[...]],
                          axis=1).astype(jnp.float32)
    x = x_ref[...]
    deg = jnp.minimum(c0_ref[...][:, 0:1] + c1_ref[...][:, 0:1], MAX_DEG)
    iot = lax.broadcasted_iota(jnp.int32, (BM, MAX_DEG + 1), 1)
    onehot = deg == iot
    out = jnp.dot(onehot.astype(jnp.float32), bs_ref[...],
                  preferred_element_type=jnp.float32)
    for i in range(MAX_DEG + 1):
        t = (jnp.dot(agg, wl_ref[i], preferred_element_type=jnp.float32)
             + jnp.dot(x, wr_ref[i], preferred_element_type=jnp.float32))
        out = out + jnp.where(onehot[:, i:i + 1], t, 0.0)
    if relu:
        out = jnp.maximum(out, 0.0)
    return out


def _mfconv_body(p0_ref, p1_ref, x_ref, c0_ref, c1_ref,
                 wl_ref, wr_ref, bs_ref, o_ref):
    out = _mfconv_core(p0_ref, p1_ref, x_ref, c0_ref, c1_ref,
                       wl_ref, wr_ref, bs_ref, relu=True)
    o_ref[...] = out


_MF_IN_SPECS = [
    pl.BlockSpec((BM, HD), lambda i: (i, 0)),
    pl.BlockSpec((BM, HD), lambda i: (i, 0)),
    pl.BlockSpec((BM, D), lambda i: (i, 0)),
    pl.BlockSpec((BM, L), lambda i: (i, 0)),
    pl.BlockSpec((BM, L), lambda i: (i, 0)),
    pl.BlockSpec((MAX_DEG + 1, D, D), lambda i: (0, 0, 0)),
    pl.BlockSpec((MAX_DEG + 1, D, D), lambda i: (0, 0, 0)),
    pl.BlockSpec((MAX_DEG + 1, D), lambda i: (0, 0)),
]


def _tc_mfconv(p0, p1, x, c0, c1, wl, wr, bsum):
    return pl.pallas_call(
        _mfconv_body,
        out_shape=jax.ShapeDtypeStruct((N_NODES, D), jnp.float32),
        grid=(N_NODES // BM,),
        in_specs=_MF_IN_SPECS,
        out_specs=pl.BlockSpec((BM, D), lambda i: (i, 0)),
    )(p0, p1, x, c0, c1, wl, wr, bsum)


def _mfconv_pool_body(p0_ref, p1_ref, x_ref, c0_ref, c1_ref,
                      wl_ref, wr_ref, bs_ref, b_ref,
                      w1_ref, b1_ref, w2_ref, b2_ref, o_ref,
                      sums, counts):
    i = pl.program_id(0)
    nsteps = pl.num_programs(0)

    @pl.when(i == 0)
    def _():
        sums[...] = jnp.zeros_like(sums)
        counts[...] = jnp.zeros_like(counts)

    h = _mfconv_core(p0_ref, p1_ref, x_ref, c0_ref, c1_ref,
                     wl_ref, wr_ref, bs_ref, relu=False)
    bi = b_ref[...][:, 0:1]
    iot = lax.broadcasted_iota(jnp.int32, (BM, N_GRAPHS), 1)
    onehot = (bi == iot).astype(jnp.float32)
    sums[...] += jax.lax.dot_general(
        onehot, h, (((0,), (0,)), ((), ())),
        preferred_element_type=jnp.float32)
    counts[...] += jax.lax.dot_general(
        onehot, jnp.ones((BM, D), jnp.float32), (((0,), (0,)), ((), ())),
        preferred_element_type=jnp.float32)

    @pl.when(i == nsteps - 1)
    def _():
        pooled = sums[...] / jnp.maximum(counts[...], 1.0)
        z = jnp.maximum(
            jnp.dot(pooled, w1_ref[...], preferred_element_type=jnp.float32)
            + b1_ref[...], 0.0)
        o_ref[...] = (jnp.dot(z, w2_ref[...],
                              preferred_element_type=jnp.float32)
                      + b2_ref[...])


def _tc_mfconv_pool(p0, p1, x, c0, c1, wl, wr, bsum,
                    batch2d, w1, b1_2d, w2_pad, b2_2d):
    return pl.pallas_call(
        _mfconv_pool_body,
        out_shape=jax.ShapeDtypeStruct((N_GRAPHS, D), jnp.float32),
        grid=(N_NODES // BM,),
        in_specs=_MF_IN_SPECS + [
            pl.BlockSpec((BM, L), lambda i: (i, 0)),
            pl.BlockSpec((D, D), lambda i: (0, 0)),
            pl.BlockSpec((1, D), lambda i: (0, 0)),
            pl.BlockSpec((D, D), lambda i: (0, 0)),
            pl.BlockSpec((1, D), lambda i: (0, 0)),
        ],
        out_specs=pl.BlockSpec((N_GRAPHS, D), lambda i: (0, 0)),
        scratch_shapes=[
            pltpu.VMEM((N_GRAPHS, D), jnp.float32),
            pltpu.VMEM((N_GRAPHS, D), jnp.float32),
        ],
    )(p0, p1, x, c0, c1, wl, wr, bsum,
      batch2d, w1, b1_2d, w2_pad, b2_2d)



def kernel(x, edge_index, edge_attr, batch_idx, embed_W, embed_b,
           Wl1, bl1, Wr1, br1, Wl2, bl2, Wr2, br2,
           lin1_W, lin1_b, lin2_W, lin2_b):
    del edge_attr

    src = edge_index[0].astype(jnp.int32)
    dst = edge_index[1].astype(jnp.int32)
    pad = EDGES_PAD - N_EDGES
    src2 = jnp.pad(2 * src, (0, pad)).reshape(NS, CPT, CHUNK)
    srcs2 = jnp.stack([src2, src2 + 1])
    dsts = jnp.pad(dst, (0, pad), constant_values=N_NODES).reshape(
        NS, CPT, CHUNK)

    cnt = _get_sc_cnt()(dsts)
    c0 = cnt[0, :N_NODES]
    c1 = cnt[1, :N_NODES]

    h0 = _tc_embed(x, embed_W, embed_b.reshape(1, D))

    (p,) = _get_sc_agg(False)(h0.reshape(2 * N_NODES, HD), srcs2, dsts)
    g1 = _tc_mfconv(p[0, :N_NODES], p[1, :N_NODES], h0, c0, c1,
                    Wl1, Wr1, bl1 + br1)

    (p2,) = _get_sc_agg(False)(g1.reshape(2 * N_NODES, HD), srcs2, dsts)
    w2_pad = jnp.pad(lin2_W, ((0, 0), (0, D - 1)))
    b2_2d = jnp.pad(lin2_b.reshape(1, 1), ((0, 0), (0, D - 1)))
    res = _tc_mfconv_pool(p2[0, :N_NODES], p2[1, :N_NODES], g1, c0, c1,
                          Wl2, Wr2, bl2 + br2,
                          jnp.tile(batch_idx.astype(jnp.int32)
                                   .reshape(N_NODES, 1), (1, L)),
                          lin1_W, lin1_b.reshape(1, D), w2_pad, b2_2d)
    return res[:, 0:1]

# --- scband reference (transcript-rebuilt; emitter-appended) ---
"""Pipeline reference for scband-gnn-no-rel-20796231647843 (READ-ONLY COPY).

The authoritative reference and input builder live on the scoring server;
editing this copy changes nothing except your own understanding.
"""

import jax, jax.numpy as jnp
import numpy as np

N_NODES = 10000
N_EDGES = 320000
D_FEAT = 128
D_HID = 128
D_EDGE = 4
MAX_DEG = 10
N_GRAPHS = 64
N_BLOCKS = 2


def setup_inputs(seed: int = 0) -> dict:
    key = jax.random.key(seed)
    ks = jax.random.split(key, 24)
    s = 1.0 / np.sqrt(D_HID)
    inp = {}
    inp['x'] = jax.random.normal(ks[0], (N_NODES, D_FEAT), dtype=jnp.float32)
    inp['edge_index'] = jax.random.randint(ks[1], (2, N_EDGES), 0, N_NODES)
    inp['edge_attr'] = jax.random.normal(ks[2], (N_EDGES, D_EDGE), dtype=jnp.float32)
    inp['batch_idx'] = jnp.sort(jax.random.randint(ks[3], (N_NODES,), 0, N_GRAPHS))
    inp['embed_W'] = jax.random.normal(ks[4], (D_FEAT, D_HID), dtype=jnp.float32) * s
    inp['embed_b'] = jnp.zeros((D_HID,), dtype=jnp.float32)
    inp['Wl1'] = jax.random.normal(ks[5], (MAX_DEG + 1, D_HID, D_HID), dtype=jnp.float32) * s
    inp['bl1'] = jnp.zeros((MAX_DEG + 1, D_HID), dtype=jnp.float32)
    inp['Wr1'] = jax.random.normal(ks[6], (MAX_DEG + 1, D_HID, D_HID), dtype=jnp.float32) * s
    inp['br1'] = jnp.zeros((MAX_DEG + 1, D_HID), dtype=jnp.float32)
    inp['Wl2'] = jax.random.normal(ks[7], (MAX_DEG + 1, D_HID, D_HID), dtype=jnp.float32) * s
    inp['bl2'] = jnp.zeros((MAX_DEG + 1, D_HID), dtype=jnp.float32)
    inp['Wr2'] = jax.random.normal(ks[8], (MAX_DEG + 1, D_HID, D_HID), dtype=jnp.float32) * s
    inp['br2'] = jnp.zeros((MAX_DEG + 1, D_HID), dtype=jnp.float32)
    inp['lin1_W'] = jax.random.normal(ks[9], (D_HID, D_HID), dtype=jnp.float32) * s
    inp['lin1_b'] = jnp.zeros((D_HID,), dtype=jnp.float32)
    inp['lin2_W'] = jax.random.normal(ks[10], (D_HID, 1), dtype=jnp.float32) * s
    inp['lin2_b'] = jnp.zeros((1,), dtype=jnp.float32)
    return inp


def _mfconv(x, edge_index, Wl, bl, Wr, br):
    # PyG MFConv: per-degree linear on (sum-aggregated neighbors) + per-degree linear on root
    src = edge_index[0]
    dst = edge_index[1]
    n = x.shape[0]
    deg = jax.ops.segment_sum(jnp.ones_like(dst, dtype=jnp.int32), dst, num_segments=n)
    deg = jnp.clip(deg, 0, MAX_DEG)
    h = jax.ops.segment_sum(jnp.take(x, src, axis=0), dst, num_segments=n)
    out = jnp.zeros((n, Wl.shape[-1]), dtype=x.dtype)
    for i in range(MAX_DEG + 1):
        mask = (deg == i)[:, None]
        r = h @ Wl[i] + bl[i] + x @ Wr[i] + br[i]
        out = out + jnp.where(mask, r, 0.0)
    return out


def reference(x, edge_index, edge_attr, batch_idx, embed_W, embed_b, Wl1, bl1, Wr1, br1, Wl2, bl2, Wr2, br2, lin1_W, lin1_b, lin2_W, lin2_b):
    # embed
    h = x @ embed_W + embed_b
    # block 1: Identity -> MFConv
    h = _mfconv(h, edge_index, Wl1, bl1, Wr1, br1)
    # block 2: ReLU -> MFConv
    h = jax.nn.relu(h)
    h = _mfconv(h, edge_index, Wl2, bl2, Wr2, br2)
    # global mean pool over batch_idx
    sums = jax.ops.segment_sum(h, batch_idx, num_segments=N_GRAPHS)
    counts = jax.ops.segment_sum(jnp.ones((h.shape[0],), dtype=h.dtype), batch_idx, num_segments=N_GRAPHS)
    pooled = sums / jnp.maximum(counts, 1.0)[:, None]
    # MLP head
    z = jax.nn.relu(pooled @ lin1_W + lin1_b)
    out = z @ lin2_W + lin2_b
    return out

if __name__ == "__main__":
    import jax
    _d = setup_inputs()
    print(jax.jit(kernel)(*tuple(_d.values())))

</pallas_src>

<mosaic_0001>
#map = affine_map<(d0, d1) -> (0, 0, 0)>
module attributes {stable_mosaic.version = 14 : i64} {
  func.func @sc_cnt(%arg0: i32, %arg1: i32, %arg2: memref<16x160x128xi32, #tpu.memory_space<hbm>>, %arg3: memref<2x10016x16xi32, #tpu.memory_space<hbm>>, %arg4: memref<80x128xi32, #tpu.memory_space<vmem>>, %arg5: memref<128x16xi32, #tpu.memory_space<vmem>>, %arg6: memref<128x16xi32, #tpu.memory_space<vmem>>, %arg7: memref<10016x16xi32, #tpu.memory_space<vmem_shared>>) attributes {dimension_semantics = [#tpu.dimension_semantics<core_parallel>, #tpu.dimension_semantics<subcore_parallel>], iteration_bounds = array<i64: 2, 16>, scalar_prefetch = 0 : i64, scratch_operands = 4 : i64, tpu.core_type = #tpu.core_type<sc_vector_subcore>, window_params = [{transform_indices = #map}, {transform_indices = #map}]} {
    %mul3A = arith.constant 80 : i32
    %mul3A_0 = arith.muli %arg0, %mul3A : i32
    "tpu.region"() ({
      %run_scoped3A = tpu.sem_alloc : memref<!tpu.dma_semaphore, #tpu.memory_space<semaphore_mem>>
      %dma_start3A = arith.constant 0 : i32
      %dma_start3A_41 = tpu.memref_slice %arg2[%arg1, %mul3A_0, %dma_start3A] : memref<16x160x128xi32, #tpu.memory_space<hbm>> -> memref<1x80x128xi32, #tpu.memory_space<hbm>>
      %dma_start3A_42 = tpu.memref_squeeze %dma_start3A_41 : memref<1x80x128xi32, #tpu.memory_space<hbm>> -> memref<80x128xi32, #tpu.memory_space<hbm>>
      %dma_start3A_43 = arith.constant 0 : i32
      %dma_start3A_44 = tpu.memref_slice %arg2[%arg1, %mul3A_0, %dma_start3A_43] : memref<16x160x128xi32, #tpu.memory_space<hbm>> -> memref<1x80x128xi32, #tpu.memory_space<hbm>>
      %dma_start3A_45 = tpu.memref_squeeze %dma_start3A_44 : memref<1x80x128xi32, #tpu.memory_space<hbm>> -> memref<80x128xi32, #tpu.memory_space<hbm>>
      tpu.enqueue_dma source(%dma_start3A_45 : memref<80x128xi32, #tpu.memory_space<hbm>>) target(%arg4 : memref<80x128xi32, #tpu.memory_space<vmem>>) target_semaphore(%run_scoped3A : memref<!tpu.dma_semaphore, #tpu.memory_space<semaphore_mem>>)
      %dma_wait3A = arith.constant 0 : i32
      %dma_wait3A_46 = tpu.memref_slice %arg2[%arg1, %mul3A_0, %dma_wait3A] : memref<16x160x128xi32, #tpu.memory_space<hbm>> -> memref<1x80x128xi32, #tpu.memory_space<hbm>>
      %dma_wait3A_47 = tpu.memref_squeeze %dma_wait3A_46 : memref<1x80x128xi32, #tpu.memory_space<hbm>> -> memref<80x128xi32, #tpu.memory_space<hbm>>
      %dma_wait3A_48 = arith.constant 0 : i32
      %dma_wait3A_49 = tpu.memref_slice %arg2[%arg1, %mul3A_0, %dma_wait3A_48] : memref<16x160x128xi32, #tpu.memory_space<hbm>> -> memref<1x80x128xi32, #tpu.memory_space<hbm>>
      %dma_wait3A_50 = tpu.memref_squeeze %dma_wait3A_49 : memref<1x80x128xi32, #tpu.memory_space<hbm>> -> memref<80x128xi32, #tpu.memory_space<hbm>>
      tpu.wait_dma2 semaphore(%run_scoped3A : memref<!tpu.dma_semaphore, #tpu.memory_space<semaphore_mem>>) src(%dma_wait3A_50 : memref<80x128xi32, #tpu.memory_space<hbm>>) dst(%arg4 : memref<80x128xi32, #tpu.memory_space<vmem>>)
      tpu.yield
    }) : () -> ()
    %broadcast_in_dim3A = arith.constant 1 : i32
    %broadcast_in_dim3A_1 = vector.broadcast %broadcast_in_dim3A : i32 to vector<16xi32>
    %broadcast_in_dim3A_2 = arith.constant 0 : i32
    %broadcast_in_dim3A_3 = vector.broadcast %broadcast_in_dim3A_2 : i32 to vector<16xi32>
    %scan3A = arith.constant 0 : i32
    %scan3A_4 = arith.constant 0 : i32
    %scan3A_5 = arith.constant 128 : i32
    %scan3A_6 = arith.addi %scan3A_4, %scan3A_5 : i32
    %scan3A_7 = arith.constant 1 : i32
    %scan3A_8 = scf.for %scan3A_41 = %scan3A_4 to %scan3A_6 step %scan3A_7 iter_args(%scan3A_42 = %scan3A) -> (i32)  : i32 {
      %swap3A = arith.index_cast %scan3A_41 : i32 to index
      %swap3A_43 = arith.constant 0 : index
      %swap3A_44 = tpu.vector_load %arg5[%swap3A, %swap3A_43] {strides = array<i32>} : memref<128x16xi32, #tpu.memory_space<vmem>>, vector<1x16xi32>,
      %swap3A_45 = vector.shape_cast %swap3A_44 : vector<1x16xi32> to vector<16xi32>
      %swap3A_46 = vector.shape_cast %broadcast_in_dim3A_1 : vector<16xi32> to vector<1x16xi32>
      tpu.vector_store %arg5[%swap3A, %swap3A_43], %swap3A_46 {strides = array<i32>} : memref<128x16xi32, #tpu.memory_space<vmem>>, vector<1x16xi32>,
      %swap3A_47 = arith.index_cast %scan3A_41 : i32 to index
      %swap3A_48 = arith.constant 0 : index
      %swap3A_49 = tpu.vector_load %arg6[%swap3A_47, %swap3A_48] {strides = array<i32>} : memref<128x16xi32, #tpu.memory_space<vmem>>, vector<1x16xi32>,
      %swap3A_50 = vector.shape_cast %swap3A_49 : vector<1x16xi32> to vector<16xi32>
      %swap3A_51 = vector.shape_cast %broadcast_in_dim3A_3 : vector<16xi32> to vector<1x16xi32>
      tpu.vector_store %arg6[%swap3A_47, %swap3A_48], %swap3A_51 {strides = array<i32>} : memref<128x16xi32, #tpu.memory_space<vmem>>, vector<1x16xi32>,
      %scan3A_52 = arith.constant 0 : i32
      scf.yield %scan3A_52 : i32
    }
    %scan3A_9 = arith.constant 128 : i32
    %mul3A_10 = arith.constant 626 : i32
    %mul3A_11 = arith.muli %arg1, %mul3A_10 : i32
    %add3A = arith.constant 0 : i32
    %add3A_12 = arith.addi %mul3A_11, %add3A : i32
    "tpu.region"() ({
      %run_scoped3A = tpu.sem_alloc : memref<!tpu.dma_semaphore, #tpu.memory_space<semaphore_mem>>
      %dma_start3A = arith.constant 0 : i32
      %dma_start3A_41 = arith.constant 0 : i32
      %dma_start3A_42 = tpu.memref_slice %arg6[%dma_start3A, %dma_start3A_41] : memref<128x16xi32, #tpu.memory_space<vmem>> -> memref<128x16xi32, #tpu.memory_space<vmem>>
      %dma_start3A_43 = arith.constant 0 : i32
      %dma_start3A_44 = tpu.memref_slice %arg7[%add3A_12, %dma_start3A_43] : memref<10016x16xi32, #tpu.memory_space<vmem_shared>> -> memref<128x16xi32, #tpu.memory_space<vmem_shared>>
      %dma_start3A_45 = arith.constant 0 : i32
      %dma_start3A_46 = tpu.memref_slice %arg7[%add3A_12, %dma_start3A_45] : memref<10016x16xi32, #tpu.memory_space<vmem_shared>> -> memref<128x16xi32, #tpu.memory_space<vmem_shared>>
      %dma_start3A_47 = arith.constant 0 : i32
      %dma_start3A_48 = arith.constant 0 : i32
      %dma_start3A_49 = tpu.memref_slice %arg6[%dma_start3A_47, %dma_start3A_48] : memref<128x16xi32, #tpu.memory_space<vmem>> -> memref<128x16xi32, #tpu.memory_space<vmem>>
      tpu.enqueue_dma source(%dma_start3A_49 : memref<128x16xi32, #tpu.memory_space<vmem>>) target(%dma_start3A_46 : memref<128x16xi32, #tpu.memory_space<vmem_shared>>) target_semaphore(%run_scoped3A : memref<!tpu.dma_semaphore, #tpu.memory_space<semaphore_mem>>)
      %dma_wait3A = arith.constant 0 : i32
      %dma_wait3A_50 = arith.constant 0 : i32
      %dma_wait3A_51 = tpu.memref_slice %arg6[%dma_wait3A, %dma_wait3A_50] : memref<128x16xi32, #tpu.memory_space<vmem>> -> memref<128x16xi32, #tpu.memory_space<vmem>>
      %dma_wait3A_52 = arith.constant 0 : i32
      %dma_wait3A_53 = tpu.memref_slice %arg7[%add3A_12, %dma_wait3A_52] : memref<10016x16xi32, #tpu.memory_space<vmem_shared>> -> memref<128x16xi32, #tpu.memory_space<vmem_shared>>
      %dma_wait3A_54 = arith.constant 0 : i32
      %dma_wait3A_55 = tpu.memref_slice %arg7[%add3A_12, %dma_wait3A_54] : memref<10016x16xi32, #tpu.memory_space<vmem_shared>> -> memref<128x16xi32, #tpu.memory_space<vmem_shared>>
      %dma_wait3A_56 = arith.constant 0 : i32
      %dma_wait3A_57 = arith.constant 0 : i32
      %dma_wait3A_58 = tpu.memref_slice %arg6[%dma_wait3A_56, %dma_wait3A_57] : memref<128x16xi32, #tpu.memory_space<vmem>> -> memref<128x16xi32, #tpu.memory_space<vmem>>
      tpu.wait_dma2 semaphore(%run_scoped3A : memref<!tpu.dma_semaphore, #tpu.memory_space<semaphore_mem>>) src(%dma_wait3A_58 : memref<128x16xi32, #tpu.memory_space<vmem>>) dst(%dma_wait3A_55 : memref<128x16xi32, #tpu.memory_space<vmem_shared>>)
      tpu.yield
    }) : () -> ()
    %mul3A_13 = arith.constant 626 : i32
    %mul3A_14 = arith.muli %arg1, %mul3A_13 : i32
    %add3A_15 = arith.constant 128 : i32
    %add3A_16 = arith.addi %mul3A_14, %add3A_15 : i32
    "tpu.region"() ({
      %run_scoped3A = tpu.sem_alloc : memref<!tpu.dma_semaphore, #tpu.memory_space<semaphore_mem>>
      %dma_start3A = arith.constant 0 : i32
      %dma_start3A_41 = arith.constant 0 : i32
      %dma_start3A_42 = tpu.memref_slice %arg6[%dma_start3A, %dma_start3A_41] : memref<128x16xi32, #tpu.memory_space<vmem>> -> memref<128x16xi32, #tpu.memory_space<vmem>>
      %dma_start3A_43 = arith.constant 0 : i32
      %dma_start3A_44 = tpu.memref_slice %arg7[%add3A_16, %dma_start3A_43] : memref<10016x16xi32, #tpu.memory_space<vmem_shared>> -> memref<128x16xi32, #tpu.memory_space<vmem_shared>>
      %dma_start3A_45 = arith.constant 0 : i32
      %dma_start3A_46 = tpu.memref_slice %arg7[%add3A_16, %dma_start3A_45] : memref<10016x16xi32, #tpu.memory_space<vmem_shared>> -> memref<128x16xi32, #tpu.memory_space<vmem_shared>>
      %dma_start3A_47 = arith.constant 0 : i32
      %dma_start3A_48 = arith.constant 0 : i32
      %dma_start3A_49 = tpu.memref_slice %arg6[%dma_start3A_47, %dma_start3A_48] : memref<128x16xi32, #tpu.memory_space<vmem>> -> memref<128x16xi32, #tpu.memory_space<vmem>>
      tpu.enqueue_dma source(%dma_start3A_49 : memref<128x16xi32, #tpu.memory_space<vmem>>) target(%dma_start3A_46 : memref<128x16xi32, #tpu.memory_space<vmem_shared>>) target_semaphore(%run_scoped3A : memref<!tpu.dma_semaphore, #tpu.memory_space<semaphore_mem>>)
      %dma_wait3A = arith.constant 0 : i32
      %dma_wait3A_50 = arith.constant 0 : i32
      %dma_wait3A_51 = tpu.memref_slice %arg6[%dma_wait3A, %dma_wait3A_50] : memref<128x16xi32, #tpu.memory_space<vmem>> -> memref<128x16xi32, #tpu.memory_space<vmem>>
      %dma_wait3A_52 = arith.constant 0 : i32
      %dma_wait3A_53 = tpu.memref_slice %arg7[%add3A_16, %dma_wait3A_52] : memref<10016x16xi32, #tpu.memory_space<vmem_shared>> -> memref<128x16xi32, #tpu.memory_space<vmem_shared>>
      %dma_wait3A_54 = arith.constant 0 : i32
      %dma_wait3A_55 = tpu.memref_slice %arg7[%add3A_16, %dma_wait3A_54] : memref<10016x16xi32, #tpu.memory_space<vmem_shared>> -> memref<128x16xi32, #tpu.memory_space<vmem_shared>>
      %dma_wait3A_56 = arith.constant 0 : i32
      %dma_wait3A_57 = arith.constant 0 : i32
      %dma_wait3A_58 = tpu.memref_slice %arg6[%dma_wait3A_56, %dma_wait3A_57] : memref<128x16xi32, #tpu.memory_space<vmem>> -> memref<128x16xi32, #tpu.memory_space<vmem>>
      tpu.wait_dma2 semaphore(%run_scoped3A : memref<!tpu.dma_semaphore, #tpu.memory_space<semaphore_mem>>) src(%dma_wait3A_58 : memref<128x16xi32, #tpu.memory_space<vmem>>) dst(%dma_wait3A_55 : memref<128x16xi32, #tpu.memory_space<vmem_shared>>)
      tpu.yield
    }) : () -> ()
    %mul3A_17 = arith.constant 626 : i32
    %mul3A_18 = arith.muli %arg1, %mul3A_17 : i32
    %add3A_19 = arith.constant 256 : i32
    %add3A_20 = arith.addi %mul3A_18, %add3A_19 : i32
    "tpu.region"() ({
      %run_scoped3A = tpu.sem_alloc : memref<!tpu.dma_semaphore, #tpu.memory_space<semaphore_mem>>
      %dma_start3A = arith.constant 0 : i32
      %dma_start3A_41 = arith.constant 0 : i32
      %dma_start3A_42 = tpu.memref_slice %arg6[%dma_start3A, %dma_start3A_41] : memref<128x16xi32, #tpu.memory_space<vmem>> -> memref<128x16xi32, #tpu.memory_space<vmem>>
      %dma_start3A_43 = arith.constant 0 : i32
      %dma_start3A_44 = tpu.memref_slice %arg7[%add3A_20, %dma_start3A_43] : memref<10016x16xi32, #tpu.memory_space<vmem_shared>> -> memref<128x16xi32, #tpu.memory_space<vmem_shared>>
      %dma_start3A_45 = arith.constant 0 : i32
      %dma_start3A_46 = tpu.memref_slice %arg7[%add3A_20, %dma_start3A_45] : memref<10016x16xi32, #tpu.memory_space<vmem_shared>> -> memref<128x16xi32, #tpu.memory_space<vmem_shared>>
      %dma_start3A_47 = arith.constant 0 : i32
      %dma_start3A_48 = arith.constant 0 : i32
      %dma_start3A_49 = tpu.memref_slice %arg6[%dma_start3A_47, %dma_start3A_48] : memref<128x16xi32, #tpu.memory_space<vmem>> -> memref<128x16xi32, #tpu.memory_space<vmem>>
      tpu.enqueue_dma source(%dma_start3A_49 : memref<128x16xi32, #tpu.memory_space<vmem>>) target(%dma_start3A_46 : memref<128x16xi32, #tpu.memory_space<vmem_shared>>) target_semaphore(%run_scoped3A : memref<!tpu.dma_semaphore, #tpu.memory_space<semaphore_mem>>)
      %dma_wait3A = arith.constant 0 : i32
      %dma_wait3A_50 = arith.constant 0 : i32
      %dma_wait3A_51 = tpu.memref_slice %arg6[%dma_wait3A, %dma_wait3A_50] : memref<128x16xi32, #tpu.memory_space<vmem>> -> memref<128x16xi32, #tpu.memory_space<vmem>>
      %dma_wait3A_52 = arith.constant 0 : i32
      %dma_wait3A_53 = tpu.memref_slice %arg7[%add3A_20, %dma_wait3A_52] : memref<10016x16xi32, #tpu.memory_space<vmem_shared>> -> memref<128x16xi32, #tpu.memory_space<vmem_shared>>
      %dma_wait3A_54 = arith.constant 0 : i32
      %dma_wait3A_55 = tpu.memref_slice %arg7[%add3A_20, %dma_wait3A_54] : memref<10016x16xi32, #tpu.memory_space<vmem_shared>> -> memref<128x16xi32, #tpu.memory_space<vmem_shared>>
      %dma_wait3A_56 = arith.constant 0 : i32
      %dma_wait3A_57 = arith.constant 0 : i32
      %dma_wait3A_58 = tpu.memref_slice %arg6[%dma_wait3A_56, %dma_wait3A_57] : memref<128x16xi32, #tpu.memory_space<vmem>> -> memref<128x16xi32, #tpu.memory_space<vmem>>
      tpu.wait_dma2 semaphore(%run_scoped3A : memref<!tpu.dma_semaphore, #tpu.memory_space<semaphore_mem>>) src(%dma_wait3A_58 : memref<128x16xi32, #tpu.memory_space<vmem>>) dst(%dma_wait3A_55 : memref<128x16xi32, #tpu.memory_space<vmem_shared>>)
      tpu.yield
    }) : () -> ()
    %mul3A_21 = arith.constant 626 : i32
    %mul3A_22 = arith.muli %arg1, %mul3A_21 : i32
    %add3A_23 = arith.constant 384 : i32
    %add3A_24 = arith.addi %mul3A_22, %add3A_23 : i32
    "tpu.region"() ({
      %run_scoped3A = tpu.sem_alloc : memref<!tpu.dma_semaphore, #tpu.memory_space<semaphore_mem>>
      %dma_start3A = arith.constant 0 : i32
      %dma_start3A_41 = arith.constant 0 : i32
      %dma_start3A_42 = tpu.memref_slice %arg6[%dma_start3A, %dma_start3A_41] : memref<128x16xi32, #tpu.memory_space<vmem>> -> memref<128x16xi32, #tpu.memory_space<vmem>>
      %dma_start3A_43 = arith.constant 0 : i32
      %dma_start3A_44 = tpu.memref_slice %arg7[%add3A_24, %dma_start3A_43] : memref<10016x16xi32, #tpu.memory_space<vmem_shared>> -> memref<128x16xi32, #tpu.memory_space<vmem_shared>>
      %dma_start3A_45 = arith.constant 0 : i32
      %dma_start3A_46 = tpu.memref_slice %arg7[%add3A_24, %dma_start3A_45] : memref<10016x16xi32, #tpu.memory_space<vmem_shared>> -> memref<128x16xi32, #tpu.memory_space<vmem_shared>>
      %dma_start3A_47 = arith.constant 0 : i32
      %dma_start3A_48 = arith.constant 0 : i32
      %dma_start3A_49 = tpu.memref_slice %arg6[%dma_start3A_47, %dma_start3A_48] : memref<128x16xi32, #tpu.memory_space<vmem>> -> memref<128x16xi32, #tpu.memory_space<vmem>>
      tpu.enqueue_dma source(%dma_start3A_49 : memref<128x16xi32, #tpu.memory_space<vmem>>) target(%dma_start3A_46 : memref<128x16xi32, #tpu.memory_space<vmem_shared>>) target_semaphore(%run_scoped3A : memref<!tpu.dma_semaphore, #tpu.memory_space<semaphore_mem>>)
      %dma_wait3A = arith.constant 0 : i32
      %dma_wait3A_50 = arith.constant 0 : i32
      %dma_wait3A_51 = tpu.memref_slice %arg6[%dma_wait3A, %dma_wait3A_50] : memref<128x16xi32, #tpu.memory_space<vmem>> -> memref<128x16xi32, #tpu.memory_space<vmem>>
      %dma_wait3A_52 = arith.constant 0 : i32
      %dma_wait3A_53 = tpu.memref_slice %arg7[%add3A_24, %dma_wait3A_52] : memref<10016x16xi32, #tpu.memory_space<vmem_shared>> -> memref<128x16xi32, #tpu.memory_space<vmem_shared>>
      %dma_wait3A_54 = arith.constant 0 : i32
      %dma_wait3A_55 = tpu.memref_slice %arg7[%add3A_24, %dma_wait3A_54] : memref<10016x16xi32, #tpu.memory_space<vmem_shared>> -> memref<128x16xi32, #tpu.memory_space<vmem_shared>>
      %dma_wait3A_56 = arith.constant 0 : i32
      %dma_wait3A_57 = arith.constant 0 : i32
      %dma_wait3A_58 = tpu.memref_slice %arg6[%dma_wait3A_56, %dma_wait3A_57] : memref<128x16xi32, #tpu.memory_space<vmem>> -> memref<128x16xi32, #tpu.memory_space<vmem>>
      tpu.wait_dma2 semaphore(%run_scoped3A : memref<!tpu.dma_semaphore, #tpu.memory_space<semaphore_mem>>) src(%dma_wait3A_58 : memref<128x16xi32, #tpu.memory_space<vmem>>) dst(%dma_wait3A_55 : memref<128x16xi32, #tpu.memory_space<vmem_shared>>)
      tpu.yield
    }) : () -> ()
    %mul3A_25 = arith.constant 626 : i32
    %mul3A_26 = arith.muli %arg1, %mul3A_25 : i32
    %add3A_27 = arith.constant 512 : i32
    %add3A_28 = arith.addi %mul3A_26, %add3A_27 : i32
    "tpu.region"() ({
      %run_scoped3A = tpu.sem_alloc : memref<!tpu.dma_semaphore, #tpu.memory_space<semaphore_mem>>
      %dma_start3A = arith.constant 0 : i32
      %dma_start3A_41 = arith.constant 0 : i32
      %dma_start3A_42 = tpu.memref_slice %arg6[%dma_start3A, %dma_start3A_41] : memref<128x16xi32, #tpu.memory_space<vmem>> -> memref<114x16xi32, #tpu.memory_space<vmem>>
      %dma_start3A_43 = arith.constant 0 : i32
      %dma_start3A_44 = tpu.memref_slice %arg7[%add3A_28, %dma_start3A_43] : memref<10016x16xi32, #tpu.memory_space<vmem_shared>> -> memref<114x16xi32, #tpu.memory_space<vmem_shared>>
      %dma_start3A_45 = arith.constant 0 : i32
      %dma_start3A_46 = tpu.memref_slice %arg7[%add3A_28, %dma_start3A_45] : memref<10016x16xi32, #tpu.memory_space<vmem_shared>> -> memref<114x16xi32, #tpu.memory_space<vmem_shared>>
      %dma_start3A_47 = arith.constant 0 : i32
      %dma_start3A_48 = arith.constant 0 : i32
      %dma_start3A_49 = tpu.memref_slice %arg6[%dma_start3A_47, %dma_start3A_48] : memref<128x16xi32, #tpu.memory_space<vmem>> -> memref<114x16xi32, #tpu.memory_space<vmem>>
      tpu.enqueue_dma source(%dma_start3A_49 : memref<114x16xi32, #tpu.memory_space<vmem>>) target(%dma_start3A_46 : memref<114x16xi32, #tpu.memory_space<vmem_shared>>) target_semaphore(%run_scoped3A : memref<!tpu.dma_semaphore, #tpu.memory_space<semaphore_mem>>)
      %dma_wait3A = arith.constant 0 : i32
      %dma_wait3A_50 = arith.constant 0 : i32
      %dma_wait3A_51 = tpu.memref_slice %arg6[%dma_wait3A, %dma_wait3A_50] : memref<128x16xi32, #tpu.memory_space<vmem>> -> memref<114x16xi32, #tpu.memory_space<vmem>>
      %dma_wait3A_52 = arith.constant 0 : i32
      %dma_wait3A_53 = tpu.memref_slice %arg7[%add3A_28, %dma_wait3A_52] : memref<10016x16xi32, #tpu.memory_space<vmem_shared>> -> memref<114x16xi32, #tpu.memory_space<vmem_shared>>
      %dma_wait3A_54 = arith.constant 0 : i32
      %dma_wait3A_55 = tpu.memref_slice %arg7[%add3A_28, %dma_wait3A_54] : memref<10016x16xi32, #tpu.memory_space<vmem_shared>> -> memref<114x16xi32, #tpu.memory_space<vmem_shared>>
      %dma_wait3A_56 = arith.constant 0 : i32
      %dma_wait3A_57 = arith.constant 0 : i32
      %dma_wait3A_58 = tpu.memref_slice %arg6[%dma_wait3A_56, %dma_wait3A_57] : memref<128x16xi32, #tpu.memory_space<vmem>> -> memref<114x16xi32, #tpu.memory_space<vmem>>
      tpu.wait_dma2 semaphore(%run_scoped3A : memref<!tpu.dma_semaphore, #tpu.memory_space<semaphore_mem>>) src(%dma_wait3A_58 : memref<114x16xi32, #tpu.memory_space<vmem>>) dst(%dma_wait3A_55 : memref<114x16xi32, #tpu.memory_space<vmem_shared>>)
      tpu.yield
    }) : () -> ()
    %barrier3A = arith.constant 0 : index
    tpu.barrier barrier_id(%barrier3A)
    %scan3A_29 = arith.constant 0 : i32
    %scan3A_30 = arith.constant 0 : i32
    %scan3A_31 = arith.constant 80 : i32
    %scan3A_32 = arith.addi %scan3A_30, %scan3A_31 : i32
    %scan3A_33 = arith.constant 1 : i32
    %scan3A_34 = scf.for %scan3A_41 = %scan3A_30 to %scan3A_32 step %scan3A_33 iter_args(%scan3A_42 = %scan3A_29) -> (i32)  : i32 {
      "tpu.region"() ({
        %run_scoped3A = tpu.sem_alloc : memref<!tpu.dma_semaphore, #tpu.memory_space<semaphore_mem>>
        %dma_start3A = arith.constant 0 : i32
        %dma_start3A_44 = tpu.memref_slice %arg4[%scan3A_41, %dma_start3A] : memref<80x128xi32, #tpu.memory_space<vmem>> -> memref<1x128xi32, #tpu.memory_space<vmem>>
        %dma_start3A_45 = tpu.memref_squeeze %dma_start3A_44 : memref<1x128xi32, #tpu.memory_space<vmem>> -> memref<128xi32, #tpu.memory_space<vmem>>
        %dma_start3A_46 = arith.constant 0 : i32
        %dma_start3A_47 = arith.constant 0 : i32
        %dma_start3A_48 = tpu.memref_slice %arg7[%dma_start3A_46, %dma_start3A_47] : memref<10016x16xi32, #tpu.memory_space<vmem_shared>> -> memref<10016x16xi32, #tpu.memory_space<vmem_shared>>
        tpu.enqueue_indirect_dma source(%arg5 : memref<128x16xi32, #tpu.memory_space<vmem>>) target(%dma_start3A_48 : memref<10016x16xi32, #tpu.memory_space<vmem_shared>>) offsets(%dma_start3A_45 : memref<128xi32, #tpu.memory_space<vmem>>) semaphore(%run_scoped3A : memref<!tpu.dma_semaphore, #tpu.memory_space<semaphore_mem>>) {add = true}
        %dma_wait3A = arith.constant 0 : i32
        %dma_wait3A_49 = tpu.memref_slice %arg4[%scan3A_41, %dma_wait3A] : memref<80x128xi32, #tpu.memory_space<vmem>> -> memref<1x128xi32, #tpu.memory_space<vmem>>
        %dma_wait3A_50 = tpu.memref_squeeze %dma_wait3A_49 : memref<1x128xi32, #tpu.memory_space<vmem>> -> memref<128xi32, #tpu.memory_space<vmem>>
        %dma_wait3A_51 = arith.constant 0 : i32
        %dma_wait3A_52 = arith.constant 0 : i32
        %dma_wait3A_53 = tpu.memref_slice %arg7[%dma_wait3A_51, %dma_wait3A_52] : memref<10016x16xi32, #tpu.memory_space<vmem_shared>> -> memref<10016x16xi32, #tpu.memory_space<vmem_shared>>
        tpu.wait_indirect_dma semaphore(%run_scoped3A : memref<!tpu.dma_semaphore, #tpu.memory_space<semaphore_mem>>) src(%arg5 : memref<128x16xi32, #tpu.memory_space<vmem>>) dst(%dma_wait3A_53 : memref<10016x16xi32, #tpu.memory_space<vmem_shared>>)
        tpu.yield
      }) : () -> ()
      %scan3A_43 = arith.constant 0 : i32
      scf.yield %scan3A_43 : i32
    }
    %scan3A_35 = arith.constant 80 : i32
    %barrier3A_36 = arith.constant 0 : index
    tpu.barrier barrier_id(%barrier3A_36)
    %mul3A_37 = arith.constant 626 : i32
    %mul3A_38 = arith.muli %arg1, %mul3A_37 : i32
    %mul3A_39 = arith.constant 626 : i32
    %mul3A_40 = arith.muli %arg1, %mul3A_39 : i32
    "tpu.region"() ({
      %run_scoped3A = tpu.sem_alloc : memref<!tpu.dma_semaphore, #tpu.memory_space<semaphore_mem>>
      %dma_start3A = arith.constant 0 : i32
      %dma_start3A_41 = tpu.memref_slice %arg3[%arg0, %mul3A_40, %dma_start3A] : memref<2x10016x16xi32, #tpu.memory_space<hbm>> -> memref<1x626x16xi32, #tpu.memory_space<hbm>>
      %dma_start3A_42 = tpu.memref_squeeze %dma_start3A_41 : memref<1x626x16xi32, #tpu.memory_space<hbm>> -> memref<626x16xi32, #tpu.memory_space<hbm>>
      %dma_start3A_43 = arith.constant 0 : i32
      %dma_start3A_44 = tpu.memref_slice %arg7[%mul3A_38, %dma_start3A_43] : memref<10016x16xi32, #tpu.memory_space<vmem_shared>> -> memref<626x16xi32, #tpu.memory_space<vmem_shared>>
      tpu.enqueue_dma source(%dma_start3A_44 : memref<626x16xi32, #tpu.memory_space<vmem_shared>>) target(%dma_start3A_42 : memref<626x16xi32, #tpu.memory_space<hbm>>) target_semaphore(%run_scoped3A : memref<!tpu.dma_semaphore, #tpu.memory_space<semaphore_mem>>)
      %dma_wait3A = arith.constant 0 : i32
      %dma_wait3A_45 = tpu.memref_slice %arg3[%arg0, %mul3A_40, %dma_wait3A] : memref<2x10016x16xi32, #tpu.memory_space<hbm>> -> memref<1x626x16xi32, #tpu.memory_space<hbm>>
      %dma_wait3A_46 = tpu.memref_squeeze %dma_wait3A_45 : memref<1x626x16xi32, #tpu.memory_space<hbm>> -> memref<626x16xi32, #tpu.memory_space<hbm>>
      %dma_wait3A_47 = arith.constant 0 : i32
      %dma_wait3A_48 = tpu.memref_slice %arg7[%mul3A_38, %dma_wait3A_47] : memref<10016x16xi32, #tpu.memory_space<vmem_shared>> -> memref<626x16xi32, #tpu.memory_space<vmem_shared>>
      tpu.wait_dma2 semaphore(%run_scoped3A : memref<!tpu.dma_semaphore, #tpu.memory_space<semaphore_mem>>) src(%dma_wait3A_48 : memref<626x16xi32, #tpu.memory_space<vmem_shared>>) dst(%dma_wait3A_46 : memref<626x16xi32, #tpu.memory_space<hbm>>)
      tpu.yield
    }) : () -> ()
    return
  }
}

#map = affine_map<(d0, d1) -> (0, 0)>
#map1 = affine_map<(d0, d1) -> (0, 0, 0, 0)>
#map2 = affine_map<(d0, d1) -> (0, 0, 0)>
module attributes {stable_mosaic.version = 14 : i64} {
  func.func @sc_agg(%arg0: i32, %arg1: i32, %arg2: memref<20000x64xf32, #tpu.memory_space<hbm>>, %arg3: memref<2x16x160x128xi32, #tpu.memory_space<hbm>>, %arg4: memref<16x160x128xi32, #tpu.memory_space<hbm>>, %arg5: memref<2x10016x64xf32, #tpu.memory_space<hbm>>, %arg6: memref<160x128xi32, #tpu.memory_space<vmem>>, %arg7: memref<160x128xi32, #tpu.memory_space<vmem>>, %arg8: memref<128x64xf32, #tpu.memory_space<vmem>>, %arg9: memref<128x64xf32, #tpu.memory_space<vmem>>, %arg10: memref<128x64xf32, #tpu.memory_space<vmem>>, %arg11: memref<128x64xf32, #tpu.memory_space<vmem>>, %arg12: memref<128x64xf32, #tpu.memory_space<vmem>>, %arg13: memref<10016x64xf32, #tpu.memory_space<vmem_shared>>, %arg14: memref<!tpu.dma_semaphore, #tpu.memory_space<semaphore_mem>>, %arg15: memref<!tpu.dma_semaphore, #tpu.memory_space<semaphore_mem>>, %arg16: memref<!tpu.dma_semaphore, #tpu.memory_space<semaphore_mem>>, %arg17: memref<!tpu.dma_semaphore, #tpu.memory_space<semaphore_mem>>, %arg18: memref<!tpu.dma_semaphore, #tpu.memory_space<semaphore_mem>>, %arg19: memref<!tpu.dma_semaphore, #tpu.memory_space<semaphore_mem>>, %arg20: memref<!tpu.dma_semaphore, #tpu.memory_space<semaphore_mem>>, %arg21: memref<!tpu.dma_semaphore, #tpu.memory_space<semaphore_mem>>, %arg22: memref<!tpu.dma_semaphore, #tpu.memory_space<semaphore_mem>>, %arg23: memref<!tpu.dma_semaphore, #tpu.memory_space<semaphore_mem>>) attributes {dimension_semantics = [#tpu.dimension_semantics<core_parallel>, #tpu.dimension_semantics<subcore_parallel>], iteration_bounds = array<i64: 2, 16>, scalar_prefetch = 0 : i64, scratch_operands = 18 : i64, tpu.core_type = #tpu.core_type<sc_vector_subcore>, window_params = [{transform_indices = #map}, {transform_indices = #map1}, {transform_indices = #map2}, {transform_indices = #map2}]} {
    "tpu.region"() ({
      %run_scoped3A = tpu.sem_alloc : memref<!tpu.dma_semaphore, #tpu.memory_space<semaphore_mem>>
      %dma_start3A_70 = arith.constant 0 : i32
      %dma_start3A_71 = arith.constant 0 : i32
      %dma_start3A_72 = tpu.memref_slice %arg3[%arg0, %arg1, %dma_start3A_70, %dma_start3A_71] : memref<2x16x160x128xi32, #tpu.memory_space<hbm>> -> memref<1x1x160x128xi32, #tpu.memory_space<hbm>>
      %dma_start3A_73 = tpu.memref_squeeze %dma_start3A_72 : memref<1x1x160x128xi32, #tpu.memory_space<hbm>> -> memref<160x128xi32, #tpu.memory_space<hbm>>
      %dma_start3A_74 = arith.constant 0 : i32
      %dma_start3A_75 = arith.constant 0 : i32
      %dma_start3A_76 = tpu.memref_slice %arg3[%arg0, %arg1, %dma_start3A_74, %dma_start3A_75] : memref<2x16x160x128xi32, #tpu.memory_space<hbm>> -> memref<1x1x160x128xi32, #tpu.memory_space<hbm>>
      %dma_start3A_77 = tpu.memref_squeeze %dma_start3A_76 : memref<1x1x160x128xi32, #tpu.memory_space<hbm>> -> memref<160x128xi32, #tpu.memory_space<hbm>>
      tpu.enqueue_dma source(%dma_start3A_77 : memref<160x128xi32, #tpu.memory_space<hbm>>) target(%arg6 : memref<160x128xi32, #tpu.memory_space<vmem>>) target_semaphore(%run_scoped3A : memref<!tpu.dma_semaphore, #tpu.memory_space<semaphore_mem>>)
      %dma_wait3A_78 = arith.constant 0 : i32
      %dma_wait3A_79 = arith.constant 0 : i32
      %dma_wait3A_80 = tpu.memref_slice %arg3[%arg0, %arg1, %dma_wait3A_78, %dma_wait3A_79] : memref<2x16x160x128xi32, #tpu.memory_space<hbm>> -> memref<1x1x160x128xi32, #tpu.memory_space<hbm>>
      %dma_wait3A_81 = tpu.memref_squeeze %dma_wait3A_80 : memref<1x1x160x128xi32, #tpu.memory_space<hbm>> -> memref<160x128xi32, #tpu.memory_space<hbm>>
      %dma_wait3A_82 = arith.constant 0 : i32
      %dma_wait3A_83 = arith.constant 0 : i32
      %dma_wait3A_84 = tpu.memref_slice %arg3[%arg0, %arg1, %dma_wait3A_82, %dma_wait3A_83] : memref<2x16x160x128xi32, #tpu.memory_space<hbm>> -> memref<1x1x160x128xi32, #tpu.memory_space<hbm>>
      %dma_wait3A_85 = tpu.memref_squeeze %dma_wait3A_84 : memref<1x1x160x128xi32, #tpu.memory_space<hbm>> -> memref<160x128xi32, #tpu.memory_space<hbm>>
      tpu.wait_dma2 semaphore(%run_scoped3A : memref<!tpu.dma_semaphore, #tpu.memory_space<semaphore_mem>>) src(%dma_wait3A_85 : memref<160x128xi32, #tpu.memory_space<hbm>>) dst(%arg6 : memref<160x128xi32, #tpu.memory_space<vmem>>)
      tpu.yield
    }) : () -> ()
    "tpu.region"() ({
      %run_scoped3A = tpu.sem_alloc : memref<!tpu.dma_semaphore, #tpu.memory_space<semaphore_mem>>
      %dma_start3A_70 = arith.constant 0 : i32
      %dma_start3A_71 = arith.constant 0 : i32
      %dma_start3A_72 = tpu.memref_slice %arg4[%arg1, %dma_start3A_70, %dma_start3A_71] : memref<16x160x128xi32, #tpu.memory_space<hbm>> -> memref<1x160x128xi32, #tpu.memory_space<hbm>>
      %dma_start3A_73 = tpu.memref_squeeze %dma_start3A_72 : memref<1x160x128xi32, #tpu.memory_space<hbm>> -> memref<160x128xi32, #tpu.memory_space<hbm>>
      %dma_start3A_74 = arith.constant 0 : i32
      %dma_start3A_75 = arith.constant 0 : i32
      %dma_start3A_76 = tpu.memref_slice %arg4[%arg1, %dma_start3A_74, %dma_start3A_75] : memref<16x160x128xi32, #tpu.memory_space<hbm>> -> memref<1x160x128xi32, #tpu.memory_space<hbm>>
      %dma_start3A_77 = tpu.memref_squeeze %dma_start3A_76 : memref<1x160x128xi32, #tpu.memory_space<hbm>> -> memref<160x128xi32, #tpu.memory_space<hbm>>
      tpu.enqueue_dma source(%dma_start3A_77 : memref<160x128xi32, #tpu.memory_space<hbm>>) target(%arg7 : memref<160x128xi32, #tpu.memory_space<vmem>>) target_semaphore(%run_scoped3A : memref<!tpu.dma_semaphore, #tpu.memory_space<semaphore_mem>>)
      %dma_wait3A_78 = arith.constant 0 : i32
      %dma_wait3A_79 = arith.constant 0 : i32
      %dma_wait3A_80 = tpu.memref_slice %arg4[%arg1, %dma_wait3A_78, %dma_wait3A_79] : memref<16x160x128xi32, #tpu.memory_space<hbm>> -> memref<1x160x128xi32, #tpu.memory_space<hbm>>
      %dma_wait3A_81 = tpu.memref_squeeze %dma_wait3A_80 : memref<1x160x128xi32, #tpu.memory_space<hbm>> -> memref<160x128xi32, #tpu.memory_space<hbm>>
      %dma_wait3A_82 = arith.constant 0 : i32
      %dma_wait3A_83 = arith.constant 0 : i32
      %dma_wait3A_84 = tpu.memref_slice %arg4[%arg1, %dma_wait3A_82, %dma_wait3A_83] : memref<16x160x128xi32, #tpu.memory_space<hbm>> -> memref<1x160x128xi32, #tpu.memory_space<hbm>>
      %dma_wait3A_85 = tpu.memref_squeeze %dma_wait3A_84 : memref<1x160x128xi32, #tpu.memory_space<hbm>> -> memref<160x128xi32, #tpu.memory_space<hbm>>
      tpu.wait_dma2 semaphore(%run_scoped3A : memref<!tpu.dma_semaphore, #tpu.memory_space<semaphore_mem>>) src(%dma_wait3A_85 : memref<160x128xi32, #tpu.memory_space<hbm>>) dst(%arg7 : memref<160x128xi32, #tpu.memory_space<vmem>>)
      tpu.yield
    }) : () -> ()
    %broadcast_in_dim3A = arith.constant 0.000000e+00 : f32
    %broadcast_in_dim3A_0 = vector.broadcast %broadcast_in_dim3A : f32 to vector<16xf32>
    %scan3A = arith.constant 0 : i32
    %scan3A_1 = arith.constant 0 : i32
    %scan3A_2 = arith.constant 128 : i32
    %scan3A_3 = arith.addi %scan3A_1, %scan3A_2 : i32
    %scan3A_4 = arith.constant 1 : i32
    %scan3A_5 = scf.for %scan3A_70 = %scan3A_1 to %scan3A_3 step %scan3A_4 iter_args(%scan3A_71 = %scan3A) -> (i32)  : i32 {
      %swap3A = arith.index_cast %scan3A_70 : i32 to index
      %swap3A_72 = arith.constant 0 : index
      %swap3A_73 = tpu.vector_load %arg8[%swap3A, %swap3A_72] {strides = array<i32>} : memref<128x64xf32, #tpu.memory_space<vmem>>, vector<1x16xf32>,
      %swap3A_74 = vector.shape_cast %swap3A_73 : vector<1x16xf32> to vector<16xf32>
      %swap3A_75 = vector.shape_cast %broadcast_in_dim3A_0 : vector<16xf32> to vector<1x16xf32>
      tpu.vector_store %arg8[%swap3A, %swap3A_72], %swap3A_75 {strides = array<i32>} : memref<128x64xf32, #tpu.memory_space<vmem>>, vector<1x16xf32>,
      %swap3A_76 = arith.index_cast %scan3A_70 : i32 to index
      %swap3A_77 = arith.constant 16 : index
      %swap3A_78 = tpu.vector_load %arg8[%swap3A_76, %swap3A_77] {strides = array<i32>} : memref<128x64xf32, #tpu.memory_space<vmem>>, vector<1x16xf32>,
      %swap3A_79 = vector.shape_cast %swap3A_78 : vector<1x16xf32> to vector<16xf32>
      %swap3A_80 = vector.shape_cast %broadcast_in_dim3A_0 : vector<16xf32> to vector<1x16xf32>
      tpu.vector_store %arg8[%swap3A_76, %swap3A_77], %swap3A_80 {strides = array<i32>} : memref<128x64xf32, #tpu.memory_space<vmem>>, vector<1x16xf32>,
      %swap3A_81 = arith.index_cast %scan3A_70 : i32 to index
      %swap3A_82 = arith.constant 32 : index
      %swap3A_83 = tpu.vector_load %arg8[%swap3A_81, %swap3A_82] {strides = array<i32>} : memref<128x64xf32, #tpu.memory_space<vmem>>, vector<1x16xf32>,
      %swap3A_84 = vector.shape_cast %swap3A_83 : vector<1x16xf32> to vector<16xf32>
      %swap3A_85 = vector.shape_cast %broadcast_in_dim3A_0 : vector<16xf32> to vector<1x16xf32>
      tpu.vector_store %arg8[%swap3A_81, %swap3A_82], %swap3A_85 {strides = array<i32>} : memref<128x64xf32, #tpu.memory_space<vmem>>, vector<1x16xf32>,
      %swap3A_86 = arith.index_cast %scan3A_70 : i32 to index
      %swap3A_87 = arith.constant 48 : index
      %swap3A_88 = tpu.vector_load %arg8[%swap3A_86, %swap3A_87] {strides = array<i32>} : memref<128x64xf32, #tpu.memory_space<vmem>>, vector<1x16xf32>,
      %swap3A_89 = vector.shape_cast %swap3A_88 : vector<1x16xf32> to vector<16xf32>
      %swap3A_90 = vector.shape_cast %broadcast_in_dim3A_0 : vector<16xf32> to vector<1x16xf32>
      tpu.vector_store %arg8[%swap3A_86, %swap3A_87], %swap3A_90 {strides = array<i32>} : memref<128x64xf32, #tpu.memory_space<vmem>>, vector<1x16xf32>,
      %scan3A_91 = arith.constant 0 : i32
      scf.yield %scan3A_91 : i32
    }
    %scan3A_6 = arith.constant 128 : i32
    %mul3A = arith.constant 626 : i32
    %mul3A_7 = arith.muli %arg1, %mul3A : i32
    %add3A = arith.constant 0 : i32
    %add3A_8 = arith.addi %mul3A_7, %add3A : i32
    "tpu.region"() ({
      %run_scoped3A = tpu.sem_alloc : memref<!tpu.dma_semaphore, #tpu.memory_space<semaphore_mem>>
      %dma_start3A_70 = arith.constant 0 : i32
      %dma_start3A_71 = arith.constant 0 : i32
      %dma_start3A_72 = tpu.memref_slice %arg8[%dma_start3A_70, %dma_start3A_71] : memref<128x64xf32, #tpu.memory_space<vmem>> -> memref<128x64xf32, #tpu.memory_space<vmem>>
      %dma_start3A_73 = arith.constant 0 : i32
      %dma_start3A_74 = tpu.memref_slice %arg13[%add3A_8, %dma_start3A_73] : memref<10016x64xf32, #tpu.memory_space<vmem_shared>> -> memref<128x64xf32, #tpu.memory_space<vmem_shared>>
      %dma_start3A_75 = arith.constant 0 : i32
      %dma_start3A_76 = tpu.memref_slice %arg13[%add3A_8, %dma_start3A_75] : memref<10016x64xf32, #tpu.memory_space<vmem_shared>> -> memref<128x64xf32, #tpu.memory_space<vmem_shared>>
      %dma_start3A_77 = arith.constant 0 : i32
      %dma_start3A_78 = arith.constant 0 : i32
      %dma_start3A_79 = tpu.memref_slice %arg8[%dma_start3A_77, %dma_start3A_78] : memref<128x64xf32, #tpu.memory_space<vmem>> -> memref<128x64xf32, #tpu.memory_space<vmem>>
      tpu.enqueue_dma source(%dma_start3A_79 : memref<128x64xf32, #tpu.memory_space<vmem>>) target(%dma_start3A_76 : memref<128x64xf32, #tpu.memory_space<vmem_shared>>) target_semaphore(%run_scoped3A : memref<!tpu.dma_semaphore, #tpu.memory_space<semaphore_mem>>)
      %dma_wait3A_80 = arith.constant 0 : i32
      %dma_wait3A_81 = arith.constant 0 : i32
      %dma_wait3A_82 = tpu.memref_slice %arg8[%dma_wait3A_80, %dma_wait3A_81] : memref<128x64xf32, #tpu.memory_space<vmem>> -> memref<128x64xf32, #tpu.memory_space<vmem>>
      %dma_wait3A_83 = arith.constant 0 : i32
      %dma_wait3A_84 = tpu.memref_slice %arg13[%add3A_8, %dma_wait3A_83] : memref<10016x64xf32, #tpu.memory_space<vmem_shared>> -> memref<128x64xf32, #tpu.memory_space<vmem_shared>>
      %dma_wait3A_85 = arith.constant 0 : i32
      %dma_wait3A_86 = tpu.memref_slice %arg13[%add3A_8, %dma_wait3A_85] : memref<10016x64xf32, #tpu.memory_space<vmem_shared>> -> memref<128x64xf32, #tpu.memory_space<vmem_shared>>
      %dma_wait3A_87 = arith.constant 0 : i32
      %dma_wait3A_88 = arith.constant 0 : i32
      %dma_wait3A_89 = tpu.memref_slice %arg8[%dma_wait3A_87, %dma_wait3A_88] : memref<128x64xf32, #tpu.memory_space<vmem>> -> memref<128x64xf32, #tpu.memory_space<vmem>>
      tpu.wait_dma2 semaphore(%run_scoped3A : memref<!tpu.dma_semaphore, #tpu.memory_space<semaphore_mem>>) src(%dma_wait3A_89 : memref<128x64xf32, #tpu.memory_space<vmem>>) dst(%dma_wait3A_86 : memref<128x64xf32, #tpu.memory_space<vmem_shared>>)
      tpu.yield
    }) : () -> ()
    %mul3A_9 = arith.constant 626 : i32
    %mul3A_10 = arith.muli %arg1, %mul3A_9 : i32
    %add3A_11 = arith.constant 128 : i32
    %add3A_12 = arith.addi %mul3A_10, %add3A_11 : i32
    "tpu.region"() ({
      %run_scoped3A = tpu.sem_alloc : memref<!tpu.dma_semaphore, #tpu.memory_space<semaphore_mem>>
      %dma_start3A_70 = arith.constant 0 : i32
      %dma_start3A_71 = arith.constant 0 : i32
      %dma_start3A_72 = tpu.memref_slice %arg8[%dma_start3A_70, %dma_start3A_71] : memref<128x64xf32, #tpu.memory_space<vmem>> -> memref<128x64xf32, #tpu.memory_space<vmem>>
      %dma_start3A_73 = arith.constant 0 : i32
      %dma_start3A_74 = tpu.memref_slice %arg13[%add3A_12, %dma_start3A_73] : memref<10016x64xf32, #tpu.memory_space<vmem_shared>> -> memref<128x64xf32, #tpu.memory_space<vmem_shared>>
      %dma_start3A_75 = arith.constant 0 : i32
      %dma_start3A_76 = tpu.memref_slice %arg13[%add3A_12, %dma_start3A_75] : memref<10016x64xf32, #tpu.memory_space<vmem_shared>> -> memref<128x64xf32, #tpu.memory_space<vmem_shared>>
      %dma_start3A_77 = arith.constant 0 : i32
      %dma_start3A_78 = arith.constant 0 : i32
      %dma_start3A_79 = tpu.memref_slice %arg8[%dma_start3A_77, %dma_start3A_78] : memref<128x64xf32, #tpu.memory_space<vmem>> -> memref<128x64xf32, #tpu.memory_space<vmem>>
      tpu.enqueue_dma source(%dma_start3A_79 : memref<128x64xf32, #tpu.memory_space<vmem>>) target(%dma_start3A_76 : memref<128x64xf32, #tpu.memory_space<vmem_shared>>) target_semaphore(%run_scoped3A : memref<!tpu.dma_semaphore, #tpu.memory_space<semaphore_mem>>)
      %dma_wait3A_80 = arith.constant 0 : i32
      %dma_wait3A_81 = arith.constant 0 : i32
      %dma_wait3A_82 = tpu.memref_slice %arg8[%dma_wait3A_80, %dma_wait3A_81] : memref<128x64xf32, #tpu.memory_space<vmem>> -> memref<128x64xf32, #tpu.memory_space<vmem>>
      %dma_wait3A_83 = arith.constant 0 : i32
      %dma_wait3A_84 = tpu.memref_slice %arg13[%add3A_12, %dma_wait3A_83] : memref<10016x64xf32, #tpu.memory_space<vmem_shared>> -> memref<128x64xf32, #tpu.memory_space<vmem_shared>>
      %dma_wait3A_85 = arith.constant 0 : i32
      %dma_wait3A_86 = tpu.memref_slice %arg13[%add3A_12, %dma_wait3A_85] : memref<10016x64xf32, #tpu.memory_space<vmem_shared>> -> memref<128x64xf32, #tpu.memory_space<vmem_shared>>
      %dma_wait3A_87 = arith.constant 0 : i32
      %dma_wait3A_88 = arith.constant 0 : i32
      %dma_wait3A_89 = tpu.memref_slice %arg8[%dma_wait3A_87, %dma_wait3A_88] : memref<128x64xf32, #tpu.memory_space<vmem>> -> memref<128x64xf32, #tpu.memory_space<vmem>>
      tpu.wait_dma2 semaphore(%run_scoped3A : memref<!tpu.dma_semaphore, #tpu.memory_space<semaphore_mem>>) src(%dma_wait3A_89 : memref<128x64xf32, #tpu.memory_space<vmem>>) dst(%dma_wait3A_86 : memref<128x64xf32, #tpu.memory_space<vmem_shared>>)
      tpu.yield
    }) : () -> ()
    %mul3A_13 = arith.constant 626 : i32
    %mul3A_14 = arith.muli %arg1, %mul3A_13 : i32
    %add3A_15 = arith.constant 256 : i32
    %add3A_16 = arith.addi %mul3A_14, %add3A_15 : i32
    "tpu.region"() ({
      %run_scoped3A = tpu.sem_alloc : memref<!tpu.dma_semaphore, #tpu.memory_space<semaphore_mem>>
      %dma_start3A_70 = arith.constant 0 : i32
      %dma_start3A_71 = arith.constant 0 : i32
      %dma_start3A_72 = tpu.memref_slice %arg8[%dma_start3A_70, %dma_start3A_71] : memref<128x64xf32, #tpu.memory_space<vmem>> -> memref<128x64xf32, #tpu.memory_space<vmem>>
      %dma_start3A_73 = arith.constant 0 : i32
      %dma_start3A_74 = tpu.memref_slice %arg13[%add3A_16, %dma_start3A_73] : memref<10016x64xf32, #tpu.memory_space<vmem_shared>> -> memref<128x64xf32, #tpu.memory_space<vmem_shared>>
      %dma_start3A_75 = arith.constant 0 : i32
      %dma_start3A_76 = tpu.memref_slice %arg13[%add3A_16, %dma_start3A_75] : memref<10016x64xf32, #tpu.memory_space<vmem_shared>> -> memref<128x64xf32, #tpu.memory_space<vmem_shared>>
      %dma_start3A_77 = arith.constant 0 : i32
      %dma_start3A_78 = arith.constant 0 : i32
      %dma_start3A_79 = tpu.memref_slice %arg8[%dma_start3A_77, %dma_start3A_78] : memref<128x64xf32, #tpu.memory_space<vmem>> -> memref<128x64xf32, #tpu.memory_space<vmem>>
      tpu.enqueue_dma source(%dma_start3A_79 : memref<128x64xf32, #tpu.memory_space<vmem>>) target(%dma_start3A_76 : memref<128x64xf32, #tpu.memory_space<vmem_shared>>) target_semaphore(%run_scoped3A : memref<!tpu.dma_semaphore, #tpu.memory_space<semaphore_mem>>)
      %dma_wait3A_80 = arith.constant 0 : i32
      %dma_wait3A_81 = arith.constant 0 : i32
      %dma_wait3A_82 = tpu.memref_slice %arg8[%dma_wait3A_80, %dma_wait3A_81] : memref<128x64xf32, #tpu.memory_space<vmem>> -> memref<128x64xf32, #tpu.memory_space<vmem>>
      %dma_wait3A_83 = arith.constant 0 : i32
      %dma_wait3A_84 = tpu.memref_slice %arg13[%add3A_16, %dma_wait3A_83] : memref<10016x64xf32, #tpu.memory_space<vmem_shared>> -> memref<128x64xf32, #tpu.memory_space<vmem_shared>>
      %dma_wait3A_85 = arith.constant 0 : i32
      %dma_wait3A_86 = tpu.memref_slice %arg13[%add3A_16, %dma_wait3A_85] : memref<10016x64xf32, #tpu.memory_space<vmem_shared>> -> memref<128x64xf32, #tpu.memory_space<vmem_shared>>
      %dma_wait3A_87 = arith.constant 0 : i32
      %dma_wait3A_88 = arith.constant 0 : i32
      %dma_wait3A_89 = tpu.memref_slice %arg8[%dma_wait3A_87, %dma_wait3A_88] : memref<128x64xf32, #tpu.memory_space<vmem>> -> memref<128x64xf32, #tpu.memory_space<vmem>>
      tpu.wait_dma2 semaphore(%run_scoped3A : memref<!tpu.dma_semaphore, #tpu.memory_space<semaphore_mem>>) src(%dma_wait3A_89 : memref<128x64xf32, #tpu.memory_space<vmem>>) dst(%dma_wait3A_86 : memref<128x64xf32, #tpu.memory_space<vmem_shared>>)
      tpu.yield
    }) : () -> ()
    %mul3A_17 = arith.constant 626 : i32
    %mul3A_18 = arith.muli %arg1, %mul3A_17 : i32
    %add3A_19 = arith.constant 384 : i32
    %add3A_20 = arith.addi %mul3A_18, %add3A_19 : i32
    "tpu.region"() ({
      %run_scoped3A = tpu.sem_alloc : memref<!tpu.dma_semaphore, #tpu.memory_space<semaphore_mem>>
      %dma_start3A_70 = arith.constant 0 : i32
      %dma_start3A_71 = arith.constant 0 : i32
      %dma_start3A_72 = tpu.memref_slice %arg8[%dma_start3A_70, %dma_start3A_71] : memref<128x64xf32, #tpu.memory_space<vmem>> -> memref<128x64xf32, #tpu.memory_space<vmem>>
      %dma_start3A_73 = arith.constant 0 : i32
      %dma_start3A_74 = tpu.memref_slice %arg13[%add3A_20, %dma_start3A_73] : memref<10016x64xf32, #tpu.memory_space<vmem_shared>> -> memref<128x64xf32, #tpu.memory_space<vmem_shared>>
      %dma_start3A_75 = arith.constant 0 : i32
      %dma_start3A_76 = tpu.memref_slice %arg13[%add3A_20, %dma_start3A_75] : memref<10016x64xf32, #tpu.memory_space<vmem_shared>> -> memref<128x64xf32, #tpu.memory_space<vmem_shared>>
      %dma_start3A_77 = arith.constant 0 : i32
      %dma_start3A_78 = arith.constant 0 : i32
      %dma_start3A_79 = tpu.memref_slice %arg8[%dma_start3A_77, %dma_start3A_78] : memref<128x64xf32, #tpu.memory_space<vmem>> -> memref<128x64xf32, #tpu.memory_space<vmem>>
      tpu.enqueue_dma source(%dma_start3A_79 : memref<128x64xf32, #tpu.memory_space<vmem>>) target(%dma_start3A_76 : memref<128x64xf32, #tpu.memory_space<vmem_shared>>) target_semaphore(%run_scoped3A : memref<!tpu.dma_semaphore, #tpu.memory_space<semaphore_mem>>)
      %dma_wait3A_80 = arith.constant 0 : i32
      %dma_wait3A_81 = arith.constant 0 : i32
      %dma_wait3A_82 = tpu.memref_slice %arg8[%dma_wait3A_80, %dma_wait3A_81] : memref<128x64xf32, #tpu.memory_space<vmem>> -> memref<128x64xf32, #tpu.memory_space<vmem>>
      %dma_wait3A_83 = arith.constant 0 : i32
      %dma_wait3A_84 = tpu.memref_slice %arg13[%add3A_20, %dma_wait3A_83] : memref<10016x64xf32, #tpu.memory_space<vmem_shared>> -> memref<128x64xf32, #tpu.memory_space<vmem_shared>>
      %dma_wait3A_85 = arith.constant 0 : i32
      %dma_wait3A_86 = tpu.memref_slice %arg13[%add3A_20, %dma_wait3A_85] : memref<10016x64xf32, #tpu.memory_space<vmem_shared>> -> memref<128x64xf32, #tpu.memory_space<vmem_shared>>
      %dma_wait3A_87 = arith.constant 0 : i32
      %dma_wait3A_88 = arith.constant 0 : i32
      %dma_wait3A_89 = tpu.memref_slice %arg8[%dma_wait3A_87, %dma_wait3A_88] : memref<128x64xf32, #tpu.memory_space<vmem>> -> memref<128x64xf32, #tpu.memory_space<vmem>>
      tpu.wait_dma2 semaphore(%run_scoped3A : memref<!tpu.dma_semaphore, #tpu.memory_space<semaphore_mem>>) src(%dma_wait3A_89 : memref<128x64xf32, #tpu.memory_space<vmem>>) dst(%dma_wait3A_86 : memref<128x64xf32, #tpu.memory_space<vmem_shared>>)
      tpu.yield
    }) : () -> ()
    %mul3A_21 = arith.constant 626 : i32
    %mul3A_22 = arith.muli %arg1, %mul3A_21 : i32
    %add3A_23 = arith.constant 512 : i32
    %add3A_24 = arith.addi %mul3A_22, %add3A_23 : i32
    "tpu.region"() ({
      %run_scoped3A = tpu.sem_alloc : memref<!tpu.dma_semaphore, #tpu.memory_space<semaphore_mem>>
      %dma_start3A_70 = arith.constant 0 : i32
      %dma_start3A_71 = arith.constant 0 : i32
      %dma_start3A_72 = tpu.memref_slice %arg8[%dma_start3A_70, %dma_start3A_71] : memref<128x64xf32, #tpu.memory_space<vmem>> -> memref<114x64xf32, #tpu.memory_space<vmem>>
      %dma_start3A_73 = arith.constant 0 : i32
      %dma_start3A_74 = tpu.memref_slice %arg13[%add3A_24, %dma_start3A_73] : memref<10016x64xf32, #tpu.memory_space<vmem_shared>> -> memref<114x64xf32, #tpu.memory_space<vmem_shared>>
      %dma_start3A_75 = arith.constant 0 : i32
      %dma_start3A_76 = tpu.memref_slice %arg13[%add3A_24, %dma_start3A_75] : memref<10016x64xf32, #tpu.memory_space<vmem_shared>> -> memref<114x64xf32, #tpu.memory_space<vmem_shared>>
      %dma_start3A_77 = arith.constant 0 : i32
      %dma_start3A_78 = arith.constant 0 : i32
      %dma_start3A_79 = tpu.memref_slice %arg8[%dma_start3A_77, %dma_start3A_78] : memref<128x64xf32, #tpu.memory_space<vmem>> -> memref<114x64xf32, #tpu.memory_space<vmem>>
      tpu.enqueue_dma source(%dma_start3A_79 : memref<114x64xf32, #tpu.memory_space<vmem>>) target(%dma_start3A_76 : memref<114x64xf32, #tpu.memory_space<vmem_shared>>) target_semaphore(%run_scoped3A : memref<!tpu.dma_semaphore, #tpu.memory_space<semaphore_mem>>)
      %dma_wait3A_80 = arith.constant 0 : i32
      %dma_wait3A_81 = arith.constant 0 : i32
      %dma_wait3A_82 = tpu.memref_slice %arg8[%dma_wait3A_80, %dma_wait3A_81] : memref<128x64xf32, #tpu.memory_space<vmem>> -> memref<114x64xf32, #tpu.memory_space<vmem>>
      %dma_wait3A_83 = arith.constant 0 : i32
      %dma_wait3A_84 = tpu.memref_slice %arg13[%add3A_24, %dma_wait3A_83] : memref<10016x64xf32, #tpu.memory_space<vmem_shared>> -> memref<114x64xf32, #tpu.memory_space<vmem_shared>>
      %dma_wait3A_85 = arith.constant 0 : i32
      %dma_wait3A_86 = tpu.memref_slice %arg13[%add3A_24, %dma_wait3A_85] : memref<10016x64xf32, #tpu.memory_space<vmem_shared>> -> memref<114x64xf32, #tpu.memory_space<vmem_shared>>
      %dma_wait3A_87 = arith.constant 0 : i32
      %dma_wait3A_88 = arith.constant 0 : i32
      %dma_wait3A_89 = tpu.memref_slice %arg8[%dma_wait3A_87, %dma_wait3A_88] : memref<128x64xf32, #tpu.memory_space<vmem>> -> memref<114x64xf32, #tpu.memory_space<vmem>>
      tpu.wait_dma2 semaphore(%run_scoped3A : memref<!tpu.dma_semaphore, #tpu.memory_space<semaphore_mem>>) src(%dma_wait3A_89 : memref<114x64xf32, #tpu.memory_space<vmem>>) dst(%dma_wait3A_86 : memref<114x64xf32, #tpu.memory_space<vmem_shared>>)
      tpu.yield
    }) : () -> ()
    %barrier3A = arith.constant 0 : index
    tpu.barrier barrier_id(%barrier3A)
    %dma_start3A = arith.constant 0 : i32
    %dma_start3A_25 = arith.constant 0 : i32
    %dma_start3A_26 = tpu.memref_slice %arg6[%dma_start3A, %dma_start3A_25] : memref<160x128xi32, #tpu.memory_space<vmem>> -> memref<1x128xi32, #tpu.memory_space<vmem>>
    %dma_start3A_27 = tpu.memref_squeeze %dma_start3A_26 : memref<1x128xi32, #tpu.memory_space<vmem>> -> memref<128xi32, #tpu.memory_space<vmem>>
    %dma_start3A_28 = arith.constant 0 : i32
    %dma_start3A_29 = arith.constant 0 : i32
    %dma_start3A_30 = tpu.memref_slice %arg2[%dma_start3A_28, %dma_start3A_29] : memref<20000x64xf32, #tpu.memory_space<hbm>> -> memref<20000x64xf32, #tpu.memory_space<hbm>>
    tpu.enqueue_indirect_dma source(%dma_start3A_30 : memref<20000x64xf32, #tpu.memory_space<hbm>>) target(%arg8 : memref<128x64xf32, #tpu.memory_space<vmem>>) offsets(%dma_start3A_27 : memref<128xi32, #tpu.memory_space<vmem>>) semaphore(%arg14 : memref<!tpu.dma_semaphore, #tpu.memory_space<semaphore_mem>>)
    %dma_start3A_31 = arith.constant 1 : i32
    %dma_start3A_32 = arith.constant 0 : i32
    %dma_start3A_33 = tpu.memref_slice %arg6[%dma_start3A_31, %dma_start3A_32] : memref<160x128xi32, #tpu.memory_space<vmem>> -> memref<1x128xi32, #tpu.memory_space<vmem>>
    %dma_start3A_34 = tpu.memref_squeeze %dma_start3A_33 : memref<1x128xi32, #tpu.memory_space<vmem>> -> memref<128xi32, #tpu.memory_space<vmem>>
    %dma_start3A_35 = arith.constant 0 : i32
    %dma_start3A_36 = arith.constant 0 : i32
    %dma_start3A_37 = tpu.memref_slice %arg2[%dma_start3A_35, %dma_start3A_36] : memref<20000x64xf32, #tpu.memory_space<hbm>> -> memref<20000x64xf32, #tpu.memory_space<hbm>>
    tpu.enqueue_indirect_dma source(%dma_start3A_37 : memref<20000x64xf32, #tpu.memory_space<hbm>>) target(%arg9 : memref<128x64xf32, #tpu.memory_space<vmem>>) offsets(%dma_start3A_34 : memref<128xi32, #tpu.memory_space<vmem>>) semaphore(%arg15 : memref<!tpu.dma_semaphore, #tpu.memory_space<semaphore_mem>>)
    %scan3A_38 = arith.constant 0 : i32
    %scan3A_39 = arith.constant 0 : i32
    %scan3A_40 = arith.constant 32 : i32
    %scan3A_41 = arith.addi %scan3A_39, %scan3A_40 : i32
    %scan3A_42 = arith.constant 1 : i32
    %scan3A_43 = scf.for %scan3A_70 = %scan3A_39 to %scan3A_41 step %scan3A_42 iter_args(%scan3A_71 = %scan3A_38) -> (i32)  : i32 {
      %mul3A_72 = arith.constant 5 : i32
      %mul3A_73 = arith.muli %scan3A_70, %mul3A_72 : i32
      %add3A_74 = arith.constant 0 : i32
      %add3A_75 = arith.addi %mul3A_73, %add3A_74 : i32
      %dma_wait3A_76 = arith.constant 0 : i32
      %dma_wait3A_77 = tpu.memref_slice %arg6[%add3A_75, %dma_wait3A_76] : memref<160x128xi32, #tpu.memory_space<vmem>> -> memref<1x128xi32, #tpu.memory_space<vmem>>
      %dma_wait3A_78 = tpu.memref_squeeze %dma_wait3A_77 : memref<1x128xi32, #tpu.memory_space<vmem>> -> memref<128xi32, #tpu.memory_space<vmem>>
      %dma_wait3A_79 = arith.constant 0 : i32
      %dma_wait3A_80 = arith.constant 0 : i32
      %dma_wait3A_81 = tpu.memref_slice %arg2[%dma_wait3A_79, %dma_wait3A_80] : memref<20000x64xf32, #tpu.memory_space<hbm>> -> memref<20000x64xf32, #tpu.memory_space<hbm>>
      tpu.wait_indirect_dma semaphore(%arg14 : memref<!tpu.dma_semaphore, #tpu.memory_space<semaphore_mem>>) src(%dma_wait3A_81 : memref<20000x64xf32, #tpu.memory_space<hbm>>) dst(%arg8 : memref<128x64xf32, #tpu.memory_space<vmem>>)
      %dma_start3A_82 = arith.constant 0 : i32
      %dma_start3A_83 = tpu.memref_slice %arg7[%add3A_75, %dma_start3A_82] : memref<160x128xi32, #tpu.memory_space<vmem>> -> memref<1x128xi32, #tpu.memory_space<vmem>>
      %dma_start3A_84 = tpu.memref_squeeze %dma_start3A_83 : memref<1x128xi32, #tpu.memory_space<vmem>> -> memref<128xi32, #tpu.memory_space<vmem>>
      %dma_start3A_85 = arith.constant 0 : i32
      %dma_start3A_86 = arith.constant 0 : i32
      %dma_start3A_87 = tpu.memref_slice %arg13[%dma_start3A_85, %dma_start3A_86] : memref<10016x64xf32, #tpu.memory_space<vmem_shared>> -> memref<10016x64xf32, #tpu.memory_space<vmem_shared>>
      tpu.enqueue_indirect_dma source(%arg8 : memref<128x64xf32, #tpu.memory_space<vmem>>) target(%dma_start3A_87 : memref<10016x64xf32, #tpu.memory_space<vmem_shared>>) offsets(%dma_start3A_84 : memref<128xi32, #tpu.memory_space<vmem>>) semaphore(%arg19 : memref<!tpu.dma_semaphore, #tpu.memory_space<semaphore_mem>>) {add = true}
      %add3A_88 = arith.constant 2 : i32
      %add3A_89 = arith.addi %add3A_75, %add3A_88 : i32
      %sub3A = arith.constant 5 : i32
      %sub3A_90 = arith.subi %add3A_89, %sub3A : i32
      %ge3A = arith.constant 0 : i32
      %ge3A_91 = arith.cmpi sge, %sub3A_90, %ge3A : i32
      %convert_element_type3A = arith.extui %ge3A_91 : i1 to i32
      %cond3A = arith.constant 0 : i32
      %cond3A_92 = arith.cmpi ne, %convert_element_type3A, %cond3A : i32
      scf.if %cond3A_92 {
        %dma_wait3A_228 = arith.constant 0 : i32
        %dma_wait3A_229 = tpu.memref_slice %arg7[%sub3A_90, %dma_wait3A_228] : memref<160x128xi32, #tpu.memory_space<vmem>> -> memref<1x128xi32, #tpu.memory_space<vmem>>
        %dma_wait3A_230 = tpu.memref_squeeze %dma_wait3A_229 : memref<1x128xi32, #tpu.memory_space<vmem>> -> memref<128xi32, #tpu.memory_space<vmem>>
        %dma_wait3A_231 = arith.constant 0 : i32
        %dma_wait3A_232 = arith.constant 0 : i32
        %dma_wait3A_233 = tpu.memref_slice %arg13[%dma_wait3A_231, %dma_wait3A_232] : memref<10016x64xf32, #tpu.memory_space<vmem_shared>> -> memref<10016x64xf32, #tpu.memory_space<vmem_shared>>
        tpu.wait_indirect_dma semaphore(%arg21 : memref<!tpu.dma_semaphore, #tpu.memory_space<semaphore_mem>>) src(%arg10 : memref<128x64xf32, #tpu.memory_space<vmem>>) dst(%dma_wait3A_233 : memref<10016x64xf32, #tpu.memory_space<vmem_shared>>)
      } else {
      }
      %add3A_93 = arith.constant 2 : i32
      %add3A_94 = arith.addi %add3A_75, %add3A_93 : i32
      %lt3A = arith.constant 160 : i32
      %lt3A_95 = arith.cmpi slt, %add3A_94, %lt3A : i32
      %convert_element_type3A_96 = arith.extui %lt3A_95 : i1 to i32
      %cond3A_97 = arith.constant 0 : i32
      %cond3A_98 = arith.cmpi ne, %convert_element_type3A_96, %cond3A_97 : i32
      scf.if %cond3A_98 {
        %add3A_228 = arith.constant 2 : i32
        %add3A_229 = arith.addi %add3A_75, %add3A_228 : i32
        %dma_start3A_230 = arith.constant 0 : i32
        %dma_start3A_231 = tpu.memref_slice %arg6[%add3A_229, %dma_start3A_230] : memref<160x128xi32, #tpu.memory_space<vmem>> -> memref<1x128xi32, #tpu.memory_space<vmem>>
        %dma_start3A_232 = tpu.memref_squeeze %dma_start3A_231 : memref<1x128xi32, #tpu.memory_space<vmem>> -> memref<128xi32, #tpu.memory_space<vmem>>
        %dma_start3A_233 = arith.constant 0 : i32
        %dma_start3A_234 = arith.constant 0 : i32
        %dma_start3A_235 = tpu.memref_slice %arg2[%dma_start3A_233, %dma_start3A_234] : memref<20000x64xf32, #tpu.memory_space<hbm>> -> memref<20000x64xf32, #tpu.memory_space<hbm>>
        tpu.enqueue_indirect_dma source(%dma_start3A_235 : memref<20000x64xf32, #tpu.memory_space<hbm>>) target(%arg10 : memref<128x64xf32, #tpu.memory_space<vmem>>) offsets(%dma_start3A_232 : memref<128xi32, #tpu.memory_space<vmem>>) semaphore(%arg16 : memref<!tpu.dma_semaphore, #tpu.memory_space<semaphore_mem>>)
      } else {
      }
      %mul3A_99 = arith.constant 5 : i32
      %mul3A_100 = arith.muli %scan3A_70, %mul3A_99 : i32
      %add3A_101 = arith.constant 1 : i32
      %add3A_102 = arith.addi %mul3A_100, %add3A_101 : i32
      %dma_wait3A_103 = arith.constant 0 : i32
      %dma_wait3A_104 = tpu.memref_slice %arg6[%add3A_102, %dma_wait3A_103] : memref<160x128xi32, #tpu.memory_space<vmem>> -> memref<1x128xi32, #tpu.memory_space<vmem>>
      %dma_wait3A_105 = tpu.memref_squeeze %dma_wait3A_104 : memref<1x128xi32, #tpu.memory_space<vmem>> -> memref<128xi32, #tpu.memory_space<vmem>>
      %dma_wait3A_106 = arith.constant 0 : i32
      %dma_wait3A_107 = arith.constant 0 : i32
      %dma_wait3A_108 = tpu.memref_slice %arg2[%dma_wait3A_106, %dma_wait3A_107] : memref<20000x64xf32, #tpu.memory_space<hbm>> -> memref<20000x64xf32, #tpu.memory_space<hbm>>
      tpu.wait_indirect_dma semaphore(%arg15 : memref<!tpu.dma_semaphore, #tpu.memory_space<semaphore_mem>>) src(%dma_wait3A_108 : memref<20000x64xf32, #tpu.memory_space<hbm>>) dst(%arg9 : memref<128x64xf32, #tpu.memory_space<vmem>>)
      %dma_start3A_109 = arith.constant 0 : i32
      %dma_start3A_110 = tpu.memref_slice %arg7[%add3A_102, %dma_start3A_109] : memref<160x128xi32, #tpu.memory_space<vmem>> -> memref<1x128xi32, #tpu.memory_space<vmem>>
      %dma_start3A_111 = tpu.memref_squeeze %dma_start3A_110 : memref<1x128xi32, #tpu.memory_space<vmem>> -> memref<128xi32, #tpu.memory_space<vmem>>
      %dma_start3A_112 = arith.constant 0 : i32
      %dma_start3A_113 = arith.constant 0 : i32
      %dma_start3A_114 = tpu.memref_slice %arg13[%dma_start3A_112, %dma_start3A_113] : memref<10016x64xf32, #tpu.memory_space<vmem_shared>> -> memref<10016x64xf32, #tpu.memory_space<vmem_shared>>
      tpu.enqueue_indirect_dma source(%arg9 : memref<128x64xf32, #tpu.memory_space<vmem>>) target(%dma_start3A_114 : memref<10016x64xf32, #tpu.memory_space<vmem_shared>>) offsets(%dma_start3A_111 : memref<128xi32, #tpu.memory_space<vmem>>) semaphore(%arg20 : memref<!tpu.dma_semaphore, #tpu.memory_space<semaphore_mem>>) {add = true}
      %add3A_115 = arith.constant 2 : i32
      %add3A_116 = arith.addi %add3A_102, %add3A_115 : i32
      %sub3A_117 = arith.constant 5 : i32
      %sub3A_118 = arith.subi %add3A_116, %sub3A_117 : i32
      %ge3A_119 = arith.constant 0 : i32
      %ge3A_120 = arith.cmpi sge, %sub3A_118, %ge3A_119 : i32
      %convert_element_type3A_121 = arith.extui %ge3A_120 : i1 to i32
      %cond3A_122 = arith.constant 0 : i32
      %cond3A_123 = arith.cmpi ne, %convert_element_type3A_121, %cond3A_122 : i32
      scf.if %cond3A_123 {
        %dma_wait3A_228 = arith.constant 0 : i32
        %dma_wait3A_229 = tpu.memref_slice %arg7[%sub3A_118, %dma_wait3A_228] : memref<160x128xi32, #tpu.memory_space<vmem>> -> memref<1x128xi32, #tpu.memory_space<vmem>>
        %dma_wait3A_230 = tpu.memref_squeeze %dma_wait3A_229 : memref<1x128xi32, #tpu.memory_space<vmem>> -> memref<128xi32, #tpu.memory_space<vmem>>
        %dma_wait3A_231 = arith.constant 0 : i32
        %dma_wait3A_232 = arith.constant 0 : i32
        %dma_wait3A_233 = tpu.memref_slice %arg13[%dma_wait3A_231, %dma_wait3A_232] : memref<10016x64xf32, #tpu.memory_space<vmem_shared>> -> memref<10016x64xf32, #tpu.memory_space<vmem_shared>>
        tpu.wait_indirect_dma semaphore(%arg22 : memref<!tpu.dma_semaphore, #tpu.memory_space<semaphore_mem>>) src(%arg11 : memref<128x64xf32, #tpu.memory_space<vmem>>) dst(%dma_wait3A_233 : memref<10016x64xf32, #tpu.memory_space<vmem_shared>>)
      } else {
      }
      %add3A_124 = arith.constant 2 : i32
      %add3A_125 = arith.addi %add3A_102, %add3A_124 : i32
      %lt3A_126 = arith.constant 160 : i32
      %lt3A_127 = arith.cmpi slt, %add3A_125, %lt3A_126 : i32
      %convert_element_type3A_128 = arith.extui %lt3A_127 : i1 to i32
      %cond3A_129 = arith.constant 0 : i32
      %cond3A_130 = arith.cmpi ne, %convert_element_type3A_128, %cond3A_129 : i32
      scf.if %cond3A_130 {
        %add3A_228 = arith.constant 2 : i32
        %add3A_229 = arith.addi %add3A_102, %add3A_228 : i32
        %dma_start3A_230 = arith.constant 0 : i32
        %dma_start3A_231 = tpu.memref_slice %arg6[%add3A_229, %dma_start3A_230] : memref<160x128xi32, #tpu.memory_space<vmem>> -> memref<1x128xi32, #tpu.memory_space<vmem>>
        %dma_start3A_232 = tpu.memref_squeeze %dma_start3A_231 : memref<1x128xi32, #tpu.memory_space<vmem>> -> memref<128xi32, #tpu.memory_space<vmem>>
        %dma_start3A_233 = arith.constant 0 : i32
        %dma_start3A_234 = arith.constant 0 : i32
        %dma_start3A_235 = tpu.memref_slice %arg2[%dma_start3A_233, %dma_start3A_234] : memref<20000x64xf32, #tpu.memory_space<hbm>> -> memref<20000x64xf32, #tpu.memory_space<hbm>>
        tpu.enqueue_indirect_dma source(%dma_start3A_235 : memref<20000x64xf32, #tpu.memory_space<hbm>>) target(%arg11 : memref<128x64xf32, #tpu.memory_space<vmem>>) offsets(%dma_start3A_232 : memref<128xi32, #tpu.memory_space<vmem>>) semaphore(%arg17 : memref<!tpu.dma_semaphore, #tpu.memory_space<semaphore_mem>>)
      } else {
      }
      %mul3A_131 = arith.constant 5 : i32
      %mul3A_132 = arith.muli %scan3A_70, %mul3A_131 : i32
      %add3A_133 = arith.constant 2 : i32
      %add3A_134 = arith.addi %mul3A_132, %add3A_133 : i32
      %dma_wait3A_135 = arith.constant 0 : i32
      %dma_wait3A_136 = tpu.memref_slice %arg6[%add3A_134, %dma_wait3A_135] : memref<160x128xi32, #tpu.memory_space<vmem>> -> memref<1x128xi32, #tpu.memory_space<vmem>>
      %dma_wait3A_137 = tpu.memref_squeeze %dma_wait3A_136 : memref<1x128xi32, #tpu.memory_space<vmem>> -> memref<128xi32, #tpu.memory_space<vmem>>
      %dma_wait3A_138 = arith.constant 0 : i32
      %dma_wait3A_139 = arith.constant 0 : i32
      %dma_wait3A_140 = tpu.memref_slice %arg2[%dma_wait3A_138, %dma_wait3A_139] : memref<20000x64xf32, #tpu.memory_space<hbm>> -> memref<20000x64xf32, #tpu.memory_space<hbm>>
      tpu.wait_indirect_dma semaphore(%arg16 : memref<!tpu.dma_semaphore, #tpu.memory_space<semaphore_mem>>) src(%dma_wait3A_140 : memref<20000x64xf32, #tpu.memory_space<hbm>>) dst(%arg10 : memref<128x64xf32, #tpu.memory_space<vmem>>)
      %dma_start3A_141 = arith.constant 0 : i32
      %dma_start3A_142 = tpu.memref_slice %arg7[%add3A_134, %dma_start3A_141] : memref<160x128xi32, #tpu.memory_space<vmem>> -> memref<1x128xi32, #tpu.memory_space<vmem>>
      %dma_start3A_143 = tpu.memref_squeeze %dma_start3A_142 : memref<1x128xi32, #tpu.memory_space<vmem>> -> memref<128xi32, #tpu.memory_space<vmem>>
      %dma_start3A_144 = arith.constant 0 : i32
      %dma_start3A_145 = arith.constant 0 : i32
      %dma_start3A_146 = tpu.memref_slice %arg13[%dma_start3A_144, %dma_start3A_145] : memref<10016x64xf32, #tpu.memory_space<vmem_shared>> -> memref<10016x64xf32, #tpu.memory_space<vmem_shared>>
      tpu.enqueue_indirect_dma source(%arg10 : memref<128x64xf32, #tpu.memory_space<vmem>>) target(%dma_start3A_146 : memref<10016x64xf32, #tpu.memory_space<vmem_shared>>) offsets(%dma_start3A_143 : memref<128xi32, #tpu.memory_space<vmem>>) semaphore(%arg21 : memref<!tpu.dma_semaphore, #tpu.memory_space<semaphore_mem>>) {add = true}
      %add3A_147 = arith.constant 2 : i32
      %add3A_148 = arith.addi %add3A_134, %add3A_147 : i32
      %sub3A_149 = arith.constant 5 : i32
      %sub3A_150 = arith.subi %add3A_148, %sub3A_149 : i32
      %ge3A_151 = arith.constant 0 : i32
      %ge3A_152 = arith.cmpi sge, %sub3A_150, %ge3A_151 : i32
      %convert_element_type3A_153 = arith.extui %ge3A_152 : i1 to i32
      %cond3A_154 = arith.constant 0 : i32
      %cond3A_155 = arith.cmpi ne, %convert_element_type3A_153, %cond3A_154 : i32
      scf.if %cond3A_155 {
        %dma_wait3A_228 = arith.constant 0 : i32
        %dma_wait3A_229 = tpu.memref_slice %arg7[%sub3A_150, %dma_wait3A_228] : memref<160x128xi32, #tpu.memory_space<vmem>> -> memref<1x128xi32, #tpu.memory_space<vmem>>
        %dma_wait3A_230 = tpu.memref_squeeze %dma_wait3A_229 : memref<1x128xi32, #tpu.memory_space<vmem>> -> memref<128xi32, #tpu.memory_space<vmem>>
        %dma_wait3A_231 = arith.constant 0 : i32
        %dma_wait3A_232 = arith.constant 0 : i32
        %dma_wait3A_233 = tpu.memref_slice %arg13[%dma_wait3A_231, %dma_wait3A_232] : memref<10016x64xf32, #tpu.memory_space<vmem_shared>> -> memref<10016x64xf32, #tpu.memory_space<vmem_shared>>
        tpu.wait_indirect_dma semaphore(%arg23 : memref<!tpu.dma_semaphore, #tpu.memory_space<semaphore_mem>>) src(%arg12 : memref<128x64xf32, #tpu.memory_space<vmem>>) dst(%dma_wait3A_233 : memref<10016x64xf32, #tpu.memory_space<vmem_shared>>)
      } else {
      }
      %add3A_156 = arith.constant 2 : i32
      %add3A_157 = arith.addi %add3A_134, %add3A_156 : i32
      %lt3A_158 = arith.constant 160 : i32
      %lt3A_159 = arith.cmpi slt, %add3A_157, %lt3A_158 : i32
      %convert_element_type3A_160 = arith.extui %lt3A_159 : i1 to i32
      %cond3A_161 = arith.constant 0 : i32
      %cond3A_162 = arith.cmpi ne, %convert_element_type3A_160, %cond3A_161 : i32
      scf.if %cond3A_162 {
        %add3A_228 = arith.constant 2 : i32
        %add3A_229 = arith.addi %add3A_134, %add3A_228 : i32
        %dma_start3A_230 = arith.constant 0 : i32
        %dma_start3A_231 = tpu.memref_slice %arg6[%add3A_229, %dma_start3A_230] : memref<160x128xi32, #tpu.memory_space<vmem>> -> memref<1x128xi32, #tpu.memory_space<vmem>>
        %dma_start3A_232 = tpu.memref_squeeze %dma_start3A_231 : memref<1x128xi32, #tpu.memory_space<vmem>> -> memref<128xi32, #tpu.memory_space<vmem>>
        %dma_start3A_233 = arith.constant 0 : i32
        %dma_start3A_234 = arith.constant 0 : i32
        %dma_start3A_235 = tpu.memref_slice %arg2[%dma_start3A_233, %dma_start3A_234] : memref<20000x64xf32, #tpu.memory_space<hbm>> -> memref<20000x64xf32, #tpu.memory_space<hbm>>
        tpu.enqueue_indirect_dma source(%dma_start3A_235 : memref<20000x64xf32, #tpu.memory_space<hbm>>) target(%arg12 : memref<128x64xf32, #tpu.memory_space<vmem>>) offsets(%dma_start3A_232 : memref<128xi32, #tpu.memory_space<vmem>>) semaphore(%arg18 : memref<!tpu.dma_semaphore, #tpu.memory_space<semaphore_mem>>)
      } else {
      }
      %mul3A_163 = arith.constant 5 : i32
      %mul3A_164 = arith.muli %scan3A_70, %mul3A_163 : i32
      %add3A_165 = arith.constant 3 : i32
      %add3A_166 = arith.addi %mul3A_164, %add3A_165 : i32
      %dma_wait3A_167 = arith.constant 0 : i32
      %dma_wait3A_168 = tpu.memref_slice %arg6[%add3A_166, %dma_wait3A_167] : memref<160x128xi32, #tpu.memory_space<vmem>> -> memref<1x128xi32, #tpu.memory_space<vmem>>
      %dma_wait3A_169 = tpu.memref_squeeze %dma_wait3A_168 : memref<1x128xi32, #tpu.memory_space<vmem>> -> memref<128xi32, #tpu.memory_space<vmem>>
      %dma_wait3A_170 = arith.constant 0 : i32
      %dma_wait3A_171 = arith.constant 0 : i32
      %dma_wait3A_172 = tpu.memref_slice %arg2[%dma_wait3A_170, %dma_wait3A_171] : memref<20000x64xf32, #tpu.memory_space<hbm>> -> memref<20000x64xf32, #tpu.memory_space<hbm>>
      tpu.wait_indirect_dma semaphore(%arg17 : memref<!tpu.dma_semaphore, #tpu.memory_space<semaphore_mem>>) src(%dma_wait3A_172 : memref<20000x64xf32, #tpu.memory_space<hbm>>) dst(%arg11 : memref<128x64xf32, #tpu.memory_space<vmem>>)
      %dma_start3A_173 = arith.constant 0 : i32
      %dma_start3A_174 = tpu.memref_slice %arg7[%add3A_166, %dma_start3A_173] : memref<160x128xi32, #tpu.memory_space<vmem>> -> memref<1x128xi32, #tpu.memory_space<vmem>>
      %dma_start3A_175 = tpu.memref_squeeze %dma_start3A_174 : memref<1x128xi32, #tpu.memory_space<vmem>> -> memref<128xi32, #tpu.memory_space<vmem>>
      %dma_start3A_176 = arith.constant 0 : i32
      %dma_start3A_177 = arith.constant 0 : i32
      %dma_start3A_178 = tpu.memref_slice %arg13[%dma_start3A_176, %dma_start3A_177] : memref<10016x64xf32, #tpu.memory_space<vmem_shared>> -> memref<10016x64xf32, #tpu.memory_space<vmem_shared>>
      tpu.enqueue_indirect_dma source(%arg11 : memref<128x64xf32, #tpu.memory_space<vmem>>) target(%dma_start3A_178 : memref<10016x64xf32, #tpu.memory_space<vmem_shared>>) offsets(%dma_start3A_175 : memref<128xi32, #tpu.memory_space<vmem>>) semaphore(%arg22 : memref<!tpu.dma_semaphore, #tpu.memory_space<semaphore_mem>>) {add = true}
      %add3A_179 = arith.constant 2 : i32
      %add3A_180 = arith.addi %add3A_166, %add3A_179 : i32
      %sub3A_181 = arith.constant 5 : i32
      %sub3A_182 = arith.subi %add3A_180, %sub3A_181 : i32
      %ge3A_183 = arith.constant 0 : i32
      %ge3A_184 = arith.cmpi sge, %sub3A_182, %ge3A_183 : i32
      %convert_element_type3A_185 = arith.extui %ge3A_184 : i1 to i32
      %cond3A_186 = arith.constant 0 : i32
      %cond3A_187 = arith.cmpi ne, %convert_element_type3A_185, %cond3A_186 : i32
      scf.if %cond3A_187 {
        %dma_wait3A_228 = arith.constant 0 : i32
        %dma_wait3A_229 = tpu.memref_slice %arg7[%sub3A_182, %dma_wait3A_228] : memref<160x128xi32, #tpu.memory_space<vmem>> -> memref<1x128xi32, #tpu.memory_space<vmem>>
        %dma_wait3A_230 = tpu.memref_squeeze %dma_wait3A_229 : memref<1x128xi32, #tpu.memory_space<vmem>> -> memref<128xi32, #tpu.memory_space<vmem>>
        %dma_wait3A_231 = arith.constant 0 : i32
        %dma_wait3A_232 = arith.constant 0 : i32
        %dma_wait3A_233 = tpu.memref_slice %arg13[%dma_wait3A_231, %dma_wait3A_232] : memref<10016x64xf32, #tpu.memory_space<vmem_shared>> -> memref<10016x64xf32, #tpu.memory_space<vmem_shared>>
        tpu.wait_indirect_dma semaphore(%arg19 : memref<!tpu.dma_semaphore, #tpu.memory_space<semaphore_mem>>) src(%arg8 : memref<128x64xf32, #tpu.memory_space<vmem>>) dst(%dma_wait3A_233 : memref<10016x64xf32, #tpu.memory_space<vmem_shared>>)
      } else {
      }
      %add3A_188 = arith.constant 2 : i32
      %add3A_189 = arith.addi %add3A_166, %add3A_188 : i32
      %lt3A_190 = arith.constant 160 : i32
      %lt3A_191 = arith.cmpi slt, %add3A_189, %lt3A_190 : i32
      %convert_element_type3A_192 = arith.extui %lt3A_191 : i1 to i32
      %cond3A_193 = arith.constant 0 : i32
      %cond3A_194 = arith.cmpi ne, %convert_element_type3A_192, %cond3A_193 : i32
      scf.if %cond3A_194 {
        %add3A_228 = arith.constant 2 : i32
        %add3A_229 = arith.addi %add3A_166, %add3A_228 : i32
        %dma_start3A_230 = arith.constant 0 : i32
        %dma_start3A_231 = tpu.memref_slice %arg6[%add3A_229, %dma_start3A_230] : memref<160x128xi32, #tpu.memory_space<vmem>> -> memref<1x128xi32, #tpu.memory_space<vmem>>
        %dma_start3A_232 = tpu.memref_squeeze %dma_start3A_231 : memref<1x128xi32, #tpu.memory_space<vmem>> -> memref<128xi32, #tpu.memory_space<vmem>>
        %dma_start3A_233 = arith.constant 0 : i32
        %dma_start3A_234 = arith.constant 0 : i32
        %dma_start3A_235 = tpu.memref_slice %arg2[%dma_start3A_233, %dma_start3A_234] : memref<20000x64xf32, #tpu.memory_space<hbm>> -> memref<20000x64xf32, #tpu.memory_space<hbm>>
        tpu.enqueue_indirect_dma source(%dma_start3A_235 : memref<20000x64xf32, #tpu.memory_space<hbm>>) target(%arg8 : memref<128x64xf32, #tpu.memory_space<vmem>>) offsets(%dma_start3A_232 : memref<128xi32, #tpu.memory_space<vmem>>) semaphore(%arg14 : memref<!tpu.dma_semaphore, #tpu.memory_space<semaphore_mem>>)
      } else {
      }
      %mul3A_195 = arith.constant 5 : i32
      %mul3A_196 = arith.muli %scan3A_70, %mul3A_195 : i32
      %add3A_197 = arith.constant 4 : i32
      %add3A_198 = arith.addi %mul3A_196, %add3A_197 : i32
      %dma_wait3A_199 = arith.constant 0 : i32
      %dma_wait3A_200 = tpu.memref_slice %arg6[%add3A_198, %dma_wait3A_199] : memref<160x128xi32, #tpu.memory_space<vmem>> -> memref<1x128xi32, #tpu.memory_space<vmem>>
      %dma_wait3A_201 = tpu.memref_squeeze %dma_wait3A_200 : memref<1x128xi32, #tpu.memory_space<vmem>> -> memref<128xi32, #tpu.memory_space<vmem>>
      %dma_wait3A_202 = arith.constant 0 : i32
      %dma_wait3A_203 = arith.constant 0 : i32
      %dma_wait3A_204 = tpu.memref_slice %arg2[%dma_wait3A_202, %dma_wait3A_203] : memref<20000x64xf32, #tpu.memory_space<hbm>> -> memref<20000x64xf32, #tpu.memory_space<hbm>>
      tpu.wait_indirect_dma semaphore(%arg18 : memref<!tpu.dma_semaphore, #tpu.memory_space<semaphore_mem>>) src(%dma_wait3A_204 : memref<20000x64xf32, #tpu.memory_space<hbm>>) dst(%arg12 : memref<128x64xf32, #tpu.memory_space<vmem>>)
      %dma_start3A_205 = arith.constant 0 : i32
      %dma_start3A_206 = tpu.memref_slice %arg7[%add3A_198, %dma_start3A_205] : memref<160x128xi32, #tpu.memory_space<vmem>> -> memref<1x128xi32, #tpu.memory_space<vmem>>
      %dma_start3A_207 = tpu.memref_squeeze %dma_start3A_206 : memref<1x128xi32, #tpu.memory_space<vmem>> -> memref<128xi32, #tpu.memory_space<vmem>>
      %dma_start3A_208 = arith.constant 0 : i32
      %dma_start3A_209 = arith.constant 0 : i32
      %dma_start3A_210 = tpu.memref_slice %arg13[%dma_start3A_208, %dma_start3A_209] : memref<10016x64xf32, #tpu.memory_space<vmem_shared>> -> memref<10016x64xf32, #tpu.memory_space<vmem_shared>>
      tpu.enqueue_indirect_dma source(%arg12 : memref<128x64xf32, #tpu.memory_space<vmem>>) target(%dma_start3A_210 : memref<10016x64xf32, #tpu.memory_space<vmem_shared>>) offsets(%dma_start3A_207 : memref<128xi32, #tpu.memory_space<vmem>>) semaphore(%arg23 : memref<!tpu.dma_semaphore, #tpu.memory_space<semaphore_mem>>) {add = true}
      %add3A_211 = arith.constant 2 : i32
      %add3A_212 = arith.addi %add3A_198, %add3A_211 : i32
      %sub3A_213 = arith.constant 5 : i32
      %sub3A_214 = arith.subi %add3A_212, %sub3A_213 : i32
      %ge3A_215 = arith.constant 0 : i32
      %ge3A_216 = arith.cmpi sge, %sub3A_214, %ge3A_215 : i32
      %convert_element_type3A_217 = arith.extui %ge3A_216 : i1 to i32
      %cond3A_218 = arith.constant 0 : i32
      %cond3A_219 = arith.cmpi ne, %convert_element_type3A_217, %cond3A_218 : i32
      scf.if %cond3A_219 {
        %dma_wait3A_228 = arith.constant 0 : i32
        %dma_wait3A_229 = tpu.memref_slice %arg7[%sub3A_214, %dma_wait3A_228] : memref<160x128xi32, #tpu.memory_space<vmem>> -> memref<1x128xi32, #tpu.memory_space<vmem>>
        %dma_wait3A_230 = tpu.memref_squeeze %dma_wait3A_229 : memref<1x128xi32, #tpu.memory_space<vmem>> -> memref<128xi32, #tpu.memory_space<vmem>>
        %dma_wait3A_231 = arith.constant 0 : i32
        %dma_wait3A_232 = arith.constant 0 : i32
        %dma_wait3A_233 = tpu.memref_slice %arg13[%dma_wait3A_231, %dma_wait3A_232] : memref<10016x64xf32, #tpu.memory_space<vmem_shared>> -> memref<10016x64xf32, #tpu.memory_space<vmem_shared>>
        tpu.wait_indirect_dma semaphore(%arg20 : memref<!tpu.dma_semaphore, #tpu.memory_space<semaphore_mem>>) src(%arg9 : memref<128x64xf32, #tpu.memory_space<vmem>>) dst(%dma_wait3A_233 : memref<10016x64xf32, #tpu.memory_space<vmem_shared>>)
      } else {
      }
      %add3A_220 = arith.constant 2 : i32
      %add3A_221 = arith.addi %add3A_198, %add3A_220 : i32
      %lt3A_222 = arith.constant 160 : i32
      %lt3A_223 = arith.cmpi slt, %add3A_221, %lt3A_222 : i32
      %convert_element_type3A_224 = arith.extui %lt3A_223 : i1 to i32
      %cond3A_225 = arith.constant 0 : i32
      %cond3A_226 = arith.cmpi ne, %convert_element_type3A_224, %cond3A_225 : i32
      scf.if %cond3A_226 {
        %add3A_228 = arith.constant 2 : i32
        %add3A_229 = arith.addi %add3A_198, %add3A_228 : i32
        %dma_start3A_230 = arith.constant 0 : i32
        %dma_start3A_231 = tpu.memref_slice %arg6[%add3A_229, %dma_start3A_230] : memref<160x128xi32, #tpu.memory_space<vmem>> -> memref<1x128xi32, #tpu.memory_space<vmem>>
        %dma_start3A_232 = tpu.memref_squeeze %dma_start3A_231 : memref<1x128xi32, #tpu.memory_space<vmem>> -> memref<128xi32, #tpu.memory_space<vmem>>
        %dma_start3A_233 = arith.constant 0 : i32
        %dma_start3A_234 = arith.constant 0 : i32
        %dma_start3A_235 = tpu.memref_slice %arg2[%dma_start3A_233, %dma_start3A_234] : memref<20000x64xf32, #tpu.memory_space<hbm>> -> memref<20000x64xf32, #tpu.memory_space<hbm>>
        tpu.enqueue_indirect_dma source(%dma_start3A_235 : memref<20000x64xf32, #tpu.memory_space<hbm>>) target(%arg9 : memref<128x64xf32, #tpu.memory_space<vmem>>) offsets(%dma_start3A_232 : memref<128xi32, #tpu.memory_space<vmem>>) semaphore(%arg15 : memref<!tpu.dma_semaphore, #tpu.memory_space<semaphore_mem>>)
      } else {
      }
      %scan3A_227 = arith.constant 0 : i32
      scf.yield %scan3A_227 : i32
    }
    %scan3A_44 = arith.constant 32 : i32
    %dma_wait3A = arith.constant 157 : i32
    %dma_wait3A_45 = arith.constant 0 : i32
    %dma_wait3A_46 = tpu.memref_slice %arg7[%dma_wait3A, %dma_wait3A_45] : memref<160x128xi32, #tpu.memory_space<vmem>> -> memref<1x128xi32, #tpu.memory_space<vmem>>
    %dma_wait3A_47 = tpu.memref_squeeze %dma_wait3A_46 : memref<1x128xi32, #tpu.memory_space<vmem>> -> memref<128xi32, #tpu.memory_space<vmem>>
    %dma_wait3A_48 = arith.constant 0 : i32
    %dma_wait3A_49 = arith.constant 0 : i32
    %dma_wait3A_50 = tpu.memref_slice %arg13[%dma_wait3A_48, %dma_wait3A_49] : memref<10016x64xf32, #tpu.memory_space<vmem_shared>> -> memref<10016x64xf32, #tpu.memory_space<vmem_shared>>
    tpu.wait_indirect_dma semaphore(%arg21 : memref<!tpu.dma_semaphore, #tpu.memory_space<semaphore_mem>>) src(%arg10 : memref<128x64xf32, #tpu.memory_space<vmem>>) dst(%dma_wait3A_50 : memref<10016x64xf32, #tpu.memory_space<vmem_shared>>)
    %dma_wait3A_51 = arith.constant 158 : i32
    %dma_wait3A_52 = arith.constant 0 : i32
    %dma_wait3A_53 = tpu.memref_slice %arg7[%dma_wait3A_51, %dma_wait3A_52] : memref<160x128xi32, #tpu.memory_space<vmem>> -> memref<1x128xi32, #tpu.memory_space<vmem>>
    %dma_wait3A_54 = tpu.memref_squeeze %dma_wait3A_53 : memref<1x128xi32, #tpu.memory_space<vmem>> -> memref<128xi32, #tpu.memory_space<vmem>>
    %dma_wait3A_55 = arith.constant 0 : i32
    %dma_wait3A_56 = arith.constant 0 : i32
    %dma_wait3A_57 = tpu.memref_slice %arg13[%dma_wait3A_55, %dma_wait3A_56] : memref<10016x64xf32, #tpu.memory_space<vmem_shared>> -> memref<10016x64xf32, #tpu.memory_space<vmem_shared>>
    tpu.wait_indirect_dma semaphore(%arg22 : memref<!tpu.dma_semaphore, #tpu.memory_space<semaphore_mem>>) src(%arg11 : memref<128x64xf32, #tpu.memory_space<vmem>>) dst(%dma_wait3A_57 : memref<10016x64xf32, #tpu.memory_space<vmem_shared>>)
    %dma_wait3A_58 = arith.constant 159 : i32
    %dma_wait3A_59 = arith.constant 0 : i32
    %dma_wait3A_60 = tpu.memref_slice %arg7[%dma_wait3A_58, %dma_wait3A_59] : memref<160x128xi32, #tpu.memory_space<vmem>> -> memref<1x128xi32, #tpu.memory_space<vmem>>
    %dma_wait3A_61 = tpu.memref_squeeze %dma_wait3A_60 : memref<1x128xi32, #tpu.memory_space<vmem>> -> memref<128xi32, #tpu.memory_space<vmem>>
    %dma_wait3A_62 = arith.constant 0 : i32
    %dma_wait3A_63 = arith.constant 0 : i32
    %dma_wait3A_64 = tpu.memref_slice %arg13[%dma_wait3A_62, %dma_wait3A_63] : memref<10016x64xf32, #tpu.memory_space<vmem_shared>> -> memref<10016x64xf32, #tpu.memory_space<vmem_shared>>
    tpu.wait_indirect_dma semaphore(%arg23 : memref<!tpu.dma_semaphore, #tpu.memory_space<semaphore_mem>>) src(%arg12 : memref<128x64xf32, #tpu.memory_space<vmem>>) dst(%dma_wait3A_64 : memref<10016x64xf32, #tpu.memory_space<vmem_shared>>)
    %barrier3A_65 = arith.constant 0 : index
    tpu.barrier barrier_id(%barrier3A_65)
    %mul3A_66 = arith.constant 626 : i32
    %mul3A_67 = arith.muli %arg1, %mul3A_66 : i32
    %mul3A_68 = arith.constant 626 : i32
    %mul3A_69 = arith.muli %arg1, %mul3A_68 : i32
    "tpu.region"() ({
      %run_scoped3A = tpu.sem_alloc : memref<!tpu.dma_semaphore, #tpu.memory_space<semaphore_mem>>
      %dma_start3A_70 = arith.constant 0 : i32
      %dma_start3A_71 = tpu.memref_slice %arg5[%arg0, %mul3A_69, %dma_start3A_70] : memref<2x10016x64xf32, #tpu.memory_space<hbm>> -> memref<1x626x64xf32, #tpu.memory_space<hbm>>
      %dma_start3A_72 = tpu.memref_squeeze %dma_start3A_71 : memref<1x626x64xf32, #tpu.memory_space<hbm>> -> memref<626x64xf32, #tpu.memory_space<hbm>>
      %dma_start3A_73 = arith.constant 0 : i32
      %dma_start3A_74 = tpu.memref_slice %arg13[%mul3A_67, %dma_start3A_73] : memref<10016x64xf32, #tpu.memory_space<vmem_shared>> -> memref<626x64xf32, #tpu.memory_space<vmem_shared>>
      tpu.enqueue_dma source(%dma_start3A_74 : memref<626x64xf32, #tpu.memory_space<vmem_shared>>) target(%dma_start3A_72 : memref<626x64xf32, #tpu.memory_space<hbm>>) target_semaphore(%run_scoped3A : memref<!tpu.dma_semaphore, #tpu.memory_space<semaphore_mem>>)
      %dma_wait3A_75 = arith.constant 0 : i32
      %dma_wait3A_76 = tpu.memref_slice %arg5[%arg0, %mul3A_69, %dma_wait3A_75] : memref<2x10016x64xf32, #tpu.memory_space<hbm>> -> memref<1x626x64xf32, #tpu.memory_space<hbm>>
      %dma_wait3A_77 = tpu.memref_squeeze %dma_wait3A_76 : memref<1x626x64xf32, #tpu.memory_space<hbm>> -> memref<626x64xf32, #tpu.memory_space<hbm>>
      %dma_wait3A_78 = arith.constant 0 : i32
      %dma_wait3A_79 = tpu.memref_slice %arg13[%mul3A_67, %dma_wait3A_78] : memref<10016x64xf32, #tpu.memory_space<vmem_shared>> -> memref<626x64xf32, #tpu.memory_space<vmem_shared>>
      tpu.wait_dma2 semaphore(%run_scoped3A : memref<!tpu.dma_semaphore, #tpu.memory_space<semaphore_mem>>) src(%dma_wait3A_79 : memref<626x64xf32, #tpu.memory_space<vmem_shared>>) dst(%dma_wait3A_77 : memref<626x64xf32, #tpu.memory_space<hbm>>)
      tpu.yield
    }) : () -> ()
    return
  }
}

#map = affine_map<(d0, d1) -> (0, 0)>
#map1 = affine_map<(d0, d1) -> (0, 0, 0, 0)>
#map2 = affine_map<(d0, d1) -> (0, 0, 0)>
module attributes {stable_mosaic.version = 14 : i64} {
  func.func @sc_agg(%arg0: i32, %arg1: i32, %arg2: memref<20000x64xf32, #tpu.memory_space<hbm>>, %arg3: memref<2x16x160x128xi32, #tpu.memory_space<hbm>>, %arg4: memref<16x160x128xi32, #tpu.memory_space<hbm>>, %arg5: memref<2x10016x64xf32, #tpu.memory_space<hbm>>, %arg6: memref<160x128xi32, #tpu.memory_space<vmem>>, %arg7: memref<160x128xi32, #tpu.memory_space<vmem>>, %arg8: memref<128x64xf32, #tpu.memory_space<vmem>>, %arg9: memref<128x64xf32, #tpu.memory_space<vmem>>, %arg10: memref<128x64xf32, #tpu.memory_space<vmem>>, %arg11: memref<128x64xf32, #tpu.memory_space<vmem>>, %arg12: memref<128x64xf32, #tpu.memory_space<vmem>>, %arg13: memref<10016x64xf32, #tpu.memory_space<vmem_shared>>, %arg14: memref<!tpu.dma_semaphore, #tpu.memory_space<semaphore_mem>>, %arg15: memref<!tpu.dma_semaphore, #tpu.memory_space<semaphore_mem>>, %arg16: memref<!tpu.dma_semaphore, #tpu.memory_space<semaphore_mem>>, %arg17: memref<!tpu.dma_semaphore, #tpu.memory_space<semaphore_mem>>, %arg18: memref<!tpu.dma_semaphore, #tpu.memory_space<semaphore_mem>>, %arg19: memref<!tpu.dma_semaphore, #tpu.memory_space<semaphore_mem>>, %arg20: memref<!tpu.dma_semaphore, #tpu.memory_space<semaphore_mem>>, %arg21: memref<!tpu.dma_semaphore, #tpu.memory_space<semaphore_mem>>, %arg22: memref<!tpu.dma_semaphore, #tpu.memory_space<semaphore_mem>>, %arg23: memref<!tpu.dma_semaphore, #tpu.memory_space<semaphore_mem>>) attributes {dimension_semantics = [#tpu.dimension_semantics<core_parallel>, #tpu.dimension_semantics<subcore_parallel>], iteration_bounds = array<i64: 2, 16>, scalar_prefetch = 0 : i64, scratch_operands = 18 : i64, tpu.core_type = #tpu.core_type<sc_vector_subcore>, window_params = [{transform_indices = #map}, {transform_indices = #map1}, {transform_indices = #map2}, {transform_indices = #map2}]} {
    "tpu.region"() ({
      %run_scoped3A = tpu.sem_alloc : memref<!tpu.dma_semaphore, #tpu.memory_space<semaphore_mem>>
      %dma_start3A_70 = arith.constant 0 : i32
      %dma_start3A_71 = arith.constant 0 : i32
      %dma_start3A_72 = tpu.memref_slice %arg3[%arg0, %arg1, %dma_start3A_70, %dma_start3A_71] : memref<2x16x160x128xi32, #tpu.memory_space<hbm>> -> memref<1x1x160x128xi32, #tpu.memory_space<hbm>>
      %dma_start3A_73 = tpu.memref_squeeze %dma_start3A_72 : memref<1x1x160x128xi32, #tpu.memory_space<hbm>> -> memref<160x128xi32, #tpu.memory_space<hbm>>
      %dma_start3A_74 = arith.constant 0 : i32
      %dma_start3A_75 = arith.constant 0 : i32
      %dma_start3A_76 = tpu.memref_slice %arg3[%arg0, %arg1, %dma_start3A_74, %dma_start3A_75] : memref<2x16x160x128xi32, #tpu.memory_space<hbm>> -> memref<1x1x160x128xi32, #tpu.memory_space<hbm>>
      %dma_start3A_77 = tpu.memref_squeeze %dma_start3A_76 : memref<1x1x160x128xi32, #tpu.memory_space<hbm>> -> memref<160x128xi32, #tpu.memory_space<hbm>>
      tpu.enqueue_dma source(%dma_start3A_77 : memref<160x128xi32, #tpu.memory_space<hbm>>) target(%arg6 : memref<160x128xi32, #tpu.memory_space<vmem>>) target_semaphore(%run_scoped3A : memref<!tpu.dma_semaphore, #tpu.memory_space<semaphore_mem>>)
      %dma_wait3A_78 = arith.constant 0 : i32
      %dma_wait3A_79 = arith.constant 0 : i32
      %dma_wait3A_80 = tpu.memref_slice %arg3[%arg0, %arg1, %dma_wait3A_78, %dma_wait3A_79] : memref<2x16x160x128xi32, #tpu.memory_space<hbm>> -> memref<1x1x160x128xi32, #tpu.memory_space<hbm>>
      %dma_wait3A_81 = tpu.memref_squeeze %dma_wait3A_80 : memref<1x1x160x128xi32, #tpu.memory_space<hbm>> -> memref<160x128xi32, #tpu.memory_space<hbm>>
      %dma_wait3A_82 = arith.constant 0 : i32
      %dma_wait3A_83 = arith.constant 0 : i32
      %dma_wait3A_84 = tpu.memref_slice %arg3[%arg0, %arg1, %dma_wait3A_82, %dma_wait3A_83] : memref<2x16x160x128xi32, #tpu.memory_space<hbm>> -> memref<1x1x160x128xi32, #tpu.memory_space<hbm>>
      %dma_wait3A_85 = tpu.memref_squeeze %dma_wait3A_84 : memref<1x1x160x128xi32, #tpu.memory_space<hbm>> -> memref<160x128xi32, #tpu.memory_space<hbm>>
      tpu.wait_dma2 semaphore(%run_scoped3A : memref<!tpu.dma_semaphore, #tpu.memory_space<semaphore_mem>>) src(%dma_wait3A_85 : memref<160x128xi32, #tpu.memory_space<hbm>>) dst(%arg6 : memref<160x128xi32, #tpu.memory_space<vmem>>)
      tpu.yield
    }) : () -> ()
    "tpu.region"() ({
      %run_scoped3A = tpu.sem_alloc : memref<!tpu.dma_semaphore, #tpu.memory_space<semaphore_mem>>
      %dma_start3A_70 = arith.constant 0 : i32
      %dma_start3A_71 = arith.constant 0 : i32
      %dma_start3A_72 = tpu.memref_slice %arg4[%arg1, %dma_start3A_70, %dma_start3A_71] : memref<16x160x128xi32, #tpu.memory_space<hbm>> -> memref<1x160x128xi32, #tpu.memory_space<hbm>>
      %dma_start3A_73 = tpu.memref_squeeze %dma_start3A_72 : memref<1x160x128xi32, #tpu.memory_space<hbm>> -> memref<160x128xi32, #tpu.memory_space<hbm>>
      %dma_start3A_74 = arith.constant 0 : i32
      %dma_start3A_75 = arith.constant 0 : i32
      %dma_start3A_76 = tpu.memref_slice %arg4[%arg1, %dma_start3A_74, %dma_start3A_75] : memref<16x160x128xi32, #tpu.memory_space<hbm>> -> memref<1x160x128xi32, #tpu.memory_space<hbm>>
      %dma_start3A_77 = tpu.memref_squeeze %dma_start3A_76 : memref<1x160x128xi32, #tpu.memory_space<hbm>> -> memref<160x128xi32, #tpu.memory_space<hbm>>
      tpu.enqueue_dma source(%dma_start3A_77 : memref<160x128xi32, #tpu.memory_space<hbm>>) target(%arg7 : memref<160x128xi32, #tpu.memory_space<vmem>>) target_semaphore(%run_scoped3A : memref<!tpu.dma_semaphore, #tpu.memory_space<semaphore_mem>>)
      %dma_wait3A_78 = arith.constant 0 : i32
      %dma_wait3A_79 = arith.constant 0 : i32
      %dma_wait3A_80 = tpu.memref_slice %arg4[%arg1, %dma_wait3A_78, %dma_wait3A_79] : memref<16x160x128xi32, #tpu.memory_space<hbm>> -> memref<1x160x128xi32, #tpu.memory_space<hbm>>
      %dma_wait3A_81 = tpu.memref_squeeze %dma_wait3A_80 : memref<1x160x128xi32, #tpu.memory_space<hbm>> -> memref<160x128xi32, #tpu.memory_space<hbm>>
      %dma_wait3A_82 = arith.constant 0 : i32
      %dma_wait3A_83 = arith.constant 0 : i32
      %dma_wait3A_84 = tpu.memref_slice %arg4[%arg1, %dma_wait3A_82, %dma_wait3A_83] : memref<16x160x128xi32, #tpu.memory_space<hbm>> -> memref<1x160x128xi32, #tpu.memory_space<hbm>>
      %dma_wait3A_85 = tpu.memref_squeeze %dma_wait3A_84 : memref<1x160x128xi32, #tpu.memory_space<hbm>> -> memref<160x128xi32, #tpu.memory_space<hbm>>
      tpu.wait_dma2 semaphore(%run_scoped3A : memref<!tpu.dma_semaphore, #tpu.memory_space<semaphore_mem>>) src(%dma_wait3A_85 : memref<160x128xi32, #tpu.memory_space<hbm>>) dst(%arg7 : memref<160x128xi32, #tpu.memory_space<vmem>>)
      tpu.yield
    }) : () -> ()
    %broadcast_in_dim3A = arith.constant 0.000000e+00 : f32
    %broadcast_in_dim3A_0 = vector.broadcast %broadcast_in_dim3A : f32 to vector<16xf32>
    %scan3A = arith.constant 0 : i32
    %scan3A_1 = arith.constant 0 : i32
    %scan3A_2 = arith.constant 128 : i32
    %scan3A_3 = arith.addi %scan3A_1, %scan3A_2 : i32
    %scan3A_4 = arith.constant 1 : i32
    %scan3A_5 = scf.for %scan3A_70 = %scan3A_1 to %scan3A_3 step %scan3A_4 iter_args(%scan3A_71 = %scan3A) -> (i32)  : i32 {
      %swap3A = arith.index_cast %scan3A_70 : i32 to index
      %swap3A_72 = arith.constant 0 : index
      %swap3A_73 = tpu.vector_load %arg8[%swap3A, %swap3A_72] {strides = array<i32>} : memref<128x64xf32, #tpu.memory_space<vmem>>, vector<1x16xf32>,
      %swap3A_74 = vector.shape_cast %swap3A_73 : vector<1x16xf32> to vector<16xf32>
      %swap3A_75 = vector.shape_cast %broadcast_in_dim3A_0 : vector<16xf32> to vector<1x16xf32>
      tpu.vector_store %arg8[%swap3A, %swap3A_72], %swap3A_75 {strides = array<i32>} : memref<128x64xf32, #tpu.memory_space<vmem>>, vector<1x16xf32>,
      %swap3A_76 = arith.index_cast %scan3A_70 : i32 to index
      %swap3A_77 = arith.constant 16 : index
      %swap3A_78 = tpu.vector_load %arg8[%swap3A_76, %swap3A_77] {strides = array<i32>} : memref<128x64xf32, #tpu.memory_space<vmem>>, vector<1x16xf32>,
      %swap3A_79 = vector.shape_cast %swap3A_78 : vector<1x16xf32> to vector<16xf32>
      %swap3A_80 = vector.shape_cast %broadcast_in_dim3A_0 : vector<16xf32> to vector<1x16xf32>
      tpu.vector_store %arg8[%swap3A_76, %swap3A_77], %swap3A_80 {strides = array<i32>} : memref<128x64xf32, #tpu.memory_space<vmem>>, vector<1x16xf32>,
      %swap3A_81 = arith.index_cast %scan3A_70 : i32 to index
      %swap3A_82 = arith.constant 32 : index
      %swap3A_83 = tpu.vector_load %arg8[%swap3A_81, %swap3A_82] {strides = array<i32>} : memref<128x64xf32, #tpu.memory_space<vmem>>, vector<1x16xf32>,
      %swap3A_84 = vector.shape_cast %swap3A_83 : vector<1x16xf32> to vector<16xf32>
      %swap3A_85 = vector.shape_cast %broadcast_in_dim3A_0 : vector<16xf32> to vector<1x16xf32>
      tpu.vector_store %arg8[%swap3A_81, %swap3A_82], %swap3A_85 {strides = array<i32>} : memref<128x64xf32, #tpu.memory_space<vmem>>, vector<1x16xf32>,
      %swap3A_86 = arith.index_cast %scan3A_70 : i32 to index
      %swap3A_87 = arith.constant 48 : index
      %swap3A_88 = tpu.vector_load %arg8[%swap3A_86, %swap3A_87] {strides = array<i32>} : memref<128x64xf32, #tpu.memory_space<vmem>>, vector<1x16xf32>,
      %swap3A_89 = vector.shape_cast %swap3A_88 : vector<1x16xf32> to vector<16xf32>
      %swap3A_90 = vector.shape_cast %broadcast_in_dim3A_0 : vector<16xf32> to vector<1x16xf32>
      tpu.vector_store %arg8[%swap3A_86, %swap3A_87], %swap3A_90 {strides = array<i32>} : memref<128x64xf32, #tpu.memory_space<vmem>>, vector<1x16xf32>,
      %scan3A_91 = arith.constant 0 : i32
      scf.yield %scan3A_91 : i32
    }
    %scan3A_6 = arith.constant 128 : i32
    %mul3A = arith.constant 626 : i32
    %mul3A_7 = arith.muli %arg1, %mul3A : i32
    %add3A = arith.constant 0 : i32
    %add3A_8 = arith.addi %mul3A_7, %add3A : i32
    "tpu.region"() ({
      %run_scoped3A = tpu.sem_alloc : memref<!tpu.dma_semaphore, #tpu.memory_space<semaphore_mem>>
      %dma_start3A_70 = arith.constant 0 : i32
      %dma_start3A_71 = arith.constant 0 : i32
      %dma_start3A_72 = tpu.memref_slice %arg8[%dma_start3A_70, %dma_start3A_71] : memref<128x64xf32, #tpu.memory_space<vmem>> -> memref<128x64xf32, #tpu.memory_space<vmem>>
      %dma_start3A_73 = arith.constant 0 : i32
      %dma_start3A_74 = tpu.memref_slice %arg13[%add3A_8, %dma_start3A_73] : memref<10016x64xf32, #tpu.memory_space<vmem_shared>> -> memref<128x64xf32, #tpu.memory_space<vmem_shared>>
      %dma_start3A_75 = arith.constant 0 : i32
      %dma_start3A_76 = tpu.memref_slice %arg13[%add3A_8, %dma_start3A_75] : memref<10016x64xf32, #tpu.memory_space<vmem_shared>> -> memref<128x64xf32, #tpu.memory_space<vmem_shared>>
      %dma_start3A_77 = arith.constant 0 : i32
      %dma_start3A_78 = arith.constant 0 : i32
      %dma_start3A_79 = tpu.memref_slice %arg8[%dma_start3A_77, %dma_start3A_78] : memref<128x64xf32, #tpu.memory_space<vmem>> -> memref<128x64xf32, #tpu.memory_space<vmem>>
      tpu.enqueue_dma source(%dma_start3A_79 : memref<128x64xf32, #tpu.memory_space<vmem>>) target(%dma_start3A_76 : memref<128x64xf32, #tpu.memory_space<vmem_shared>>) target_semaphore(%run_scoped3A : memref<!tpu.dma_semaphore, #tpu.memory_space<semaphore_mem>>)
      %dma_wait3A_80 = arith.constant 0 : i32
      %dma_wait3A_81 = arith.constant 0 : i32
      %dma_wait3A_82 = tpu.memref_slice %arg8[%dma_wait3A_80, %dma_wait3A_81] : memref<128x64xf32, #tpu.memory_space<vmem>> -> memref<128x64xf32, #tpu.memory_space<vmem>>
      %dma_wait3A_83 = arith.constant 0 : i32
      %dma_wait3A_84 = tpu.memref_slice %arg13[%add3A_8, %dma_wait3A_83] : memref<10016x64xf32, #tpu.memory_space<vmem_shared>> -> memref<128x64xf32, #tpu.memory_space<vmem_shared>>
      %dma_wait3A_85 = arith.constant 0 : i32
      %dma_wait3A_86 = tpu.memref_slice %arg13[%add3A_8, %dma_wait3A_85] : memref<10016x64xf32, #tpu.memory_space<vmem_shared>> -> memref<128x64xf32, #tpu.memory_space<vmem_shared>>
      %dma_wait3A_87 = arith.constant 0 : i32
      %dma_wait3A_88 = arith.constant 0 : i32
      %dma_wait3A_89 = tpu.memref_slice %arg8[%dma_wait3A_87, %dma_wait3A_88] : memref<128x64xf32, #tpu.memory_space<vmem>> -> memref<128x64xf32, #tpu.memory_space<vmem>>
      tpu.wait_dma2 semaphore(%run_scoped3A : memref<!tpu.dma_semaphore, #tpu.memory_space<semaphore_mem>>) src(%dma_wait3A_89 : memref<128x64xf32, #tpu.memory_space<vmem>>) dst(%dma_wait3A_86 : memref<128x64xf32, #tpu.memory_space<vmem_shared>>)
      tpu.yield
    }) : () -> ()
    %mul3A_9 = arith.constant 626 : i32
    %mul3A_10 = arith.muli %arg1, %mul3A_9 : i32
    %add3A_11 = arith.constant 128 : i32
    %add3A_12 = arith.addi %mul3A_10, %add3A_11 : i32
    "tpu.region"() ({
      %run_scoped3A = tpu.sem_alloc : memref<!tpu.dma_semaphore, #tpu.memory_space<semaphore_mem>>
      %dma_start3A_70 = arith.constant 0 : i32
      %dma_start3A_71 = arith.constant 0 : i32
      %dma_start3A_72 = tpu.memref_slice %arg8[%dma_start3A_70, %dma_start3A_71] : memref<128x64xf32, #tpu.memory_space<vmem>> -> memref<128x64xf32, #tpu.memory_space<vmem>>
      %dma_start3A_73 = arith.constant 0 : i32
      %dma_start3A_74 = tpu.memref_slice %arg13[%add3A_12, %dma_start3A_73] : memref<10016x64xf32, #tpu.memory_space<vmem_shared>> -> memref<128x64xf32, #tpu.memory_space<vmem_shared>>
      %dma_start3A_75 = arith.constant 0 : i32
      %dma_start3A_76 = tpu.memref_slice %arg13[%add3A_12, %dma_start3A_75] : memref<10016x64xf32, #tpu.memory_space<vmem_shared>> -> memref<128x64xf32, #tpu.memory_space<vmem_shared>>
      %dma_start3A_77 = arith.constant 0 : i32
      %dma_start3A_78 = arith.constant 0 : i32
      %dma_start3A_79 = tpu.memref_slice %arg8[%dma_start3A_77, %dma_start3A_78] : memref<128x64xf32, #tpu.memory_space<vmem>> -> memref<128x64xf32, #tpu.memory_space<vmem>>
      tpu.enqueue_dma source(%dma_start3A_79 : memref<128x64xf32, #tpu.memory_space<vmem>>) target(%dma_start3A_76 : memref<128x64xf32, #tpu.memory_space<vmem_shared>>) target_semaphore(%run_scoped3A : memref<!tpu.dma_semaphore, #tpu.memory_space<semaphore_mem>>)
      %dma_wait3A_80 = arith.constant 0 : i32
      %dma_wait3A_81 = arith.constant 0 : i32
      %dma_wait3A_82 = tpu.memref_slice %arg8[%dma_wait3A_80, %dma_wait3A_81] : memref<128x64xf32, #tpu.memory_space<vmem>> -> memref<128x64xf32, #tpu.memory_space<vmem>>
      %dma_wait3A_83 = arith.constant 0 : i32
      %dma_wait3A_84 = tpu.memref_slice %arg13[%add3A_12, %dma_wait3A_83] : memref<10016x64xf32, #tpu.memory_space<vmem_shared>> -> memref<128x64xf32, #tpu.memory_space<vmem_shared>>
      %dma_wait3A_85 = arith.constant 0 : i32
      %dma_wait3A_86 = tpu.memref_slice %arg13[%add3A_12, %dma_wait3A_85] : memref<10016x64xf32, #tpu.memory_space<vmem_shared>> -> memref<128x64xf32, #tpu.memory_space<vmem_shared>>
      %dma_wait3A_87 = arith.constant 0 : i32
      %dma_wait3A_88 = arith.constant 0 : i32
      %dma_wait3A_89 = tpu.memref_slice %arg8[%dma_wait3A_87, %dma_wait3A_88] : memref<128x64xf32, #tpu.memory_space<vmem>> -> memref<128x64xf32, #tpu.memory_space<vmem>>
      tpu.wait_dma2 semaphore(%run_scoped3A : memref<!tpu.dma_semaphore, #tpu.memory_space<semaphore_mem>>) src(%dma_wait3A_89 : memref<128x64xf32, #tpu.memory_space<vmem>>) dst(%dma_wait3A_86 : memref<128x64xf32, #tpu.memory_space<vmem_shared>>)
      tpu.yield
    }) : () -> ()
    %mul3A_13 = arith.constant 626 : i32
    %mul3A_14 = arith.muli %arg1, %mul3A_13 : i32
    %add3A_15 = arith.constant 256 : i32
    %add3A_16 = arith.addi %mul3A_14, %add3A_15 : i32
    "tpu.region"() ({
      %run_scoped3A = tpu.sem_alloc : memref<!tpu.dma_semaphore, #tpu.memory_space<semaphore_mem>>
      %dma_start3A_70 = arith.constant 0 : i32
      %dma_start3A_71 = arith.constant 0 : i32
      %dma_start3A_72 = tpu.memref_slice %arg8[%dma_start3A_70, %dma_start3A_71] : memref<128x64xf32, #tpu.memory_space<vmem>> -> memref<128x64xf32, #tpu.memory_space<vmem>>
      %dma_start3A_73 = arith.constant 0 : i32
      %dma_start3A_74 = tpu.memref_slice %arg13[%add3A_16, %dma_start3A_73] : memref<10016x64xf32, #tpu.memory_space<vmem_shared>> -> memref<128x64xf32, #tpu.memory_space<vmem_shared>>
      %dma_start3A_75 = arith.constant 0 : i32
      %dma_start3A_76 = tpu.memref_slice %arg13[%add3A_16, %dma_start3A_75] : memref<10016x64xf32, #tpu.memory_space<vmem_shared>> -> memref<128x64xf32, #tpu.memory_space<vmem_shared>>
      %dma_start3A_77 = arith.constant 0 : i32
      %dma_start3A_78 = arith.constant 0 : i32
      %dma_start3A_79 = tpu.memref_slice %arg8[%dma_start3A_77, %dma_start3A_78] : memref<128x64xf32, #tpu.memory_space<vmem>> -> memref<128x64xf32, #tpu.memory_space<vmem>>
      tpu.enqueue_dma source(%dma_start3A_79 : memref<128x64xf32, #tpu.memory_space<vmem>>) target(%dma_start3A_76 : memref<128x64xf32, #tpu.memory_space<vmem_shared>>) target_semaphore(%run_scoped3A : memref<!tpu.dma_semaphore, #tpu.memory_space<semaphore_mem>>)
      %dma_wait3A_80 = arith.constant 0 : i32
      %dma_wait3A_81 = arith.constant 0 : i32
      %dma_wait3A_82 = tpu.memref_slice %arg8[%dma_wait3A_80, %dma_wait3A_81] : memref<128x64xf32, #tpu.memory_space<vmem>> -> memref<128x64xf32, #tpu.memory_space<vmem>>
      %dma_wait3A_83 = arith.constant 0 : i32
      %dma_wait3A_84 = tpu.memref_slice %arg13[%add3A_16, %dma_wait3A_83] : memref<10016x64xf32, #tpu.memory_space<vmem_shared>> -> memref<128x64xf32, #tpu.memory_space<vmem_shared>>
      %dma_wait3A_85 = arith.constant 0 : i32
      %dma_wait3A_86 = tpu.memref_slice %arg13[%add3A_16, %dma_wait3A_85] : memref<10016x64xf32, #tpu.memory_space<vmem_shared>> -> memref<128x64xf32, #tpu.memory_space<vmem_shared>>
      %dma_wait3A_87 = arith.constant 0 : i32
      %dma_wait3A_88 = arith.constant 0 : i32
      %dma_wait3A_89 = tpu.memref_slice %arg8[%dma_wait3A_87, %dma_wait3A_88] : memref<128x64xf32, #tpu.memory_space<vmem>> -> memref<128x64xf32, #tpu.memory_space<vmem>>
      tpu.wait_dma2 semaphore(%run_scoped3A : memref<!tpu.dma_semaphore, #tpu.memory_space<semaphore_mem>>) src(%dma_wait3A_89 : memref<128x64xf32, #tpu.memory_space<vmem>>) dst(%dma_wait3A_86 : memref<128x64xf32, #tpu.memory_space<vmem_shared>>)
      tpu.yield
    }) : () -> ()
    %mul3A_17 = arith.constant 626 : i32
    %mul3A_18 = arith.muli %arg1, %mul3A_17 : i32
    %add3A_19 = arith.constant 384 : i32
    %add3A_20 = arith.addi %mul3A_18, %add3A_19 : i32
    "tpu.region"() ({
      %run_scoped3A = tpu.sem_alloc : memref<!tpu.dma_semaphore, #tpu.memory_space<semaphore_mem>>
      %dma_start3A_70 = arith.constant 0 : i32
      %dma_start3A_71 = arith.constant 0 : i32
      %dma_start3A_72 = tpu.memref_slice %arg8[%dma_start3A_70, %dma_start3A_71] : memref<128x64xf32, #tpu.memory_space<vmem>> -> memref<128x64xf32, #tpu.memory_space<vmem>>
      %dma_start3A_73 = arith.constant 0 : i32
      %dma_start3A_74 = tpu.memref_slice %arg13[%add3A_20, %dma_start3A_73] : memref<10016x64xf32, #tpu.memory_space<vmem_shared>> -> memref<128x64xf32, #tpu.memory_space<vmem_shared>>
      %dma_start3A_75 = arith.constant 0 : i32
      %dma_start3A_76 = tpu.memref_slice %arg13[%add3A_20, %dma_start3A_75] : memref<10016x64xf32, #tpu.memory_space<vmem_shared>> -> memref<128x64xf32, #tpu.memory_space<vmem_shared>>
      %dma_start3A_77 = arith.constant 0 : i32
      %dma_start3A_78 = arith.constant 0 : i32
      %dma_start3A_79 = tpu.memref_slice %arg8[%dma_start3A_77, %dma_start3A_78] : memref<128x64xf32, #tpu.memory_space<vmem>> -> memref<128x64xf32, #tpu.memory_space<vmem>>
      tpu.enqueue_dma source(%dma_start3A_79 : memref<128x64xf32, #tpu.memory_space<vmem>>) target(%dma_start3A_76 : memref<128x64xf32, #tpu.memory_space<vmem_shared>>) target_semaphore(%run_scoped3A : memref<!tpu.dma_semaphore, #tpu.memory_space<semaphore_mem>>)
      %dma_wait3A_80 = arith.constant 0 : i32
      %dma_wait3A_81 = arith.constant 0 : i32
      %dma_wait3A_82 = tpu.memref_slice %arg8[%dma_wait3A_80, %dma_wait3A_81] : memref<128x64xf32, #tpu.memory_space<vmem>> -> memref<128x64xf32, #tpu.memory_space<vmem>>
      %dma_wait3A_83 = arith.constant 0 : i32
      %dma_wait3A_84 = tpu.memref_slice %arg13[%add3A_20, %dma_wait3A_83] : memref<10016x64xf32, #tpu.memory_space<vmem_shared>> -> memref<128x64xf32, #tpu.memory_space<vmem_shared>>
      %dma_wait3A_85 = arith.constant 0 : i32
      %dma_wait3A_86 = tpu.memref_slice %arg13[%add3A_20, %dma_wait3A_85] : memref<10016x64xf32, #tpu.memory_space<vmem_shared>> -> memref<128x64xf32, #tpu.memory_space<vmem_shared>>
      %dma_wait3A_87 = arith.constant 0 : i32
      %dma_wait3A_88 = arith.constant 0 : i32
      %dma_wait3A_89 = tpu.memref_slice %arg8[%dma_wait3A_87, %dma_wait3A_88] : memref<128x64xf32, #tpu.memory_space<vmem>> -> memref<128x64xf32, #tpu.memory_space<vmem>>
      tpu.wait_dma2 semaphore(%run_scoped3A : memref<!tpu.dma_semaphore, #tpu.memory_space<semaphore_mem>>) src(%dma_wait3A_89 : memref<128x64xf32, #tpu.memory_space<vmem>>) dst(%dma_wait3A_86 : memref<128x64xf32, #tpu.memory_space<vmem_shared>>)
      tpu.yield
    }) : () -> ()
    %mul3A_21 = arith.constant 626 : i32
    %mul3A_22 = arith.muli %arg1, %mul3A_21 : i32
    %add3A_23 = arith.constant 512 : i32
    %add3A_24 = arith.addi %mul3A_22, %add3A_23 : i32
    "tpu.region"() ({
      %run_scoped3A = tpu.sem_alloc : memref<!tpu.dma_semaphore, #tpu.memory_space<semaphore_mem>>
      %dma_start3A_70 = arith.constant 0 : i32
      %dma_start3A_71 = arith.constant 0 : i32
      %dma_start3A_72 = tpu.memref_slice %arg8[%dma_start3A_70, %dma_start3A_71] : memref<128x64xf32, #tpu.memory_space<vmem>> -> memref<114x64xf32, #tpu.memory_space<vmem>>
      %dma_start3A_73 = arith.constant 0 : i32
      %dma_start3A_74 = tpu.memref_slice %arg13[%add3A_24, %dma_start3A_73] : memref<10016x64xf32, #tpu.memory_space<vmem_shared>> -> memref<114x64xf32, #tpu.memory_space<vmem_shared>>
      %dma_start3A_75 = arith.constant 0 : i32
      %dma_start3A_76 = tpu.memref_slice %arg13[%add3A_24, %dma_start3A_75] : memref<10016x64xf32, #tpu.memory_space<vmem_shared>> -> memref<114x64xf32, #tpu.memory_space<vmem_shared>>
      %dma_start3A_77 = arith.constant 0 : i32
      %dma_start3A_78 = arith.constant 0 : i32
      %dma_start3A_79 = tpu.memref_slice %arg8[%dma_start3A_77, %dma_start3A_78] : memref<128x64xf32, #tpu.memory_space<vmem>> -> memref<114x64xf32, #tpu.memory_space<vmem>>
      tpu.enqueue_dma source(%dma_start3A_79 : memref<114x64xf32, #tpu.memory_space<vmem>>) target(%dma_start3A_76 : memref<114x64xf32, #tpu.memory_space<vmem_shared>>) target_semaphore(%run_scoped3A : memref<!tpu.dma_semaphore, #tpu.memory_space<semaphore_mem>>)
      %dma_wait3A_80 = arith.constant 0 : i32
      %dma_wait3A_81 = arith.constant 0 : i32
      %dma_wait3A_82 = tpu.memref_slice %arg8[%dma_wait3A_80, %dma_wait3A_81] : memref<128x64xf32, #tpu.memory_space<vmem>> -> memref<114x64xf32, #tpu.memory_space<vmem>>
      %dma_wait3A_83 = arith.constant 0 : i32
      %dma_wait3A_84 = tpu.memref_slice %arg13[%add3A_24, %dma_wait3A_83] : memref<10016x64xf32, #tpu.memory_space<vmem_shared>> -> memref<114x64xf32, #tpu.memory_space<vmem_shared>>
      %dma_wait3A_85 = arith.constant 0 : i32
      %dma_wait3A_86 = tpu.memref_slice %arg13[%add3A_24, %dma_wait3A_85] : memref<10016x64xf32, #tpu.memory_space<vmem_shared>> -> memref<114x64xf32, #tpu.memory_space<vmem_shared>>
      %dma_wait3A_87 = arith.constant 0 : i32
      %dma_wait3A_88 = arith.constant 0 : i32
      %dma_wait3A_89 = tpu.memref_slice %arg8[%dma_wait3A_87, %dma_wait3A_88] : memref<128x64xf32, #tpu.memory_space<vmem>> -> memref<114x64xf32, #tpu.memory_space<vmem>>
      tpu.wait_dma2 semaphore(%run_scoped3A : memref<!tpu.dma_semaphore, #tpu.memory_space<semaphore_mem>>) src(%dma_wait3A_89 : memref<114x64xf32, #tpu.memory_space<vmem>>) dst(%dma_wait3A_86 : memref<114x64xf32, #tpu.memory_space<vmem_shared>>)
      tpu.yield
    }) : () -> ()
    %barrier3A = arith.constant 0 : index
    tpu.barrier barrier_id(%barrier3A)
    %dma_start3A = arith.constant 0 : i32
    %dma_start3A_25 = arith.constant 0 : i32
    %dma_start3A_26 = tpu.memref_slice %arg6[%dma_start3A, %dma_start3A_25] : memref<160x128xi32, #tpu.memory_space<vmem>> -> memref<1x128xi32, #tpu.memory_space<vmem>>
    %dma_start3A_27 = tpu.memref_squeeze %dma_start3A_26 : memref<1x128xi32, #tpu.memory_space<vmem>> -> memref<128xi32, #tpu.memory_space<vmem>>
    %dma_start3A_28 = arith.constant 0 : i32
    %dma_start3A_29 = arith.constant 0 : i32
    %dma_start3A_30 = tpu.memref_slice %arg2[%dma_start3A_28, %dma_start3A_29] : memref<20000x64xf32, #tpu.memory_space<hbm>> -> memref<20000x64xf32, #tpu.memory_space<hbm>>
    tpu.enqueue_indirect_dma source(%dma_start3A_30 : memref<20000x64xf32, #tpu.memory_space<hbm>>) target(%arg8 : memref<128x64xf32, #tpu.memory_space<vmem>>) offsets(%dma_start3A_27 : memref<128xi32, #tpu.memory_space<vmem>>) semaphore(%arg14 : memref<!tpu.dma_semaphore, #tpu.memory_space<semaphore_mem>>)
    %dma_start3A_31 = arith.constant 1 : i32
    %dma_start3A_32 = arith.constant 0 : i32
    %dma_start3A_33 = tpu.memref_slice %arg6[%dma_start3A_31, %dma_start3A_32] : memref<160x128xi32, #tpu.memory_space<vmem>> -> memref<1x128xi32, #tpu.memory_space<vmem>>
    %dma_start3A_34 = tpu.memref_squeeze %dma_start3A_33 : memref<1x128xi32, #tpu.memory_space<vmem>> -> memref<128xi32, #tpu.memory_space<vmem>>
    %dma_start3A_35 = arith.constant 0 : i32
    %dma_start3A_36 = arith.constant 0 : i32
    %dma_start3A_37 = tpu.memref_slice %arg2[%dma_start3A_35, %dma_start3A_36] : memref<20000x64xf32, #tpu.memory_space<hbm>> -> memref<20000x64xf32, #tpu.memory_space<hbm>>
    tpu.enqueue_indirect_dma source(%dma_start3A_37 : memref<20000x64xf32, #tpu.memory_space<hbm>>) target(%arg9 : memref<128x64xf32, #tpu.memory_space<vmem>>) offsets(%dma_start3A_34 : memref<128xi32, #tpu.memory_space<vmem>>) semaphore(%arg15 : memref<!tpu.dma_semaphore, #tpu.memory_space<semaphore_mem>>)
    %scan3A_38 = arith.constant 0 : i32
    %scan3A_39 = arith.constant 0 : i32
    %scan3A_40 = arith.constant 32 : i32
    %scan3A_41 = arith.addi %scan3A_39, %scan3A_40 : i32
    %scan3A_42 = arith.constant 1 : i32
    %scan3A_43 = scf.for %scan3A_70 = %scan3A_39 to %scan3A_41 step %scan3A_42 iter_args(%scan3A_71 = %scan3A_38) -> (i32)  : i32 {
      %mul3A_72 = arith.constant 5 : i32
      %mul3A_73 = arith.muli %scan3A_70, %mul3A_72 : i32
      %add3A_74 = arith.constant 0 : i32
      %add3A_75 = arith.addi %mul3A_73, %add3A_74 : i32
      %dma_wait3A_76 = arith.constant 0 : i32
      %dma_wait3A_77 = tpu.memref_slice %arg6[%add3A_75, %dma_wait3A_76] : memref<160x128xi32, #tpu.memory_space<vmem>> -> memref<1x128xi32, #tpu.memory_space<vmem>>
      %dma_wait3A_78 = tpu.memref_squeeze %dma_wait3A_77 : memref<1x128xi32, #tpu.memory_space<vmem>> -> memref<128xi32, #tpu.memory_space<vmem>>
      %dma_wait3A_79 = arith.constant 0 : i32
      %dma_wait3A_80 = arith.constant 0 : i32
      %dma_wait3A_81 = tpu.memref_slice %arg2[%dma_wait3A_79, %dma_wait3A_80] : memref<20000x64xf32, #tpu.memory_space<hbm>> -> memref<20000x64xf32, #tpu.memory_space<hbm>>
      tpu.wait_indirect_dma semaphore(%arg14 : memref<!tpu.dma_semaphore, #tpu.memory_space<semaphore_mem>>) src(%dma_wait3A_81 : memref<20000x64xf32, #tpu.memory_space<hbm>>) dst(%arg8 : memref<128x64xf32, #tpu.memory_space<vmem>>)
      %dma_start3A_82 = arith.constant 0 : i32
      %dma_start3A_83 = tpu.memref_slice %arg7[%add3A_75, %dma_start3A_82] : memref<160x128xi32, #tpu.memory_space<vmem>> -> memref<1x128xi32, #tpu.memory_space<vmem>>
      %dma_start3A_84 = tpu.memref_squeeze %dma_start3A_83 : memref<1x128xi32, #tpu.memory_space<vmem>> -> memref<128xi32, #tpu.memory_space<vmem>>
      %dma_start3A_85 = arith.constant 0 : i32
      %dma_start3A_86 = arith.constant 0 : i32
      %dma_start3A_87 = tpu.memref_slice %arg13[%dma_start3A_85, %dma_start3A_86] : memref<10016x64xf32, #tpu.memory_space<vmem_shared>> -> memref<10016x64xf32, #tpu.memory_space<vmem_shared>>
      tpu.enqueue_indirect_dma source(%arg8 : memref<128x64xf32, #tpu.memory_space<vmem>>) target(%dma_start3A_87 : memref<10016x64xf32, #tpu.memory_space<vmem_shared>>) offsets(%dma_start3A_84 : memref<128xi32, #tpu.memory_space<vmem>>) semaphore(%arg19 : memref<!tpu.dma_semaphore, #tpu.memory_space<semaphore_mem>>) {add = true}
      %add3A_88 = arith.constant 2 : i32
      %add3A_89 = arith.addi %add3A_75, %add3A_88 : i32
      %sub3A = arith.constant 5 : i32
      %sub3A_90 = arith.subi %add3A_89, %sub3A : i32
      %ge3A = arith.constant 0 : i32
      %ge3A_91 = arith.cmpi sge, %sub3A_90, %ge3A : i32
      %convert_element_type3A = arith.extui %ge3A_91 : i1 to i32
      %cond3A = arith.constant 0 : i32
      %cond3A_92 = arith.cmpi ne, %convert_element_type3A, %cond3A : i32
      scf.if %cond3A_92 {
        %dma_wait3A_228 = arith.constant 0 : i32
        %dma_wait3A_229 = tpu.memref_slice %arg7[%sub3A_90, %dma_wait3A_228] : memref<160x128xi32, #tpu.memory_space<vmem>> -> memref<1x128xi32, #tpu.memory_space<vmem>>
        %dma_wait3A_230 = tpu.memref_squeeze %dma_wait3A_229 : memref<1x128xi32, #tpu.memory_space<vmem>> -> memref<128xi32, #tpu.memory_space<vmem>>
        %dma_wait3A_231 = arith.constant 0 : i32
        %dma_wait3A_232 = arith.constant 0 : i32
        %dma_wait3A_233 = tpu.memref_slice %arg13[%dma_wait3A_231, %dma_wait3A_232] : memref<10016x64xf32, #tpu.memory_space<vmem_shared>> -> memref<10016x64xf32, #tpu.memory_space<vmem_shared>>
        tpu.wait_indirect_dma semaphore(%arg21 : memref<!tpu.dma_semaphore, #tpu.memory_space<semaphore_mem>>) src(%arg10 : memref<128x64xf32, #tpu.memory_space<vmem>>) dst(%dma_wait3A_233 : memref<10016x64xf32, #tpu.memory_space<vmem_shared>>)
      } else {
      }
      %add3A_93 = arith.constant 2 : i32
      %add3A_94 = arith.addi %add3A_75, %add3A_93 : i32
      %lt3A = arith.constant 160 : i32
      %lt3A_95 = arith.cmpi slt, %add3A_94, %lt3A : i32
      %convert_element_type3A_96 = arith.extui %lt3A_95 : i1 to i32
      %cond3A_97 = arith.constant 0 : i32
      %cond3A_98 = arith.cmpi ne, %convert_element_type3A_96, %cond3A_97 : i32
      scf.if %cond3A_98 {
        %add3A_228 = arith.constant 2 : i32
        %add3A_229 = arith.addi %add3A_75, %add3A_228 : i32
        %dma_start3A_230 = arith.constant 0 : i32
        %dma_start3A_231 = tpu.memref_slice %arg6[%add3A_229, %dma_start3A_230] : memref<160x128xi32, #tpu.memory_space<vmem>> -> memref<1x128xi32, #tpu.memory_space<vmem>>
        %dma_start3A_232 = tpu.memref_squeeze %dma_start3A_231 : memref<1x128xi32, #tpu.memory_space<vmem>> -> memref<128xi32, #tpu.memory_space<vmem>>
        %dma_start3A_233 = arith.constant 0 : i32
        %dma_start3A_234 = arith.constant 0 : i32
        %dma_start3A_235 = tpu.memref_slice %arg2[%dma_start3A_233, %dma_start3A_234] : memref<20000x64xf32, #tpu.memory_space<hbm>> -> memref<20000x64xf32, #tpu.memory_space<hbm>>
        tpu.enqueue_indirect_dma source(%dma_start3A_235 : memref<20000x64xf32, #tpu.memory_space<hbm>>) target(%arg10 : memref<128x64xf32, #tpu.memory_space<vmem>>) offsets(%dma_start3A_232 : memref<128xi32, #tpu.memory_space<vmem>>) semaphore(%arg16 : memref<!tpu.dma_semaphore, #tpu.memory_space<semaphore_mem>>)
      } else {
      }
      %mul3A_99 = arith.constant 5 : i32
      %mul3A_100 = arith.muli %scan3A_70, %mul3A_99 : i32
      %add3A_101 = arith.constant 1 : i32
      %add3A_102 = arith.addi %mul3A_100, %add3A_101 : i32
      %dma_wait3A_103 = arith.constant 0 : i32
      %dma_wait3A_104 = tpu.memref_slice %arg6[%add3A_102, %dma_wait3A_103] : memref<160x128xi32, #tpu.memory_space<vmem>> -> memref<1x128xi32, #tpu.memory_space<vmem>>
      %dma_wait3A_105 = tpu.memref_squeeze %dma_wait3A_104 : memref<1x128xi32, #tpu.memory_space<vmem>> -> memref<128xi32, #tpu.memory_space<vmem>>
      %dma_wait3A_106 = arith.constant 0 : i32
      %dma_wait3A_107 = arith.constant 0 : i32
      %dma_wait3A_108 = tpu.memref_slice %arg2[%dma_wait3A_106, %dma_wait3A_107] : memref<20000x64xf32, #tpu.memory_space<hbm>> -> memref<20000x64xf32, #tpu.memory_space<hbm>>
      tpu.wait_indirect_dma semaphore(%arg15 : memref<!tpu.dma_semaphore, #tpu.memory_space<semaphore_mem>>) src(%dma_wait3A_108 : memref<20000x64xf32, #tpu.memory_space<hbm>>) dst(%arg9 : memref<128x64xf32, #tpu.memory_space<vmem>>)
      %dma_start3A_109 = arith.constant 0 : i32
      %dma_start3A_110 = tpu.memref_slice %arg7[%add3A_102, %dma_start3A_109] : memref<160x128xi32, #tpu.memory_space<vmem>> -> memref<1x128xi32, #tpu.memory_space<vmem>>
      %dma_start3A_111 = tpu.memref_squeeze %dma_start3A_110 : memref<1x128xi32, #tpu.memory_space<vmem>> -> memref<128xi32, #tpu.memory_space<vmem>>
      %dma_start3A_112 = arith.constant 0 : i32
      %dma_start3A_113 = arith.constant 0 : i32
      %dma_start3A_114 = tpu.memref_slice %arg13[%dma_start3A_112, %dma_start3A_113] : memref<10016x64xf32, #tpu.memory_space<vmem_shared>> -> memref<10016x64xf32, #tpu.memory_space<vmem_shared>>
      tpu.enqueue_indirect_dma source(%arg9 : memref<128x64xf32, #tpu.memory_space<vmem>>) target(%dma_start3A_114 : memref<10016x64xf32, #tpu.memory_space<vmem_shared>>) offsets(%dma_start3A_111 : memref<128xi32, #tpu.memory_space<vmem>>) semaphore(%arg20 : memref<!tpu.dma_semaphore, #tpu.memory_space<semaphore_mem>>) {add = true}
      %add3A_115 = arith.constant 2 : i32
      %add3A_116 = arith.addi %add3A_102, %add3A_115 : i32
      %sub3A_117 = arith.constant 5 : i32
      %sub3A_118 = arith.subi %add3A_116, %sub3A_117 : i32
      %ge3A_119 = arith.constant 0 : i32
      %ge3A_120 = arith.cmpi sge, %sub3A_118, %ge3A_119 : i32
      %convert_element_type3A_121 = arith.extui %ge3A_120 : i1 to i32
      %cond3A_122 = arith.constant 0 : i32
      %cond3A_123 = arith.cmpi ne, %convert_element_type3A_121, %cond3A_122 : i32
      scf.if %cond3A_123 {
        %dma_wait3A_228 = arith.constant 0 : i32
        %dma_wait3A_229 = tpu.memref_slice %arg7[%sub3A_118, %dma_wait3A_228] : memref<160x128xi32, #tpu.memory_space<vmem>> -> memref<1x128xi32, #tpu.memory_space<vmem>>
        %dma_wait3A_230 = tpu.memref_squeeze %dma_wait3A_229 : memref<1x128xi32, #tpu.memory_space<vmem>> -> memref<128xi32, #tpu.memory_space<vmem>>
        %dma_wait3A_231 = arith.constant 0 : i32
        %dma_wait3A_232 = arith.constant 0 : i32
        %dma_wait3A_233 = tpu.memref_slice %arg13[%dma_wait3A_231, %dma_wait3A_232] : memref<10016x64xf32, #tpu.memory_space<vmem_shared>> -> memref<10016x64xf32, #tpu.memory_space<vmem_shared>>
        tpu.wait_indirect_dma semaphore(%arg22 : memref<!tpu.dma_semaphore, #tpu.memory_space<semaphore_mem>>) src(%arg11 : memref<128x64xf32, #tpu.memory_space<vmem>>) dst(%dma_wait3A_233 : memref<10016x64xf32, #tpu.memory_space<vmem_shared>>)
      } else {
      }
      %add3A_124 = arith.constant 2 : i32
      %add3A_125 = arith.addi %add3A_102, %add3A_124 : i32
      %lt3A_126 = arith.constant 160 : i32
      %lt3A_127 = arith.cmpi slt, %add3A_125, %lt3A_126 : i32
      %convert_element_type3A_128 = arith.extui %lt3A_127 : i1 to i32
      %cond3A_129 = arith.constant 0 : i32
      %cond3A_130 = arith.cmpi ne, %convert_element_type3A_128, %cond3A_129 : i32
      scf.if %cond3A_130 {
        %add3A_228 = arith.constant 2 : i32
        %add3A_229 = arith.addi %add3A_102, %add3A_228 : i32
        %dma_start3A_230 = arith.constant 0 : i32
        %dma_start3A_231 = tpu.memref_slice %arg6[%add3A_229, %dma_start3A_230] : memref<160x128xi32, #tpu.memory_space<vmem>> -> memref<1x128xi32, #tpu.memory_space<vmem>>
        %dma_start3A_232 = tpu.memref_squeeze %dma_start3A_231 : memref<1x128xi32, #tpu.memory_space<vmem>> -> memref<128xi32, #tpu.memory_space<vmem>>
        %dma_start3A_233 = arith.constant 0 : i32
        %dma_start3A_234 = arith.constant 0 : i32
        %dma_start3A_235 = tpu.memref_slice %arg2[%dma_start3A_233, %dma_start3A_234] : memref<20000x64xf32, #tpu.memory_space<hbm>> -> memref<20000x64xf32, #tpu.memory_space<hbm>>
        tpu.enqueue_indirect_dma source(%dma_start3A_235 : memref<20000x64xf32, #tpu.memory_space<hbm>>) target(%arg11 : memref<128x64xf32, #tpu.memory_space<vmem>>) offsets(%dma_start3A_232 : memref<128xi32, #tpu.memory_space<vmem>>) semaphore(%arg17 : memref<!tpu.dma_semaphore, #tpu.memory_space<semaphore_mem>>)
      } else {
      }
      %mul3A_131 = arith.constant 5 : i32
      %mul3A_132 = arith.muli %scan3A_70, %mul3A_131 : i32
      %add3A_133 = arith.constant 2 : i32
      %add3A_134 = arith.addi %mul3A_132, %add3A_133 : i32
      %dma_wait3A_135 = arith.constant 0 : i32
      %dma_wait3A_136 = tpu.memref_slice %arg6[%add3A_134, %dma_wait3A_135] : memref<160x128xi32, #tpu.memory_space<vmem>> -> memref<1x128xi32, #tpu.memory_space<vmem>>
      %dma_wait3A_137 = tpu.memref_squeeze %dma_wait3A_136 : memref<1x128xi32, #tpu.memory_space<vmem>> -> memref<128xi32, #tpu.memory_space<vmem>>
      %dma_wait3A_138 = arith.constant 0 : i32
      %dma_wait3A_139 = arith.constant 0 : i32
      %dma_wait3A_140 = tpu.memref_slice %arg2[%dma_wait3A_138, %dma_wait3A_139] : memref<20000x64xf32, #tpu.memory_space<hbm>> -> memref<20000x64xf32, #tpu.memory_space<hbm>>
      tpu.wait_indirect_dma semaphore(%arg16 : memref<!tpu.dma_semaphore, #tpu.memory_space<semaphore_mem>>) src(%dma_wait3A_140 : memref<20000x64xf32, #tpu.memory_space<hbm>>) dst(%arg10 : memref<128x64xf32, #tpu.memory_space<vmem>>)
      %dma_start3A_141 = arith.constant 0 : i32
      %dma_start3A_142 = tpu.memref_slice %arg7[%add3A_134, %dma_start3A_141] : memref<160x128xi32, #tpu.memory_space<vmem>> -> memref<1x128xi32, #tpu.memory_space<vmem>>
      %dma_start3A_143 = tpu.memref_squeeze %dma_start3A_142 : memref<1x128xi32, #tpu.memory_space<vmem>> -> memref<128xi32, #tpu.memory_space<vmem>>
      %dma_start3A_144 = arith.constant 0 : i32
      %dma_start3A_145 = arith.constant 0 : i32
      %dma_start3A_146 = tpu.memref_slice %arg13[%dma_start3A_144, %dma_start3A_145] : memref<10016x64xf32, #tpu.memory_space<vmem_shared>> -> memref<10016x64xf32, #tpu.memory_space<vmem_shared>>
      tpu.enqueue_indirect_dma source(%arg10 : memref<128x64xf32, #tpu.memory_space<vmem>>) target(%dma_start3A_146 : memref<10016x64xf32, #tpu.memory_space<vmem_shared>>) offsets(%dma_start3A_143 : memref<128xi32, #tpu.memory_space<vmem>>) semaphore(%arg21 : memref<!tpu.dma_semaphore, #tpu.memory_space<semaphore_mem>>) {add = true}
      %add3A_147 = arith.constant 2 : i32
      %add3A_148 = arith.addi %add3A_134, %add3A_147 : i32
      %sub3A_149 = arith.constant 5 : i32
      %sub3A_150 = arith.subi %add3A_148, %sub3A_149 : i32
      %ge3A_151 = arith.constant 0 : i32
      %ge3A_152 = arith.cmpi sge, %sub3A_150, %ge3A_151 : i32
      %convert_element_type3A_153 = arith.extui %ge3A_152 : i1 to i32
      %cond3A_154 = arith.constant 0 : i32
      %cond3A_155 = arith.cmpi ne, %convert_element_type3A_153, %cond3A_154 : i32
      scf.if %cond3A_155 {
        %dma_wait3A_228 = arith.constant 0 : i32
        %dma_wait3A_229 = tpu.memref_slice %arg7[%sub3A_150, %dma_wait3A_228] : memref<160x128xi32, #tpu.memory_space<vmem>> -> memref<1x128xi32, #tpu.memory_space<vmem>>
        %dma_wait3A_230 = tpu.memref_squeeze %dma_wait3A_229 : memref<1x128xi32, #tpu.memory_space<vmem>> -> memref<128xi32, #tpu.memory_space<vmem>>
        %dma_wait3A_231 = arith.constant 0 : i32
        %dma_wait3A_232 = arith.constant 0 : i32
        %dma_wait3A_233 = tpu.memref_slice %arg13[%dma_wait3A_231, %dma_wait3A_232] : memref<10016x64xf32, #tpu.memory_space<vmem_shared>> -> memref<10016x64xf32, #tpu.memory_space<vmem_shared>>
        tpu.wait_indirect_dma semaphore(%arg23 : memref<!tpu.dma_semaphore, #tpu.memory_space<semaphore_mem>>) src(%arg12 : memref<128x64xf32, #tpu.memory_space<vmem>>) dst(%dma_wait3A_233 : memref<10016x64xf32, #tpu.memory_space<vmem_shared>>)
      } else {
      }
      %add3A_156 = arith.constant 2 : i32
      %add3A_157 = arith.addi %add3A_134, %add3A_156 : i32
      %lt3A_158 = arith.constant 160 : i32
      %lt3A_159 = arith.cmpi slt, %add3A_157, %lt3A_158 : i32
      %convert_element_type3A_160 = arith.extui %lt3A_159 : i1 to i32
      %cond3A_161 = arith.constant 0 : i32
      %cond3A_162 = arith.cmpi ne, %convert_element_type3A_160, %cond3A_161 : i32
      scf.if %cond3A_162 {
        %add3A_228 = arith.constant 2 : i32
        %add3A_229 = arith.addi %add3A_134, %add3A_228 : i32
        %dma_start3A_230 = arith.constant 0 : i32
        %dma_start3A_231 = tpu.memref_slice %arg6[%add3A_229, %dma_start3A_230] : memref<160x128xi32, #tpu.memory_space<vmem>> -> memref<1x128xi32, #tpu.memory_space<vmem>>
        %dma_start3A_232 = tpu.memref_squeeze %dma_start3A_231 : memref<1x128xi32, #tpu.memory_space<vmem>> -> memref<128xi32, #tpu.memory_space<vmem>>
        %dma_start3A_233 = arith.constant 0 : i32
        %dma_start3A_234 = arith.constant 0 : i32
        %dma_start3A_235 = tpu.memref_slice %arg2[%dma_start3A_233, %dma_start3A_234] : memref<20000x64xf32, #tpu.memory_space<hbm>> -> memref<20000x64xf32, #tpu.memory_space<hbm>>
        tpu.enqueue_indirect_dma source(%dma_start3A_235 : memref<20000x64xf32, #tpu.memory_space<hbm>>) target(%arg12 : memref<128x64xf32, #tpu.memory_space<vmem>>) offsets(%dma_start3A_232 : memref<128xi32, #tpu.memory_space<vmem>>) semaphore(%arg18 : memref<!tpu.dma_semaphore, #tpu.memory_space<semaphore_mem>>)
      } else {
      }
      %mul3A_163 = arith.constant 5 : i32
      %mul3A_164 = arith.muli %scan3A_70, %mul3A_163 : i32
      %add3A_165 = arith.constant 3 : i32
      %add3A_166 = arith.addi %mul3A_164, %add3A_165 : i32
      %dma_wait3A_167 = arith.constant 0 : i32
      %dma_wait3A_168 = tpu.memref_slice %arg6[%add3A_166, %dma_wait3A_167] : memref<160x128xi32, #tpu.memory_space<vmem>> -> memref<1x128xi32, #tpu.memory_space<vmem>>
      %dma_wait3A_169 = tpu.memref_squeeze %dma_wait3A_168 : memref<1x128xi32, #tpu.memory_space<vmem>> -> memref<128xi32, #tpu.memory_space<vmem>>
      %dma_wait3A_170 = arith.constant 0 : i32
      %dma_wait3A_171 = arith.constant 0 : i32
      %dma_wait3A_172 = tpu.memref_slice %arg2[%dma_wait3A_170, %dma_wait3A_171] : memref<20000x64xf32, #tpu.memory_space<hbm>> -> memref<20000x64xf32, #tpu.memory_space<hbm>>
      tpu.wait_indirect_dma semaphore(%arg17 : memref<!tpu.dma_semaphore, #tpu.memory_space<semaphore_mem>>) src(%dma_wait3A_172 : memref<20000x64xf32, #tpu.memory_space<hbm>>) dst(%arg11 : memref<128x64xf32, #tpu.memory_space<vmem>>)
      %dma_start3A_173 = arith.constant 0 : i32
      %dma_start3A_174 = tpu.memref_slice %arg7[%add3A_166, %dma_start3A_173] : memref<160x128xi32, #tpu.memory_space<vmem>> -> memref<1x128xi32, #tpu.memory_space<vmem>>
      %dma_start3A_175 = tpu.memref_squeeze %dma_start3A_174 : memref<1x128xi32, #tpu.memory_space<vmem>> -> memref<128xi32, #tpu.memory_space<vmem>>
      %dma_start3A_176 = arith.constant 0 : i32
      %dma_start3A_177 = arith.constant 0 : i32
      %dma_start3A_178 = tpu.memref_slice %arg13[%dma_start3A_176, %dma_start3A_177] : memref<10016x64xf32, #tpu.memory_space<vmem_shared>> -> memref<10016x64xf32, #tpu.memory_space<vmem_shared>>
      tpu.enqueue_indirect_dma source(%arg11 : memref<128x64xf32, #tpu.memory_space<vmem>>) target(%dma_start3A_178 : memref<10016x64xf32, #tpu.memory_space<vmem_shared>>) offsets(%dma_start3A_175 : memref<128xi32, #tpu.memory_space<vmem>>) semaphore(%arg22 : memref<!tpu.dma_semaphore, #tpu.memory_space<semaphore_mem>>) {add = true}
      %add3A_179 = arith.constant 2 : i32
      %add3A_180 = arith.addi %add3A_166, %add3A_179 : i32
      %sub3A_181 = arith.constant 5 : i32
      %sub3A_182 = arith.subi %add3A_180, %sub3A_181 : i32
      %ge3A_183 = arith.constant 0 : i32
      %ge3A_184 = arith.cmpi sge, %sub3A_182, %ge3A_183 : i32
      %convert_element_type3A_185 = arith.extui %ge3A_184 : i1 to i32
      %cond3A_186 = arith.constant 0 : i32
      %cond3A_187 = arith.cmpi ne, %convert_element_type3A_185, %cond3A_186 : i32
      scf.if %cond3A_187 {
        %dma_wait3A_228 = arith.constant 0 : i32
        %dma_wait3A_229 = tpu.memref_slice %arg7[%sub3A_182, %dma_wait3A_228] : memref<160x128xi32, #tpu.memory_space<vmem>> -> memref<1x128xi32, #tpu.memory_space<vmem>>
        %dma_wait3A_230 = tpu.memref_squeeze %dma_wait3A_229 : memref<1x128xi32, #tpu.memory_space<vmem>> -> memref<128xi32, #tpu.memory_space<vmem>>
        %dma_wait3A_231 = arith.constant 0 : i32
        %dma_wait3A_232 = arith.constant 0 : i32
        %dma_wait3A_233 = tpu.memref_slice %arg13[%dma_wait3A_231, %dma_wait3A_232] : memref<10016x64xf32, #tpu.memory_space<vmem_shared>> -> memref<10016x64xf32, #tpu.memory_space<vmem_shared>>
        tpu.wait_indirect_dma semaphore(%arg19 : memref<!tpu.dma_semaphore, #tpu.memory_space<semaphore_mem>>) src(%arg8 : memref<128x64xf32, #tpu.memory_space<vmem>>) dst(%dma_wait3A_233 : memref<10016x64xf32, #tpu.memory_space<vmem_shared>>)
      } else {
      }
      %add3A_188 = arith.constant 2 : i32
      %add3A_189 = arith.addi %add3A_166, %add3A_188 : i32
      %lt3A_190 = arith.constant 160 : i32
      %lt3A_191 = arith.cmpi slt, %add3A_189, %lt3A_190 : i32
      %convert_element_type3A_192 = arith.extui %lt3A_191 : i1 to i32
      %cond3A_193 = arith.constant 0 : i32
      %cond3A_194 = arith.cmpi ne, %convert_element_type3A_192, %cond3A_193 : i32
      scf.if %cond3A_194 {
        %add3A_228 = arith.constant 2 : i32
        %add3A_229 = arith.addi %add3A_166, %add3A_228 : i32
        %dma_start3A_230 = arith.constant 0 : i32
        %dma_start3A_231 = tpu.memref_slice %arg6[%add3A_229, %dma_start3A_230] : memref<160x128xi32, #tpu.memory_space<vmem>> -> memref<1x128xi32, #tpu.memory_space<vmem>>
        %dma_start3A_232 = tpu.memref_squeeze %dma_start3A_231 : memref<1x128xi32, #tpu.memory_space<vmem>> -> memref<128xi32, #tpu.memory_space<vmem>>
        %dma_start3A_233 = arith.constant 0 : i32
        %dma_start3A_234 = arith.constant 0 : i32
        %dma_start3A_235 = tpu.memref_slice %arg2[%dma_start3A_233, %dma_start3A_234] : memref<20000x64xf32, #tpu.memory_space<hbm>> -> memref<20000x64xf32, #tpu.memory_space<hbm>>
        tpu.enqueue_indirect_dma source(%dma_start3A_235 : memref<20000x64xf32, #tpu.memory_space<hbm>>) target(%arg8 : memref<128x64xf32, #tpu.memory_space<vmem>>) offsets(%dma_start3A_232 : memref<128xi32, #tpu.memory_space<vmem>>) semaphore(%arg14 : memref<!tpu.dma_semaphore, #tpu.memory_space<semaphore_mem>>)
      } else {
      }
      %mul3A_195 = arith.constant 5 : i32
      %mul3A_196 = arith.muli %scan3A_70, %mul3A_195 : i32
      %add3A_197 = arith.constant 4 : i32
      %add3A_198 = arith.addi %mul3A_196, %add3A_197 : i32
      %dma_wait3A_199 = arith.constant 0 : i32
      %dma_wait3A_200 = tpu.memref_slice %arg6[%add3A_198, %dma_wait3A_199] : memref<160x128xi32, #tpu.memory_space<vmem>> -> memref<1x128xi32, #tpu.memory_space<vmem>>
      %dma_wait3A_201 = tpu.memref_squeeze %dma_wait3A_200 : memref<1x128xi32, #tpu.memory_space<vmem>> -> memref<128xi32, #tpu.memory_space<vmem>>
      %dma_wait3A_202 = arith.constant 0 : i32
      %dma_wait3A_203 = arith.constant 0 : i32
      %dma_wait3A_204 = tpu.memref_slice %arg2[%dma_wait3A_202, %dma_wait3A_203] : memref<20000x64xf32, #tpu.memory_space<hbm>> -> memref<20000x64xf32, #tpu.memory_space<hbm>>
      tpu.wait_indirect_dma semaphore(%arg18 : memref<!tpu.dma_semaphore, #tpu.memory_space<semaphore_mem>>) src(%dma_wait3A_204 : memref<20000x64xf32, #tpu.memory_space<hbm>>) dst(%arg12 : memref<128x64xf32, #tpu.memory_space<vmem>>)
      %dma_start3A_205 = arith.constant 0 : i32
      %dma_start3A_206 = tpu.memref_slice %arg7[%add3A_198, %dma_start3A_205] : memref<160x128xi32, #tpu.memory_space<vmem>> -> memref<1x128xi32, #tpu.memory_space<vmem>>
      %dma_start3A_207 = tpu.memref_squeeze %dma_start3A_206 : memref<1x128xi32, #tpu.memory_space<vmem>> -> memref<128xi32, #tpu.memory_space<vmem>>
      %dma_start3A_208 = arith.constant 0 : i32
      %dma_start3A_209 = arith.constant 0 : i32
      %dma_start3A_210 = tpu.memref_slice %arg13[%dma_start3A_208, %dma_start3A_209] : memref<10016x64xf32, #tpu.memory_space<vmem_shared>> -> memref<10016x64xf32, #tpu.memory_space<vmem_shared>>
      tpu.enqueue_indirect_dma source(%arg12 : memref<128x64xf32, #tpu.memory_space<vmem>>) target(%dma_start3A_210 : memref<10016x64xf32, #tpu.memory_space<vmem_shared>>) offsets(%dma_start3A_207 : memref<128xi32, #tpu.memory_space<vmem>>) semaphore(%arg23 : memref<!tpu.dma_semaphore, #tpu.memory_space<semaphore_mem>>) {add = true}
      %add3A_211 = arith.constant 2 : i32
      %add3A_212 = arith.addi %add3A_198, %add3A_211 : i32
      %sub3A_213 = arith.constant 5 : i32
      %sub3A_214 = arith.subi %add3A_212, %sub3A_213 : i32
      %ge3A_215 = arith.constant 0 : i32
      %ge3A_216 = arith.cmpi sge, %sub3A_214, %ge3A_215 : i32
      %convert_element_type3A_217 = arith.extui %ge3A_216 : i1 to i32
      %cond3A_218 = arith.constant 0 : i32
      %cond3A_219 = arith.cmpi ne, %convert_element_type3A_217, %cond3A_218 : i32
      scf.if %cond3A_219 {
        %dma_wait3A_228 = arith.constant 0 : i32
        %dma_wait3A_229 = tpu.memref_slice %arg7[%sub3A_214, %dma_wait3A_228] : memref<160x128xi32, #tpu.memory_space<vmem>> -> memref<1x128xi32, #tpu.memory_space<vmem>>
        %dma_wait3A_230 = tpu.memref_squeeze %dma_wait3A_229 : memref<1x128xi32, #tpu.memory_space<vmem>> -> memref<128xi32, #tpu.memory_space<vmem>>
        %dma_wait3A_231 = arith.constant 0 : i32
        %dma_wait3A_232 = arith.constant 0 : i32
        %dma_wait3A_233 = tpu.memref_slice %arg13[%dma_wait3A_231, %dma_wait3A_232] : memref<10016x64xf32, #tpu.memory_space<vmem_shared>> -> memref<10016x64xf32, #tpu.memory_space<vmem_shared>>
        tpu.wait_indirect_dma semaphore(%arg20 : memref<!tpu.dma_semaphore, #tpu.memory_space<semaphore_mem>>) src(%arg9 : memref<128x64xf32, #tpu.memory_space<vmem>>) dst(%dma_wait3A_233 : memref<10016x64xf32, #tpu.memory_space<vmem_shared>>)
      } else {
      }
      %add3A_220 = arith.constant 2 : i32
      %add3A_221 = arith.addi %add3A_198, %add3A_220 : i32
      %lt3A_222 = arith.constant 160 : i32
      %lt3A_223 = arith.cmpi slt, %add3A_221, %lt3A_222 : i32
      %convert_element_type3A_224 = arith.extui %lt3A_223 : i1 to i32
      %cond3A_225 = arith.constant 0 : i32
      %cond3A_226 = arith.cmpi ne, %convert_element_type3A_224, %cond3A_225 : i32
      scf.if %cond3A_226 {
        %add3A_228 = arith.constant 2 : i32
        %add3A_229 = arith.addi %add3A_198, %add3A_228 : i32
        %dma_start3A_230 = arith.constant 0 : i32
        %dma_start3A_231 = tpu.memref_slice %arg6[%add3A_229, %dma_start3A_230] : memref<160x128xi32, #tpu.memory_space<vmem>> -> memref<1x128xi32, #tpu.memory_space<vmem>>
        %dma_start3A_232 = tpu.memref_squeeze %dma_start3A_231 : memref<1x128xi32, #tpu.memory_space<vmem>> -> memref<128xi32, #tpu.memory_space<vmem>>
        %dma_start3A_233 = arith.constant 0 : i32
        %dma_start3A_234 = arith.constant 0 : i32
        %dma_start3A_235 = tpu.memref_slice %arg2[%dma_start3A_233, %dma_start3A_234] : memref<20000x64xf32, #tpu.memory_space<hbm>> -> memref<20000x64xf32, #tpu.memory_space<hbm>>
        tpu.enqueue_indirect_dma source(%dma_start3A_235 : memref<20000x64xf32, #tpu.memory_space<hbm>>) target(%arg9 : memref<128x64xf32, #tpu.memory_space<vmem>>) offsets(%dma_start3A_232 : memref<128xi32, #tpu.memory_space<vmem>>) semaphore(%arg15 : memref<!tpu.dma_semaphore, #tpu.memory_space<semaphore_mem>>)
      } else {
      }
      %scan3A_227 = arith.constant 0 : i32
      scf.yield %scan3A_227 : i32
    }
    %scan3A_44 = arith.constant 32 : i32
    %dma_wait3A = arith.constant 157 : i32
    %dma_wait3A_45 = arith.constant 0 : i32
    %dma_wait3A_46 = tpu.memref_slice %arg7[%dma_wait3A, %dma_wait3A_45] : memref<160x128xi32, #tpu.memory_space<vmem>> -> memref<1x128xi32, #tpu.memory_space<vmem>>
    %dma_wait3A_47 = tpu.memref_squeeze %dma_wait3A_46 : memref<1x128xi32, #tpu.memory_space<vmem>> -> memref<128xi32, #tpu.memory_space<vmem>>
    %dma_wait3A_48 = arith.constant 0 : i32
    %dma_wait3A_49 = arith.constant 0 : i32
    %dma_wait3A_50 = tpu.memref_slice %arg13[%dma_wait3A_48, %dma_wait3A_49] : memref<10016x64xf32, #tpu.memory_space<vmem_shared>> -> memref<10016x64xf32, #tpu.memory_space<vmem_shared>>
    tpu.wait_indirect_dma semaphore(%arg21 : memref<!tpu.dma_semaphore, #tpu.memory_space<semaphore_mem>>) src(%arg10 : memref<128x64xf32, #tpu.memory_space<vmem>>) dst(%dma_wait3A_50 : memref<10016x64xf32, #tpu.memory_space<vmem_shared>>)
    %dma_wait3A_51 = arith.constant 158 : i32
    %dma_wait3A_52 = arith.constant 0 : i32
    %dma_wait3A_53 = tpu.memref_slice %arg7[%dma_wait3A_51, %dma_wait3A_52] : memref<160x128xi32, #tpu.memory_space<vmem>> -> memref<1x128xi32, #tpu.memory_space<vmem>>
    %dma_wait3A_54 = tpu.memref_squeeze %dma_wait3A_53 : memref<1x128xi32, #tpu.memory_space<vmem>> -> memref<128xi32, #tpu.memory_space<vmem>>
    %dma_wait3A_55 = arith.constant 0 : i32
    %dma_wait3A_56 = arith.constant 0 : i32
    %dma_wait3A_57 = tpu.memref_slice %arg13[%dma_wait3A_55, %dma_wait3A_56] : memref<10016x64xf32, #tpu.memory_space<vmem_shared>> -> memref<10016x64xf32, #tpu.memory_space<vmem_shared>>
    tpu.wait_indirect_dma semaphore(%arg22 : memref<!tpu.dma_semaphore, #tpu.memory_space<semaphore_mem>>) src(%arg11 : memref<128x64xf32, #tpu.memory_space<vmem>>) dst(%dma_wait3A_57 : memref<10016x64xf32, #tpu.memory_space<vmem_shared>>)
    %dma_wait3A_58 = arith.constant 159 : i32
    %dma_wait3A_59 = arith.constant 0 : i32
    %dma_wait3A_60 = tpu.memref_slice %arg7[%dma_wait3A_58, %dma_wait3A_59] : memref<160x128xi32, #tpu.memory_space<vmem>> -> memref<1x128xi32, #tpu.memory_space<vmem>>
    %dma_wait3A_61 = tpu.memref_squeeze %dma_wait3A_60 : memref<1x128xi32, #tpu.memory_space<vmem>> -> memref<128xi32, #tpu.memory_space<vmem>>
    %dma_wait3A_62 = arith.constant 0 : i32
    %dma_wait3A_63 = arith.constant 0 : i32
    %dma_wait3A_64 = tpu.memref_slice %arg13[%dma_wait3A_62, %dma_wait3A_63] : memref<10016x64xf32, #tpu.memory_space<vmem_shared>> -> memref<10016x64xf32, #tpu.memory_space<vmem_shared>>
    tpu.wait_indirect_dma semaphore(%arg23 : memref<!tpu.dma_semaphore, #tpu.memory_space<semaphore_mem>>) src(%arg12 : memref<128x64xf32, #tpu.memory_space<vmem>>) dst(%dma_wait3A_64 : memref<10016x64xf32, #tpu.memory_space<vmem_shared>>)
    %barrier3A_65 = arith.constant 0 : index
    tpu.barrier barrier_id(%barrier3A_65)
    %mul3A_66 = arith.constant 626 : i32
    %mul3A_67 = arith.muli %arg1, %mul3A_66 : i32
    %mul3A_68 = arith.constant 626 : i32
    %mul3A_69 = arith.muli %arg1, %mul3A_68 : i32
    "tpu.region"() ({
      %run_scoped3A = tpu.sem_alloc : memref<!tpu.dma_semaphore, #tpu.memory_space<semaphore_mem>>
      %dma_start3A_70 = arith.constant 0 : i32
      %dma_start3A_71 = tpu.memref_slice %arg5[%arg0, %mul3A_69, %dma_start3A_70] : memref<2x10016x64xf32, #tpu.memory_space<hbm>> -> memref<1x626x64xf32, #tpu.memory_space<hbm>>
      %dma_start3A_72 = tpu.memref_squeeze %dma_start3A_71 : memref<1x626x64xf32, #tpu.memory_space<hbm>> -> memref<626x64xf32, #tpu.memory_space<hbm>>
      %dma_start3A_73 = arith.constant 0 : i32
      %dma_start3A_74 = tpu.memref_slice %arg13[%mul3A_67, %dma_start3A_73] : memref<10016x64xf32, #tpu.memory_space<vmem_shared>> -> memref<626x64xf32, #tpu.memory_space<vmem_shared>>
      tpu.enqueue_dma source(%dma_start3A_74 : memref<626x64xf32, #tpu.memory_space<vmem_shared>>) target(%dma_start3A_72 : memref<626x64xf32, #tpu.memory_space<hbm>>) target_semaphore(%run_scoped3A : memref<!tpu.dma_semaphore, #tpu.memory_space<semaphore_mem>>)
      %dma_wait3A_75 = arith.constant 0 : i32
      %dma_wait3A_76 = tpu.memref_slice %arg5[%arg0, %mul3A_69, %dma_wait3A_75] : memref<2x10016x64xf32, #tpu.memory_space<hbm>> -> memref<1x626x64xf32, #tpu.memory_space<hbm>>
      %dma_wait3A_77 = tpu.memref_squeeze %dma_wait3A_76 : memref<1x626x64xf32, #tpu.memory_space<hbm>> -> memref<626x64xf32, #tpu.memory_space<hbm>>
      %dma_wait3A_78 = arith.constant 0 : i32
      %dma_wait3A_79 = tpu.memref_slice %arg13[%mul3A_67, %dma_wait3A_78] : memref<10016x64xf32, #tpu.memory_space<vmem_shared>> -> memref<626x64xf32, #tpu.memory_space<vmem_shared>>
      tpu.wait_dma2 semaphore(%run_scoped3A : memref<!tpu.dma_semaphore, #tpu.memory_space<semaphore_mem>>) src(%dma_wait3A_79 : memref<626x64xf32, #tpu.memory_space<vmem_shared>>) dst(%dma_wait3A_77 : memref<626x64xf32, #tpu.memory_space<hbm>>)
      tpu.yield
    }) : () -> ()
    return
  }
}

module attributes {stable_mosaic.version = 14 : i64} {
  func.func @_embed_body(%arg0: i32, %arg1: memref<2000x128xf32, #tpu.memory_space<vmem>>, %arg2: memref<128x128xf32, #tpu.memory_space<vmem>>, %arg3: memref<1x128xf32, #tpu.memory_space<vmem>>, %arg4: memref<2000x128xf32, #tpu.memory_space<vmem>>) attributes {dimension_semantics = [#tpu.dimension_semantics<arbitrary>], iteration_bounds = array<i64: 5>, scalar_prefetch = 0 : i64, scratch_operands = 0 : i64, tpu.core_type = #tpu.core_type<tc>, window_params = [{transform_indices = @transform_0, window_bounds = array<i64: 2000, 128>}, {pipeline_mode = #tpu.pipeline_mode<synchronous>, transform_indices = @transform_1, window_bounds = array<i64: 128, 128>}, {pipeline_mode = #tpu.pipeline_mode<synchronous>, transform_indices = @transform_2, window_bounds = array<i64: 1, 128>}, {transform_indices = @transform_3, window_bounds = array<i64: 2000, 128>}]} {
    %get3A = arith.constant 0 : index
    %get3A_0 = arith.constant 0 : index
    %get3A_1 = vector.load %arg1[%get3A, %get3A_0] : memref<2000x128xf32, #tpu.memory_space<vmem>>, vector<2000x128xf32>
    %get3A_2 = arith.constant 0 : index
    %get3A_3 = arith.constant 0 : index
    %get3A_4 = vector.load %arg2[%get3A_2, %get3A_3] : memref<128x128xf32, #tpu.memory_space<vmem>>, vector<128x128xf32>
    %dot_general3A = arith.constant dense<0.000000e+00> : vector<2000x128xf32>
    %dot_general3A_5 = tpu.matmul %get3A_1, %get3A_4, %dot_general3A {dimension_numbers = #tpu.dot_dimension_numbers<[1], [0], [0], [1], [0, 0, 1, 1], [], []>, transpose_lhs_hint = false} : vector<2000x128xf32>, vector<128x128xf32>, vector<2000x128xf32> -> vector<2000x128xf32>
    %get3A_6 = arith.constant 0 : index
    %get3A_7 = arith.constant 0 : index
    %get3A_8 = vector.load %arg3[%get3A_6, %get3A_7] : memref<1x128xf32, #tpu.memory_space<vmem>>, vector<1x128xf32>
    %add3A = vector.broadcast %get3A_8 : vector<1x128xf32> to vector<2000x128xf32>
    %add3A_9 = arith.addf %dot_general3A_5, %add3A : vector<2000x128xf32>
    %swap3A = arith.constant 0 : index
    %swap3A_10 = arith.constant 0 : index
    %swap3A_11 = vector.load %arg4[%swap3A, %swap3A_10] : memref<2000x128xf32, #tpu.memory_space<vmem>>, vector<2000x128xf32>
    tpu.vector_store %arg4[%swap3A, %swap3A_10], %add3A_9 {strides = array<i32>} : memref<2000x128xf32, #tpu.memory_space<vmem>>, vector<2000x128xf32>,
    return
  }
  func.func @transform_0(%arg0: i32) -> (i32, i32) {
    %c0_i32 = arith.constant 0 : i32
    %c0_i32_0 = arith.constant 0 : i32
    return %arg0, %c0_i32 : i32, i32
  }
  func.func @transform_1(%arg0: i32) -> (i32, i32) {
    %c0_i32 = arith.constant 0 : i32
    %c0_i32_0 = arith.constant 0 : i32
    %c0_i32_1 = arith.constant 0 : i32
    return %c0_i32, %c0_i32_0 : i32, i32
  }
  func.func @transform_2(%arg0: i32) -> (i32, i32) {
    %c0_i32 = arith.constant 0 : i32
    %c0_i32_0 = arith.constant 0 : i32
    %c0_i32_1 = arith.constant 0 : i32
    return %c0_i32, %c0_i32_0 : i32, i32
  }
  func.func @transform_3(%arg0: i32) -> (i32, i32) {
    %c0_i32 = arith.constant 0 : i32
    %c0_i32_0 = arith.constant 0 : i32
    return %arg0, %c0_i32 : i32, i32
  }
}

module attributes {stable_mosaic.version = 14 : i64} {
  func.func @_mfconv_body(%arg0: i32, %arg1: memref<2000x64xf32, #tpu.memory_space<vmem>>, %arg2: memref<2000x64xf32, #tpu.memory_space<vmem>>, %arg3: memref<2000x128xf32, #tpu.memory_space<vmem>>, %arg4: memref<2000x16xi32, #tpu.memory_space<vmem>>, %arg5: memref<2000x16xi32, #tpu.memory_space<vmem>>, %arg6: memref<11x128x128xf32, #tpu.memory_space<vmem>>, %arg7: memref<11x128x128xf32, #tpu.memory_space<vmem>>, %arg8: memref<11x128xf32, #tpu.memory_space<vmem>>, %arg9: memref<2000x128xf32, #tpu.memory_space<vmem>>) attributes {dimension_semantics = [#tpu.dimension_semantics<arbitrary>], iteration_bounds = array<i64: 5>, scalar_prefetch = 0 : i64, scratch_operands = 0 : i64, tpu.core_type = #tpu.core_type<tc>, window_params = [{transform_indices = @transform_0, window_bounds = array<i64: 2000, 64>}, {transform_indices = @transform_1, window_bounds = array<i64: 2000, 64>}, {transform_indices = @transform_2, window_bounds = array<i64: 2000, 128>}, {transform_indices = @transform_3, window_bounds = array<i64: 2000, 16>}, {transform_indices = @transform_4, window_bounds = array<i64: 2000, 16>}, {pipeline_mode = #tpu.pipeline_mode<synchronous>, transform_indices = @transform_5, window_bounds = array<i64: 11, 128, 128>}, {pipeline_mode = #tpu.pipeline_mode<synchronous>, transform_indices = @transform_6, window_bounds = array<i64: 11, 128, 128>}, {pipeline_mode = #tpu.pipeline_mode<synchronous>, transform_indices = @transform_7, window_bounds = array<i64: 11, 128>}, {transform_indices = @transform_8, window_bounds = array<i64: 2000, 128>}]} {
    %get3A = arith.constant 0 : index
    %get3A_0 = arith.constant 0 : index
    %get3A_1 = vector.load %arg1[%get3A, %get3A_0] : memref<2000x64xf32, #tpu.memory_space<vmem>>, vector<2000x64xf32>
    %get3A_2 = arith.constant 0 : index
    %get3A_3 = arith.constant 0 : index
    %get3A_4 = vector.load %arg2[%get3A_2, %get3A_3] : memref<2000x64xf32, #tpu.memory_space<vmem>>, vector<2000x64xf32>
    %concatenate3A = tpu.concatenate %get3A_1, %get3A_4 in 1 : vector<2000x64xf32>, vector<2000x64xf32> -> vector<2000x128xf32>
    %get3A_5 = arith.constant 0 : index
    %get3A_6 = arith.constant 0 : index
    %get3A_7 = vector.load %arg3[%get3A_5, %get3A_6] : memref<2000x128xf32, #tpu.memory_space<vmem>>, vector<2000x128xf32>
    %get3A_8 = arith.constant 0 : index
    %get3A_9 = arith.constant 0 : index
    %get3A_10 = vector.load %arg4[%get3A_8, %get3A_9] : memref<2000x16xi32, #tpu.memory_space<vmem>>, vector<2000x16xi32>
    %slice3A = vector.extract_strided_slice %get3A_10 {offsets = [0, 0], sizes = [2000, 1], strides = [1, 1]} : vector<2000x16xi32> to vector<2000x1xi32>
    %get3A_11 = arith.constant 0 : index
    %get3A_12 = arith.constant 0 : index
    %get3A_13 = vector.load %arg5[%get3A_11, %get3A_12] : memref<2000x16xi32, #tpu.memory_space<vmem>>, vector<2000x16xi32>
    %slice3A_14 = vector.extract_strided_slice %get3A_13 {offsets = [0, 0], sizes = [2000, 1], strides = [1, 1]} : vector<2000x16xi32> to vector<2000x1xi32>
    %add3A = arith.addi %slice3A, %slice3A_14 : vector<2000x1xi32>
    %min3A = arith.constant 10 : i32
    %min3A_15 = vector.broadcast %min3A : i32 to vector<2000x1xi32>
    %min3A_16 = arith.minsi %add3A, %min3A_15 : vector<2000x1xi32>
    %iota3A = tpu.iota {dimensions = array<i32: 1>} : vector<2000x11xi32>
    %eq3A = vector.broadcast %min3A_16 : vector<2000x1xi32> to vector<2000x11xi32>
    %eq3A_17 = arith.cmpi eq, %eq3A, %iota3A : vector<2000x11xi32>
    %convert_element_type3A = arith.extui %eq3A_17 : vector<2000x11xi1> to vector<2000x11xi32>
    %convert_element_type3A_18 = arith.sitofp %convert_element_type3A : vector<2000x11xi32> to vector<2000x11xf32>
    %get3A_19 = arith.constant 0 : index
    %get3A_20 = arith.constant 0 : index
    %get3A_21 = vector.load %arg8[%get3A_19, %get3A_20] : memref<11x128xf32, #tpu.memory_space<vmem>>, vector<11x128xf32>
    %dot_general3A = arith.constant dense<0.000000e+00> : vector<2000x128xf32>
    %dot_general3A_22 = tpu.matmul %convert_element_type3A_18, %get3A_21, %dot_general3A {dimension_numbers = #tpu.dot_dimension_numbers<[1], [0], [0], [1], [0, 0, 1, 1], [], []>, transpose_lhs_hint = false} : vector<2000x11xf32>, vector<11x128xf32>, vector<2000x128xf32> -> vector<2000x128xf32>
    %get3A_23 = arith.constant 0 : index
    %get3A_24 = arith.constant 0 : index
    %get3A_25 = arith.constant 0 : index
    %get3A_26 = vector.load %arg6[%get3A_23, %get3A_24, %get3A_25] : memref<11x128x128xf32, #tpu.memory_space<vmem>>, vector<1x128x128xf32>
    %get3A_27 = vector.shape_cast %get3A_26 : vector<1x128x128xf32> to vector<128x128xf32>
    %dot_general3A_28 = arith.constant dense<0.000000e+00> : vector<2000x128xf32>
    %dot_general3A_29 = tpu.matmul %concatenate3A, %get3A_27, %dot_general3A_28 {dimension_numbers = #tpu.dot_dimension_numbers<[1], [0], [0], [1], [0, 0, 1, 1], [], []>, transpose_lhs_hint = false} : vector<2000x128xf32>, vector<128x128xf32>, vector<2000x128xf32> -> vector<2000x128xf32>
    %get3A_30 = arith.constant 0 : index
    %get3A_31 = arith.constant 0 : index
    %get3A_32 = arith.constant 0 : index
    %get3A_33 = vector.load %arg7[%get3A_30, %get3A_31, %get3A_32] : memref<11x128x128xf32, #tpu.memory_space<vmem>>, vector<1x128x128xf32>
    %get3A_34 = vector.shape_cast %get3A_33 : vector<1x128x128xf32> to vector<128x128xf32>
    %dot_general3A_35 = arith.constant dense<0.000000e+00> : vector<2000x128xf32>
    %dot_general3A_36 = tpu.matmul %get3A_7, %get3A_34, %dot_general3A_35 {dimension_numbers = #tpu.dot_dimension_numbers<[1], [0], [0], [1], [0, 0, 1, 1], [], []>, transpose_lhs_hint = false} : vector<2000x128xf32>, vector<128x128xf32>, vector<2000x128xf32> -> vector<2000x128xf32>
    %add3A_37 = arith.addf %dot_general3A_29, %dot_general3A_36 : vector<2000x128xf32>
    %slice3A_38 = vector.extract_strided_slice %eq3A_17 {offsets = [0, 0], sizes = [2000, 1], strides = [1, 1]} : vector<2000x11xi1> to vector<2000x1xi1>
    %jit3A = arith.constant 0.000000e+00 : f32
    %broadcast_in_dim3A = vector.shape_cast %slice3A_38 : vector<2000x1xi1> to vector<2000x1xi1>
    %broadcast_in_dim3A_39 = vector.broadcast %broadcast_in_dim3A : vector<2000x1xi1> to vector<2000x128xi1>
    %broadcast_in_dim3A_40 = vector.broadcast %jit3A : f32 to vector<2000x128xf32>
    %select_n3A = arith.select %broadcast_in_dim3A_39, %add3A_37, %broadcast_in_dim3A_40 : vector<2000x128xi1>, vector<2000x128xf32>
    %add3A_41 = arith.addf %dot_general3A_22, %select_n3A : vector<2000x128xf32>
    %get3A_42 = arith.constant 1 : index
    %get3A_43 = arith.constant 0 : index
    %get3A_44 = arith.constant 0 : index
    %get3A_45 = vector.load %arg6[%get3A_42, %get3A_43, %get3A_44] : memref<11x128x128xf32, #tpu.memory_space<vmem>>, vector<1x128x128xf32>
    %get3A_46 = vector.shape_cast %get3A_45 : vector<1x128x128xf32> to vector<128x128xf32>
    %dot_general3A_47 = arith.constant dense<0.000000e+00> : vector<2000x128xf32>
    %dot_general3A_48 = tpu.matmul %concatenate3A, %get3A_46, %dot_general3A_47 {dimension_numbers = #tpu.dot_dimension_numbers<[1], [0], [0], [1], [0, 0, 1, 1], [], []>, transpose_lhs_hint = false} : vector<2000x128xf32>, vector<128x128xf32>, vector<2000x128xf32> -> vector<2000x128xf32>
    %get3A_49 = arith.constant 1 : index
    %get3A_50 = arith.constant 0 : index
    %get3A_51 = arith.constant 0 : index
    %get3A_52 = vector.load %arg7[%get3A_49, %get3A_50, %get3A_51] : memref<11x128x128xf32, #tpu.memory_space<vmem>>, vector<1x128x128xf32>
    %get3A_53 = vector.shape_cast %get3A_52 : vector<1x128x128xf32> to vector<128x128xf32>
    %dot_general3A_54 = arith.constant dense<0.000000e+00> : vector<2000x128xf32>
    %dot_general3A_55 = tpu.matmul %get3A_7, %get3A_53, %dot_general3A_54 {dimension_numbers = #tpu.dot_dimension_numbers<[1], [0], [0], [1], [0, 0, 1, 1], [], []>, transpose_lhs_hint = false} : vector<2000x128xf32>, vector<128x128xf32>, vector<2000x128xf32> -> vector<2000x128xf32>
    %add3A_56 = arith.addf %dot_general3A_48, %dot_general3A_55 : vector<2000x128xf32>
    %slice3A_57 = vector.extract_strided_slice %eq3A_17 {offsets = [0, 1], sizes = [2000, 1], strides = [1, 1]} : vector<2000x11xi1> to vector<2000x1xi1>
    %jit3A_58 = arith.constant 0.000000e+00 : f32
    %broadcast_in_dim3A_59 = vector.shape_cast %slice3A_57 : vector<2000x1xi1> to vector<2000x1xi1>
    %broadcast_in_dim3A_60 = vector.broadcast %broadcast_in_dim3A_59 : vector<2000x1xi1> to vector<2000x128xi1>
    %broadcast_in_dim3A_61 = vector.broadcast %jit3A_58 : f32 to vector<2000x128xf32>
    %select_n3A_62 = arith.select %broadcast_in_dim3A_60, %add3A_56, %broadcast_in_dim3A_61 : vector<2000x128xi1>, vector<2000x128xf32>
    %add3A_63 = arith.addf %add3A_41, %select_n3A_62 : vector<2000x128xf32>
    %get3A_64 = arith.constant 2 : index
    %get3A_65 = arith.constant 0 : index
    %get3A_66 = arith.constant 0 : index
    %get3A_67 = vector.load %arg6[%get3A_64, %get3A_65, %get3A_66] : memref<11x128x128xf32, #tpu.memory_space<vmem>>, vector<1x128x128xf32>
    %get3A_68 = vector.shape_cast %get3A_67 : vector<1x128x128xf32> to vector<128x128xf32>
    %dot_general3A_69 = arith.constant dense<0.000000e+00> : vector<2000x128xf32>
    %dot_general3A_70 = tpu.matmul %concatenate3A, %get3A_68, %dot_general3A_69 {dimension_numbers = #tpu.dot_dimension_numbers<[1], [0], [0], [1], [0, 0, 1, 1], [], []>, transpose_lhs_hint = false} : vector<2000x128xf32>, vector<128x128xf32>, vector<2000x128xf32> -> vector<2000x128xf32>
    %get3A_71 = arith.constant 2 : index
    %get3A_72 = arith.constant 0 : index
    %get3A_73 = arith.constant 0 : index
    %get3A_74 = vector.load %arg7[%get3A_71, %get3A_72, %get3A_73] : memref<11x128x128xf32, #tpu.memory_space<vmem>>, vector<1x128x128xf32>
    %get3A_75 = vector.shape_cast %get3A_74 : vector<1x128x128xf32> to vector<128x128xf32>
    %dot_general3A_76 = arith.constant dense<0.000000e+00> : vector<2000x128xf32>
    %dot_general3A_77 = tpu.matmul %get3A_7, %get3A_75, %dot_general3A_76 {dimension_numbers = #tpu.dot_dimension_numbers<[1], [0], [0], [1], [0, 0, 1, 1], [], []>, transpose_lhs_hint = false} : vector<2000x128xf32>, vector<128x128xf32>, vector<2000x128xf32> -> vector<2000x128xf32>
    %add3A_78 = arith.addf %dot_general3A_70, %dot_general3A_77 : vector<2000x128xf32>
    %slice3A_79 = vector.extract_strided_slice %eq3A_17 {offsets = [0, 2], sizes = [2000, 1], strides = [1, 1]} : vector<2000x11xi1> to vector<2000x1xi1>
    %jit3A_80 = arith.constant 0.000000e+00 : f32
    %broadcast_in_dim3A_81 = vector.shape_cast %slice3A_79 : vector<2000x1xi1> to vector<2000x1xi1>
    %broadcast_in_dim3A_82 = vector.broadcast %broadcast_in_dim3A_81 : vector<2000x1xi1> to vector<2000x128xi1>
    %broadcast_in_dim3A_83 = vector.broadcast %jit3A_80 : f32 to vector<2000x128xf32>
    %select_n3A_84 = arith.select %broadcast_in_dim3A_82, %add3A_78, %broadcast_in_dim3A_83 : vector<2000x128xi1>, vector<2000x128xf32>
    %add3A_85 = arith.addf %add3A_63, %select_n3A_84 : vector<2000x128xf32>
    %get3A_86 = arith.constant 3 : index
    %get3A_87 = arith.constant 0 : index
    %get3A_88 = arith.constant 0 : index
    %get3A_89 = vector.load %arg6[%get3A_86, %get3A_87, %get3A_88] : memref<11x128x128xf32, #tpu.memory_space<vmem>>, vector<1x128x128xf32>
    %get3A_90 = vector.shape_cast %get3A_89 : vector<1x128x128xf32> to vector<128x128xf32>
    %dot_general3A_91 = arith.constant dense<0.000000e+00> : vector<2000x128xf32>
    %dot_general3A_92 = tpu.matmul %concatenate3A, %get3A_90, %dot_general3A_91 {dimension_numbers = #tpu.dot_dimension_numbers<[1], [0], [0], [1], [0, 0, 1, 1], [], []>, transpose_lhs_hint = false} : vector<2000x128xf32>, vector<128x128xf32>, vector<2000x128xf32> -> vector<2000x128xf32>
    %get3A_93 = arith.constant 3 : index
    %get3A_94 = arith.constant 0 : index
    %get3A_95 = arith.constant 0 : index
    %get3A_96 = vector.load %arg7[%get3A_93, %get3A_94, %get3A_95] : memref<11x128x128xf32, #tpu.memory_space<vmem>>, vector<1x128x128xf32>
    %get3A_97 = vector.shape_cast %get3A_96 : vector<1x128x128xf32> to vector<128x128xf32>
    %dot_general3A_98 = arith.constant dense<0.000000e+00> : vector<2000x128xf32>
    %dot_general3A_99 = tpu.matmul %get3A_7, %get3A_97, %dot_general3A_98 {dimension_numbers = #tpu.dot_dimension_numbers<[1], [0], [0], [1], [0, 0, 1, 1], [], []>, transpose_lhs_hint = false} : vector<2000x128xf32>, vector<128x128xf32>, vector<2000x128xf32> -> vector<2000x128xf32>
    %add3A_100 = arith.addf %dot_general3A_92, %dot_general3A_99 : vector<2000x128xf32>
    %slice3A_101 = vector.extract_strided_slice %eq3A_17 {offsets = [0, 3], sizes = [2000, 1], strides = [1, 1]} : vector<2000x11xi1> to vector<2000x1xi1>
    %jit3A_102 = arith.constant 0.000000e+00 : f32
    %broadcast_in_dim3A_103 = vector.shape_cast %slice3A_101 : vector<2000x1xi1> to vector<2000x1xi1>
    %broadcast_in_dim3A_104 = vector.broadcast %broadcast_in_dim3A_103 : vector<2000x1xi1> to vector<2000x128xi1>
    %broadcast_in_dim3A_105 = vector.broadcast %jit3A_102 : f32 to vector<2000x128xf32>
    %select_n3A_106 = arith.select %broadcast_in_dim3A_104, %add3A_100, %broadcast_in_dim3A_105 : vector<2000x128xi1>, vector<2000x128xf32>
    %add3A_107 = arith.addf %add3A_85, %select_n3A_106 : vector<2000x128xf32>
    %get3A_108 = arith.constant 4 : index
    %get3A_109 = arith.constant 0 : index
    %get3A_110 = arith.constant 0 : index
    %get3A_111 = vector.load %arg6[%get3A_108, %get3A_109, %get3A_110] : memref<11x128x128xf32, #tpu.memory_space<vmem>>, vector<1x128x128xf32>
    %get3A_112 = vector.shape_cast %get3A_111 : vector<1x128x128xf32> to vector<128x128xf32>
    %dot_general3A_113 = arith.constant dense<0.000000e+00> : vector<2000x128xf32>
    %dot_general3A_114 = tpu.matmul %concatenate3A, %get3A_112, %dot_general3A_113 {dimension_numbers = #tpu.dot_dimension_numbers<[1], [0], [0], [1], [0, 0, 1, 1], [], []>, transpose_lhs_hint = false} : vector<2000x128xf32>, vector<128x128xf32>, vector<2000x128xf32> -> vector<2000x128xf32>
    %get3A_115 = arith.constant 4 : index
    %get3A_116 = arith.constant 0 : index
    %get3A_117 = arith.constant 0 : index
    %get3A_118 = vector.load %arg7[%get3A_115, %get3A_116, %get3A_117] : memref<11x128x128xf32, #tpu.memory_space<vmem>>, vector<1x128x128xf32>
    %get3A_119 = vector.shape_cast %get3A_118 : vector<1x128x128xf32> to vector<128x128xf32>
    %dot_general3A_120 = arith.constant dense<0.000000e+00> : vector<2000x128xf32>
    %dot_general3A_121 = tpu.matmul %get3A_7, %get3A_119, %dot_general3A_120 {dimension_numbers = #tpu.dot_dimension_numbers<[1], [0], [0], [1], [0, 0, 1, 1], [], []>, transpose_lhs_hint = false} : vector<2000x128xf32>, vector<128x128xf32>, vector<2000x128xf32> -> vector<2000x128xf32>
    %add3A_122 = arith.addf %dot_general3A_114, %dot_general3A_121 : vector<2000x128xf32>
    %slice3A_123 = vector.extract_strided_slice %eq3A_17 {offsets = [0, 4], sizes = [2000, 1], strides = [1, 1]} : vector<2000x11xi1> to vector<2000x1xi1>
    %jit3A_124 = arith.constant 0.000000e+00 : f32
    %broadcast_in_dim3A_125 = vector.shape_cast %slice3A_123 : vector<2000x1xi1> to vector<2000x1xi1>
    %broadcast_in_dim3A_126 = vector.broadcast %broadcast_in_dim3A_125 : vector<2000x1xi1> to vector<2000x128xi1>
    %broadcast_in_dim3A_127 = vector.broadcast %jit3A_124 : f32 to vector<2000x128xf32>
    %select_n3A_128 = arith.select %broadcast_in_dim3A_126, %add3A_122, %broadcast_in_dim3A_127 : vector<2000x128xi1>, vector<2000x128xf32>
    %add3A_129 = arith.addf %add3A_107, %select_n3A_128 : vector<2000x128xf32>
    %get3A_130 = arith.constant 5 : index
    %get3A_131 = arith.constant 0 : index
    %get3A_132 = arith.constant 0 : index
    %get3A_133 = vector.load %arg6[%get3A_130, %get3A_131, %get3A_132] : memref<11x128x128xf32, #tpu.memory_space<vmem>>, vector<1x128x128xf32>
    %get3A_134 = vector.shape_cast %get3A_133 : vector<1x128x128xf32> to vector<128x128xf32>
    %dot_general3A_135 = arith.constant dense<0.000000e+00> : vector<2000x128xf32>
    %dot_general3A_136 = tpu.matmul %concatenate3A, %get3A_134, %dot_general3A_135 {dimension_numbers = #tpu.dot_dimension_numbers<[1], [0], [0], [1], [0, 0, 1, 1], [], []>, transpose_lhs_hint = false} : vector<2000x128xf32>, vector<128x128xf32>, vector<2000x128xf32> -> vector<2000x128xf32>
    %get3A_137 = arith.constant 5 : index
    %get3A_138 = arith.constant 0 : index
    %get3A_139 = arith.constant 0 : index
    %get3A_140 = vector.load %arg7[%get3A_137, %get3A_138, %get3A_139] : memref<11x128x128xf32, #tpu.memory_space<vmem>>, vector<1x128x128xf32>
    %get3A_141 = vector.shape_cast %get3A_140 : vector<1x128x128xf32> to vector<128x128xf32>
    %dot_general3A_142 = arith.constant dense<0.000000e+00> : vector<2000x128xf32>
    %dot_general3A_143 = tpu.matmul %get3A_7, %get3A_141, %dot_general3A_142 {dimension_numbers = #tpu.dot_dimension_numbers<[1], [0], [0], [1], [0, 0, 1, 1], [], []>, transpose_lhs_hint = false} : vector<2000x128xf32>, vector<128x128xf32>, vector<2000x128xf32> -> vector<2000x128xf32>
    %add3A_144 = arith.addf %dot_general3A_136, %dot_general3A_143 : vector<2000x128xf32>
    %slice3A_145 = vector.extract_strided_slice %eq3A_17 {offsets = [0, 5], sizes = [2000, 1], strides = [1, 1]} : vector<2000x11xi1> to vector<2000x1xi1>
    %jit3A_146 = arith.constant 0.000000e+00 : f32
    %broadcast_in_dim3A_147 = vector.shape_cast %slice3A_145 : vector<2000x1xi1> to vector<2000x1xi1>
    %broadcast_in_dim3A_148 = vector.broadcast %broadcast_in_dim3A_147 : vector<2000x1xi1> to vector<2000x128xi1>
    %broadcast_in_dim3A_149 = vector.broadcast %jit3A_146 : f32 to vector<2000x128xf32>
    %select_n3A_150 = arith.select %broadcast_in_dim3A_148, %add3A_144, %broadcast_in_dim3A_149 : vector<2000x128xi1>, vector<2000x128xf32>
    %add3A_151 = arith.addf %add3A_129, %select_n3A_150 : vector<2000x128xf32>
    %get3A_152 = arith.constant 6 : index
    %get3A_153 = arith.constant 0 : index
    %get3A_154 = arith.constant 0 : index
    %get3A_155 = vector.load %arg6[%get3A_152, %get3A_153, %get3A_154] : memref<11x128x128xf32, #tpu.memory_space<vmem>>, vector<1x128x128xf32>
    %get3A_156 = vector.shape_cast %get3A_155 : vector<1x128x128xf32> to vector<128x128xf32>
    %dot_general3A_157 = arith.constant dense<0.000000e+00> : vector<2000x128xf32>
    %dot_general3A_158 = tpu.matmul %concatenate3A, %get3A_156, %dot_general3A_157 {dimension_numbers = #tpu.dot_dimension_numbers<[1], [0], [0], [1], [0, 0, 1, 1], [], []>, transpose_lhs_hint = false} : vector<2000x128xf32>, vector<128x128xf32>, vector<2000x128xf32> -> vector<2000x128xf32>
    %get3A_159 = arith.constant 6 : index
    %get3A_160 = arith.constant 0 : index
    %get3A_161 = arith.constant 0 : index
    %get3A_162 = vector.load %arg7[%get3A_159, %get3A_160, %get3A_161] : memref<11x128x128xf32, #tpu.memory_space<vmem>>, vector<1x128x128xf32>
    %get3A_163 = vector.shape_cast %get3A_162 : vector<1x128x128xf32> to vector<128x128xf32>
    %dot_general3A_164 = arith.constant dense<0.000000e+00> : vector<2000x128xf32>
    %dot_general3A_165 = tpu.matmul %get3A_7, %get3A_163, %dot_general3A_164 {dimension_numbers = #tpu.dot_dimension_numbers<[1], [0], [0], [1], [0, 0, 1, 1], [], []>, transpose_lhs_hint = false} : vector<2000x128xf32>, vector<128x128xf32>, vector<2000x128xf32> -> vector<2000x128xf32>
    %add3A_166 = arith.addf %dot_general3A_158, %dot_general3A_165 : vector<2000x128xf32>
    %slice3A_167 = vector.extract_strided_slice %eq3A_17 {offsets = [0, 6], sizes = [2000, 1], strides = [1, 1]} : vector<2000x11xi1> to vector<2000x1xi1>
    %jit3A_168 = arith.constant 0.000000e+00 : f32
    %broadcast_in_dim3A_169 = vector.shape_cast %slice3A_167 : vector<2000x1xi1> to vector<2000x1xi1>
    %broadcast_in_dim3A_170 = vector.broadcast %broadcast_in_dim3A_169 : vector<2000x1xi1> to vector<2000x128xi1>
    %broadcast_in_dim3A_171 = vector.broadcast %jit3A_168 : f32 to vector<2000x128xf32>
    %select_n3A_172 = arith.select %broadcast_in_dim3A_170, %add3A_166, %broadcast_in_dim3A_171 : vector<2000x128xi1>, vector<2000x128xf32>
    %add3A_173 = arith.addf %add3A_151, %select_n3A_172 : vector<2000x128xf32>
    %get3A_174 = arith.constant 7 : index
    %get3A_175 = arith.constant 0 : index
    %get3A_176 = arith.constant 0 : index
    %get3A_177 = vector.load %arg6[%get3A_174, %get3A_175, %get3A_176] : memref<11x128x128xf32, #tpu.memory_space<vmem>>, vector<1x128x128xf32>
    %get3A_178 = vector.shape_cast %get3A_177 : vector<1x128x128xf32> to vector<128x128xf32>
    %dot_general3A_179 = arith.constant dense<0.000000e+00> : vector<2000x128xf32>
    %dot_general3A_180 = tpu.matmul %concatenate3A, %get3A_178, %dot_general3A_179 {dimension_numbers = #tpu.dot_dimension_numbers<[1], [0], [0], [1], [0, 0, 1, 1], [], []>, transpose_lhs_hint = false} : vector<2000x128xf32>, vector<128x128xf32>, vector<2000x128xf32> -> vector<2000x128xf32>
    %get3A_181 = arith.constant 7 : index
    %get3A_182 = arith.constant 0 : index
    %get3A_183 = arith.constant 0 : index
    %get3A_184 = vector.load %arg7[%get3A_181, %get3A_182, %get3A_183] : memref<11x128x128xf32, #tpu.memory_space<vmem>>, vector<1x128x128xf32>
    %get3A_185 = vector.shape_cast %get3A_184 : vector<1x128x128xf32> to vector<128x128xf32>
    %dot_general3A_186 = arith.constant dense<0.000000e+00> : vector<2000x128xf32>
    %dot_general3A_187 = tpu.matmul %get3A_7, %get3A_185, %dot_general3A_186 {dimension_numbers = #tpu.dot_dimension_numbers<[1], [0], [0], [1], [0, 0, 1, 1], [], []>, transpose_lhs_hint = false} : vector<2000x128xf32>, vector<128x128xf32>, vector<2000x128xf32> -> vector<2000x128xf32>
    %add3A_188 = arith.addf %dot_general3A_180, %dot_general3A_187 : vector<2000x128xf32>
    %slice3A_189 = vector.extract_strided_slice %eq3A_17 {offsets = [0, 7], sizes = [2000, 1], strides = [1, 1]} : vector<2000x11xi1> to vector<2000x1xi1>
    %jit3A_190 = arith.constant 0.000000e+00 : f32
    %broadcast_in_dim3A_191 = vector.shape_cast %slice3A_189 : vector<2000x1xi1> to vector<2000x1xi1>
    %broadcast_in_dim3A_192 = vector.broadcast %broadcast_in_dim3A_191 : vector<2000x1xi1> to vector<2000x128xi1>
    %broadcast_in_dim3A_193 = vector.broadcast %jit3A_190 : f32 to vector<2000x128xf32>
    %select_n3A_194 = arith.select %broadcast_in_dim3A_192, %add3A_188, %broadcast_in_dim3A_193 : vector<2000x128xi1>, vector<2000x128xf32>
    %add3A_195 = arith.addf %add3A_173, %select_n3A_194 : vector<2000x128xf32>
    %get3A_196 = arith.constant 8 : index
    %get3A_197 = arith.constant 0 : index
    %get3A_198 = arith.constant 0 : index
    %get3A_199 = vector.load %arg6[%get3A_196, %get3A_197, %get3A_198] : memref<11x128x128xf32, #tpu.memory_space<vmem>>, vector<1x128x128xf32>
    %get3A_200 = vector.shape_cast %get3A_199 : vector<1x128x128xf32> to vector<128x128xf32>
    %dot_general3A_201 = arith.constant dense<0.000000e+00> : vector<2000x128xf32>
    %dot_general3A_202 = tpu.matmul %concatenate3A, %get3A_200, %dot_general3A_201 {dimension_numbers = #tpu.dot_dimension_numbers<[1], [0], [0], [1], [0, 0, 1, 1], [], []>, transpose_lhs_hint = false} : vector<2000x128xf32>, vector<128x128xf32>, vector<2000x128xf32> -> vector<2000x128xf32>
    %get3A_203 = arith.constant 8 : index
    %get3A_204 = arith.constant 0 : index
    %get3A_205 = arith.constant 0 : index
    %get3A_206 = vector.load %arg7[%get3A_203, %get3A_204, %get3A_205] : memref<11x128x128xf32, #tpu.memory_space<vmem>>, vector<1x128x128xf32>
    %get3A_207 = vector.shape_cast %get3A_206 : vector<1x128x128xf32> to vector<128x128xf32>
    %dot_general3A_208 = arith.constant dense<0.000000e+00> : vector<2000x128xf32>
    %dot_general3A_209 = tpu.matmul %get3A_7, %get3A_207, %dot_general3A_208 {dimension_numbers = #tpu.dot_dimension_numbers<[1], [0], [0], [1], [0, 0, 1, 1], [], []>, transpose_lhs_hint = false} : vector<2000x128xf32>, vector<128x128xf32>, vector<2000x128xf32> -> vector<2000x128xf32>
    %add3A_210 = arith.addf %dot_general3A_202, %dot_general3A_209 : vector<2000x128xf32>
    %slice3A_211 = vector.extract_strided_slice %eq3A_17 {offsets = [0, 8], sizes = [2000, 1], strides = [1, 1]} : vector<2000x11xi1> to vector<2000x1xi1>
    %jit3A_212 = arith.constant 0.000000e+00 : f32
    %broadcast_in_dim3A_213 = vector.shape_cast %slice3A_211 : vector<2000x1xi1> to vector<2000x1xi1>
    %broadcast_in_dim3A_214 = vector.broadcast %broadcast_in_dim3A_213 : vector<2000x1xi1> to vector<2000x128xi1>
    %broadcast_in_dim3A_215 = vector.broadcast %jit3A_212 : f32 to vector<2000x128xf32>
    %select_n3A_216 = arith.select %broadcast_in_dim3A_214, %add3A_210, %broadcast_in_dim3A_215 : vector<2000x128xi1>, vector<2000x128xf32>
    %add3A_217 = arith.addf %add3A_195, %select_n3A_216 : vector<2000x128xf32>
    %get3A_218 = arith.constant 9 : index
    %get3A_219 = arith.constant 0 : index
    %get3A_220 = arith.constant 0 : index
    %get3A_221 = vector.load %arg6[%get3A_218, %get3A_219, %get3A_220] : memref<11x128x128xf32, #tpu.memory_space<vmem>>, vector<1x128x128xf32>
    %get3A_222 = vector.shape_cast %get3A_221 : vector<1x128x128xf32> to vector<128x128xf32>
    %dot_general3A_223 = arith.constant dense<0.000000e+00> : vector<2000x128xf32>
    %dot_general3A_224 = tpu.matmul %concatenate3A, %get3A_222, %dot_general3A_223 {dimension_numbers = #tpu.dot_dimension_numbers<[1], [0], [0], [1], [0, 0, 1, 1], [], []>, transpose_lhs_hint = false} : vector<2000x128xf32>, vector<128x128xf32>, vector<2000x128xf32> -> vector<2000x128xf32>
    %get3A_225 = arith.constant 9 : index
    %get3A_226 = arith.constant 0 : index
    %get3A_227 = arith.constant 0 : index
    %get3A_228 = vector.load %arg7[%get3A_225, %get3A_226, %get3A_227] : memref<11x128x128xf32, #tpu.memory_space<vmem>>, vector<1x128x128xf32>
    %get3A_229 = vector.shape_cast %get3A_228 : vector<1x128x128xf32> to vector<128x128xf32>
    %dot_general3A_230 = arith.constant dense<0.000000e+00> : vector<2000x128xf32>
    %dot_general3A_231 = tpu.matmul %get3A_7, %get3A_229, %dot_general3A_230 {dimension_numbers = #tpu.dot_dimension_numbers<[1], [0], [0], [1], [0, 0, 1, 1], [], []>, transpose_lhs_hint = false} : vector<2000x128xf32>, vector<128x128xf32>, vector<2000x128xf32> -> vector<2000x128xf32>
    %add3A_232 = arith.addf %dot_general3A_224, %dot_general3A_231 : vector<2000x128xf32>
    %slice3A_233 = vector.extract_strided_slice %eq3A_17 {offsets = [0, 9], sizes = [2000, 1], strides = [1, 1]} : vector<2000x11xi1> to vector<2000x1xi1>
    %jit3A_234 = arith.constant 0.000000e+00 : f32
    %broadcast_in_dim3A_235 = vector.shape_cast %slice3A_233 : vector<2000x1xi1> to vector<2000x1xi1>
    %broadcast_in_dim3A_236 = vector.broadcast %broadcast_in_dim3A_235 : vector<2000x1xi1> to vector<2000x128xi1>
    %broadcast_in_dim3A_237 = vector.broadcast %jit3A_234 : f32 to vector<2000x128xf32>
    %select_n3A_238 = arith.select %broadcast_in_dim3A_236, %add3A_232, %broadcast_in_dim3A_237 : vector<2000x128xi1>, vector<2000x128xf32>
    %add3A_239 = arith.addf %add3A_217, %select_n3A_238 : vector<2000x128xf32>
    %get3A_240 = arith.constant 10 : index
    %get3A_241 = arith.constant 0 : index
    %get3A_242 = arith.constant 0 : index
    %get3A_243 = vector.load %arg6[%get3A_240, %get3A_241, %get3A_242] : memref<11x128x128xf32, #tpu.memory_space<vmem>>, vector<1x128x128xf32>
    %get3A_244 = vector.shape_cast %get3A_243 : vector<1x128x128xf32> to vector<128x128xf32>
    %dot_general3A_245 = arith.constant dense<0.000000e+00> : vector<2000x128xf32>
    %dot_general3A_246 = tpu.matmul %concatenate3A, %get3A_244, %dot_general3A_245 {dimension_numbers = #tpu.dot_dimension_numbers<[1], [0], [0], [1], [0, 0, 1, 1], [], []>, transpose_lhs_hint = false} : vector<2000x128xf32>, vector<128x128xf32>, vector<2000x128xf32> -> vector<2000x128xf32>
    %get3A_247 = arith.constant 10 : index
    %get3A_248 = arith.constant 0 : index
    %get3A_249 = arith.constant 0 : index
    %get3A_250 = vector.load %arg7[%get3A_247, %get3A_248, %get3A_249] : memref<11x128x128xf32, #tpu.memory_space<vmem>>, vector<1x128x128xf32>
    %get3A_251 = vector.shape_cast %get3A_250 : vector<1x128x128xf32> to vector<128x128xf32>
    %dot_general3A_252 = arith.constant dense<0.000000e+00> : vector<2000x128xf32>
    %dot_general3A_253 = tpu.matmul %get3A_7, %get3A_251, %dot_general3A_252 {dimension_numbers = #tpu.dot_dimension_numbers<[1], [0], [0], [1], [0, 0, 1, 1], [], []>, transpose_lhs_hint = false} : vector<2000x128xf32>, vector<128x128xf32>, vector<2000x128xf32> -> vector<2000x128xf32>
    %add3A_254 = arith.addf %dot_general3A_246, %dot_general3A_253 : vector<2000x128xf32>
    %slice3A_255 = vector.extract_strided_slice %eq3A_17 {offsets = [0, 10], sizes = [2000, 1], strides = [1, 1]} : vector<2000x11xi1> to vector<2000x1xi1>
    %jit3A_256 = arith.constant 0.000000e+00 : f32
    %broadcast_in_dim3A_257 = vector.shape_cast %slice3A_255 : vector<2000x1xi1> to vector<2000x1xi1>
    %broadcast_in_dim3A_258 = vector.broadcast %broadcast_in_dim3A_257 : vector<2000x1xi1> to vector<2000x128xi1>
    %broadcast_in_dim3A_259 = vector.broadcast %jit3A_256 : f32 to vector<2000x128xf32>
    %select_n3A_260 = arith.select %broadcast_in_dim3A_258, %add3A_254, %broadcast_in_dim3A_259 : vector<2000x128xi1>, vector<2000x128xf32>
    %add3A_261 = arith.addf %add3A_239, %select_n3A_260 : vector<2000x128xf32>
    %max3A = arith.constant 0.000000e+00 : f32
    %max3A_262 = vector.broadcast %max3A : f32 to vector<2000x128xf32>
    %max3A_263 = arith.maximumf %add3A_261, %max3A_262 : vector<2000x128xf32>
    %swap3A = arith.constant 0 : index
    %swap3A_264 = arith.constant 0 : index
    %swap3A_265 = vector.load %arg9[%swap3A, %swap3A_264] : memref<2000x128xf32, #tpu.memory_space<vmem>>, vector<2000x128xf32>
    tpu.vector_store %arg9[%swap3A, %swap3A_264], %max3A_263 {strides = array<i32>} : memref<2000x128xf32, #tpu.memory_space<vmem>>, vector<2000x128xf32>,
    return
  }
  func.func @transform_0(%arg0: i32) -> (i32, i32) {
    %c0_i32 = arith.constant 0 : i32
    %c0_i32_0 = arith.constant 0 : i32
    return %arg0, %c0_i32 : i32, i32
  }
  func.func @transform_1(%arg0: i32) -> (i32, i32) {
    %c0_i32 = arith.constant 0 : i32
    %c0_i32_0 = arith.constant 0 : i32
    return %arg0, %c0_i32 : i32, i32
  }
  func.func @transform_2(%arg0: i32) -> (i32, i32) {
    %c0_i32 = arith.constant 0 : i32
    %c0_i32_0 = arith.constant 0 : i32
    return %arg0, %c0_i32 : i32, i32
  }
  func.func @transform_3(%arg0: i32) -> (i32, i32) {
    %c0_i32 = arith.constant 0 : i32
    %c0_i32_0 = arith.constant 0 : i32
    return %arg0, %c0_i32 : i32, i32
  }
  func.func @transform_4(%arg0: i32) -> (i32, i32) {
    %c0_i32 = arith.constant 0 : i32
    %c0_i32_0 = arith.constant 0 : i32
    return %arg0, %c0_i32 : i32, i32
  }
  func.func @transform_5(%arg0: i32) -> (i32, i32, i32) {
    %c0_i32 = arith.constant 0 : i32
    %c0_i32_0 = arith.constant 0 : i32
    %c0_i32_1 = arith.constant 0 : i32
    %c0_i32_2 = arith.constant 0 : i32
    return %c0_i32, %c0_i32_0, %c0_i32_1 : i32, i32, i32
  }
  func.func @transform_6(%arg0: i32) -> (i32, i32, i32) {
    %c0_i32 = arith.constant 0 : i32
    %c0_i32_0 = arith.constant 0 : i32
    %c0_i32_1 = arith.constant 0 : i32
    %c0_i32_2 = arith.constant 0 : i32
    return %c0_i32, %c0_i32_0, %c0_i32_1 : i32, i32, i32
  }
  func.func @transform_7(%arg0: i32) -> (i32, i32) {
    %c0_i32 = arith.constant 0 : i32
    %c0_i32_0 = arith.constant 0 : i32
    %c0_i32_1 = arith.constant 0 : i32
    return %c0_i32, %c0_i32_0 : i32, i32
  }
  func.func @transform_8(%arg0: i32) -> (i32, i32) {
    %c0_i32 = arith.constant 0 : i32
    %c0_i32_0 = arith.constant 0 : i32
    return %arg0, %c0_i32 : i32, i32
  }
}

module attributes {stable_mosaic.version = 14 : i64} {
  func.func @_mfconv_pool_body(%arg0: i32, %arg1: memref<2000x64xf32, #tpu.memory_space<vmem>>, %arg2: memref<2000x64xf32, #tpu.memory_space<vmem>>, %arg3: memref<2000x128xf32, #tpu.memory_space<vmem>>, %arg4: memref<2000x16xi32, #tpu.memory_space<vmem>>, %arg5: memref<2000x16xi32, #tpu.memory_space<vmem>>, %arg6: memref<11x128x128xf32, #tpu.memory_space<vmem>>, %arg7: memref<11x128x128xf32, #tpu.memory_space<vmem>>, %arg8: memref<11x128xf32, #tpu.memory_space<vmem>>, %arg9: memref<2000x16xi32, #tpu.memory_space<vmem>>, %arg10: memref<128x128xf32, #tpu.memory_space<vmem>>, %arg11: memref<1x128xf32, #tpu.memory_space<vmem>>, %arg12: memref<128x128xf32, #tpu.memory_space<vmem>>, %arg13: memref<1x128xf32, #tpu.memory_space<vmem>>, %arg14: memref<64x128xf32, #tpu.memory_space<vmem>>, %arg15: memref<64x128xf32, #tpu.memory_space<vmem>>, %arg16: memref<64x128xf32, #tpu.memory_space<vmem>>) attributes {dimension_semantics = [#tpu.dimension_semantics<arbitrary>], iteration_bounds = array<i64: 5>, scalar_prefetch = 0 : i64, scratch_operands = 2 : i64, tpu.core_type = #tpu.core_type<tc>, window_params = [{transform_indices = @transform_0, window_bounds = array<i64: 2000, 64>}, {transform_indices = @transform_1, window_bounds = array<i64: 2000, 64>}, {transform_indices = @transform_2, window_bounds = array<i64: 2000, 128>}, {transform_indices = @transform_3, window_bounds = array<i64: 2000, 16>}, {transform_indices = @transform_4, window_bounds = array<i64: 2000, 16>}, {pipeline_mode = #tpu.pipeline_mode<synchronous>, transform_indices = @transform_5, window_bounds = array<i64: 11, 128, 128>}, {pipeline_mode = #tpu.pipeline_mode<synchronous>, transform_indices = @transform_6, window_bounds = array<i64: 11, 128, 128>}, {pipeline_mode = #tpu.pipeline_mode<synchronous>, transform_indices = @transform_7, window_bounds = array<i64: 11, 128>}, {transform_indices = @transform_8, window_bounds = array<i64: 2000, 16>}, {pipeline_mode = #tpu.pipeline_mode<synchronous>, transform_indices = @transform_9, window_bounds = array<i64: 128, 128>}, {pipeline_mode = #tpu.pipeline_mode<synchronous>, transform_indices = @transform_10, window_bounds = array<i64: 1, 128>}, {pipeline_mode = #tpu.pipeline_mode<synchronous>, transform_indices = @transform_11, window_bounds = array<i64: 128, 128>}, {pipeline_mode = #tpu.pipeline_mode<synchronous>, transform_indices = @transform_12, window_bounds = array<i64: 1, 128>}, {pipeline_mode = #tpu.pipeline_mode<synchronous>, transform_indices = @transform_13, window_bounds = array<i64: 64, 128>}]} {
    %eq3A = arith.constant 0 : i32
    %eq3A_0 = arith.cmpi eq, %arg0, %eq3A : i32
    %convert_element_type3A = arith.extui %eq3A_0 : i1 to i32
    %cond3A = arith.constant 0 : i32
    %cond3A_1 = arith.cmpi ne, %convert_element_type3A, %cond3A : i32
    scf.if %cond3A_1 {
      %broadcast_in_dim3A_299 = arith.constant 0.000000e+00 : f32
      %broadcast_in_dim3A_300 = vector.broadcast %broadcast_in_dim3A_299 : f32 to vector<64x128xf32>
      %swap3A_301 = arith.constant 0 : index
      %swap3A_302 = arith.constant 0 : index
      %swap3A_303 = vector.load %arg15[%swap3A_301, %swap3A_302] : memref<64x128xf32, #tpu.memory_space<vmem>>, vector<64x128xf32>
      tpu.vector_store %arg15[%swap3A_301, %swap3A_302], %broadcast_in_dim3A_300 {strides = array<i32>} : memref<64x128xf32, #tpu.memory_space<vmem>>, vector<64x128xf32>,
      %broadcast_in_dim3A_304 = arith.constant 0.000000e+00 : f32
      %broadcast_in_dim3A_305 = vector.broadcast %broadcast_in_dim3A_304 : f32 to vector<64x128xf32>
      %swap3A_306 = arith.constant 0 : index
      %swap3A_307 = arith.constant 0 : index
      %swap3A_308 = vector.load %arg16[%swap3A_306, %swap3A_307] : memref<64x128xf32, #tpu.memory_space<vmem>>, vector<64x128xf32>
      tpu.vector_store %arg16[%swap3A_306, %swap3A_307], %broadcast_in_dim3A_305 {strides = array<i32>} : memref<64x128xf32, #tpu.memory_space<vmem>>, vector<64x128xf32>,
    } else {
    }
    %get3A = arith.constant 0 : index
    %get3A_2 = arith.constant 0 : index
    %get3A_3 = vector.load %arg1[%get3A, %get3A_2] : memref<2000x64xf32, #tpu.memory_space<vmem>>, vector<2000x64xf32>
    %get3A_4 = arith.constant 0 : index
    %get3A_5 = arith.constant 0 : index
    %get3A_6 = vector.load %arg2[%get3A_4, %get3A_5] : memref<2000x64xf32, #tpu.memory_space<vmem>>, vector<2000x64xf32>
    %concatenate3A = tpu.concatenate %get3A_3, %get3A_6 in 1 : vector<2000x64xf32>, vector<2000x64xf32> -> vector<2000x128xf32>
    %get3A_7 = arith.constant 0 : index
    %get3A_8 = arith.constant 0 : index
    %get3A_9 = vector.load %arg3[%get3A_7, %get3A_8] : memref<2000x128xf32, #tpu.memory_space<vmem>>, vector<2000x128xf32>
    %get3A_10 = arith.constant 0 : index
    %get3A_11 = arith.constant 0 : index
    %get3A_12 = vector.load %arg4[%get3A_10, %get3A_11] : memref<2000x16xi32, #tpu.memory_space<vmem>>, vector<2000x16xi32>
    %slice3A = vector.extract_strided_slice %get3A_12 {offsets = [0, 0], sizes = [2000, 1], strides = [1, 1]} : vector<2000x16xi32> to vector<2000x1xi32>
    %get3A_13 = arith.constant 0 : index
    %get3A_14 = arith.constant 0 : index
    %get3A_15 = vector.load %arg5[%get3A_13, %get3A_14] : memref<2000x16xi32, #tpu.memory_space<vmem>>, vector<2000x16xi32>
    %slice3A_16 = vector.extract_strided_slice %get3A_15 {offsets = [0, 0], sizes = [2000, 1], strides = [1, 1]} : vector<2000x16xi32> to vector<2000x1xi32>
    %add3A = arith.addi %slice3A, %slice3A_16 : vector<2000x1xi32>
    %min3A = arith.constant 10 : i32
    %min3A_17 = vector.broadcast %min3A : i32 to vector<2000x1xi32>
    %min3A_18 = arith.minsi %add3A, %min3A_17 : vector<2000x1xi32>
    %iota3A = tpu.iota {dimensions = array<i32: 1>} : vector<2000x11xi32>
    %eq3A_19 = vector.broadcast %min3A_18 : vector<2000x1xi32> to vector<2000x11xi32>
    %eq3A_20 = arith.cmpi eq, %eq3A_19, %iota3A : vector<2000x11xi32>
    %convert_element_type3A_21 = arith.extui %eq3A_20 : vector<2000x11xi1> to vector<2000x11xi32>
    %convert_element_type3A_22 = arith.sitofp %convert_element_type3A_21 : vector<2000x11xi32> to vector<2000x11xf32>
    %get3A_23 = arith.constant 0 : index
    %get3A_24 = arith.constant 0 : index
    %get3A_25 = vector.load %arg8[%get3A_23, %get3A_24] : memref<11x128xf32, #tpu.memory_space<vmem>>, vector<11x128xf32>
    %dot_general3A = arith.constant dense<0.000000e+00> : vector<2000x128xf32>
    %dot_general3A_26 = tpu.matmul %convert_element_type3A_22, %get3A_25, %dot_general3A {dimension_numbers = #tpu.dot_dimension_numbers<[1], [0], [0], [1], [0, 0, 1, 1], [], []>, transpose_lhs_hint = false} : vector<2000x11xf32>, vector<11x128xf32>, vector<2000x128xf32> -> vector<2000x128xf32>
    %get3A_27 = arith.constant 0 : index
    %get3A_28 = arith.constant 0 : index
    %get3A_29 = arith.constant 0 : index
    %get3A_30 = vector.load %arg6[%get3A_27, %get3A_28, %get3A_29] : memref<11x128x128xf32, #tpu.memory_space<vmem>>, vector<1x128x128xf32>
    %get3A_31 = vector.shape_cast %get3A_30 : vector<1x128x128xf32> to vector<128x128xf32>
    %dot_general3A_32 = arith.constant dense<0.000000e+00> : vector<2000x128xf32>
    %dot_general3A_33 = tpu.matmul %concatenate3A, %get3A_31, %dot_general3A_32 {dimension_numbers = #tpu.dot_dimension_numbers<[1], [0], [0], [1], [0, 0, 1, 1], [], []>, transpose_lhs_hint = false} : vector<2000x128xf32>, vector<128x128xf32>, vector<2000x128xf32> -> vector<2000x128xf32>
    %get3A_34 = arith.constant 0 : index
    %get3A_35 = arith.constant 0 : index
    %get3A_36 = arith.constant 0 : index
    %get3A_37 = vector.load %arg7[%get3A_34, %get3A_35, %get3A_36] : memref<11x128x128xf32, #tpu.memory_space<vmem>>, vector<1x128x128xf32>
    %get3A_38 = vector.shape_cast %get3A_37 : vector<1x128x128xf32> to vector<128x128xf32>
    %dot_general3A_39 = arith.constant dense<0.000000e+00> : vector<2000x128xf32>
    %dot_general3A_40 = tpu.matmul %get3A_9, %get3A_38, %dot_general3A_39 {dimension_numbers = #tpu.dot_dimension_numbers<[1], [0], [0], [1], [0, 0, 1, 1], [], []>, transpose_lhs_hint = false} : vector<2000x128xf32>, vector<128x128xf32>, vector<2000x128xf32> -> vector<2000x128xf32>
    %add3A_41 = arith.addf %dot_general3A_33, %dot_general3A_40 : vector<2000x128xf32>
    %slice3A_42 = vector.extract_strided_slice %eq3A_20 {offsets = [0, 0], sizes = [2000, 1], strides = [1, 1]} : vector<2000x11xi1> to vector<2000x1xi1>
    %jit3A = arith.constant 0.000000e+00 : f32
    %broadcast_in_dim3A = vector.shape_cast %slice3A_42 : vector<2000x1xi1> to vector<2000x1xi1>
    %broadcast_in_dim3A_43 = vector.broadcast %broadcast_in_dim3A : vector<2000x1xi1> to vector<2000x128xi1>
    %broadcast_in_dim3A_44 = vector.broadcast %jit3A : f32 to vector<2000x128xf32>
    %select_n3A = arith.select %broadcast_in_dim3A_43, %add3A_41, %broadcast_in_dim3A_44 : vector<2000x128xi1>, vector<2000x128xf32>
    %add3A_45 = arith.addf %dot_general3A_26, %select_n3A : vector<2000x128xf32>
    %get3A_46 = arith.constant 1 : index
    %get3A_47 = arith.constant 0 : index
    %get3A_48 = arith.constant 0 : index
    %get3A_49 = vector.load %arg6[%get3A_46, %get3A_47, %get3A_48] : memref<11x128x128xf32, #tpu.memory_space<vmem>>, vector<1x128x128xf32>
    %get3A_50 = vector.shape_cast %get3A_49 : vector<1x128x128xf32> to vector<128x128xf32>
    %dot_general3A_51 = arith.constant dense<0.000000e+00> : vector<2000x128xf32>
    %dot_general3A_52 = tpu.matmul %concatenate3A, %get3A_50, %dot_general3A_51 {dimension_numbers = #tpu.dot_dimension_numbers<[1], [0], [0], [1], [0, 0, 1, 1], [], []>, transpose_lhs_hint = false} : vector<2000x128xf32>, vector<128x128xf32>, vector<2000x128xf32> -> vector<2000x128xf32>
    %get3A_53 = arith.constant 1 : index
    %get3A_54 = arith.constant 0 : index
    %get3A_55 = arith.constant 0 : index
    %get3A_56 = vector.load %arg7[%get3A_53, %get3A_54, %get3A_55] : memref<11x128x128xf32, #tpu.memory_space<vmem>>, vector<1x128x128xf32>
    %get3A_57 = vector.shape_cast %get3A_56 : vector<1x128x128xf32> to vector<128x128xf32>
    %dot_general3A_58 = arith.constant dense<0.000000e+00> : vector<2000x128xf32>
    %dot_general3A_59 = tpu.matmul %get3A_9, %get3A_57, %dot_general3A_58 {dimension_numbers = #tpu.dot_dimension_numbers<[1], [0], [0], [1], [0, 0, 1, 1], [], []>, transpose_lhs_hint = false} : vector<2000x128xf32>, vector<128x128xf32>, vector<2000x128xf32> -> vector<2000x128xf32>
    %add3A_60 = arith.addf %dot_general3A_52, %dot_general3A_59 : vector<2000x128xf32>
    %slice3A_61 = vector.extract_strided_slice %eq3A_20 {offsets = [0, 1], sizes = [2000, 1], strides = [1, 1]} : vector<2000x11xi1> to vector<2000x1xi1>
    %jit3A_62 = arith.constant 0.000000e+00 : f32
    %broadcast_in_dim3A_63 = vector.shape_cast %slice3A_61 : vector<2000x1xi1> to vector<2000x1xi1>
    %broadcast_in_dim3A_64 = vector.broadcast %broadcast_in_dim3A_63 : vector<2000x1xi1> to vector<2000x128xi1>
    %broadcast_in_dim3A_65 = vector.broadcast %jit3A_62 : f32 to vector<2000x128xf32>
    %select_n3A_66 = arith.select %broadcast_in_dim3A_64, %add3A_60, %broadcast_in_dim3A_65 : vector<2000x128xi1>, vector<2000x128xf32>
    %add3A_67 = arith.addf %add3A_45, %select_n3A_66 : vector<2000x128xf32>
    %get3A_68 = arith.constant 2 : index
    %get3A_69 = arith.constant 0 : index
    %get3A_70 = arith.constant 0 : index
    %get3A_71 = vector.load %arg6[%get3A_68, %get3A_69, %get3A_70] : memref<11x128x128xf32, #tpu.memory_space<vmem>>, vector<1x128x128xf32>
    %get3A_72 = vector.shape_cast %get3A_71 : vector<1x128x128xf32> to vector<128x128xf32>
    %dot_general3A_73 = arith.constant dense<0.000000e+00> : vector<2000x128xf32>
    %dot_general3A_74 = tpu.matmul %concatenate3A, %get3A_72, %dot_general3A_73 {dimension_numbers = #tpu.dot_dimension_numbers<[1], [0], [0], [1], [0, 0, 1, 1], [], []>, transpose_lhs_hint = false} : vector<2000x128xf32>, vector<128x128xf32>, vector<2000x128xf32> -> vector<2000x128xf32>
    %get3A_75 = arith.constant 2 : index
    %get3A_76 = arith.constant 0 : index
    %get3A_77 = arith.constant 0 : index
    %get3A_78 = vector.load %arg7[%get3A_75, %get3A_76, %get3A_77] : memref<11x128x128xf32, #tpu.memory_space<vmem>>, vector<1x128x128xf32>
    %get3A_79 = vector.shape_cast %get3A_78 : vector<1x128x128xf32> to vector<128x128xf32>
    %dot_general3A_80 = arith.constant dense<0.000000e+00> : vector<2000x128xf32>
    %dot_general3A_81 = tpu.matmul %get3A_9, %get3A_79, %dot_general3A_80 {dimension_numbers = #tpu.dot_dimension_numbers<[1], [0], [0], [1], [0, 0, 1, 1], [], []>, transpose_lhs_hint = false} : vector<2000x128xf32>, vector<128x128xf32>, vector<2000x128xf32> -> vector<2000x128xf32>
    %add3A_82 = arith.addf %dot_general3A_74, %dot_general3A_81 : vector<2000x128xf32>
    %slice3A_83 = vector.extract_strided_slice %eq3A_20 {offsets = [0, 2], sizes = [2000, 1], strides = [1, 1]} : vector<2000x11xi1> to vector<2000x1xi1>
    %jit3A_84 = arith.constant 0.000000e+00 : f32
    %broadcast_in_dim3A_85 = vector.shape_cast %slice3A_83 : vector<2000x1xi1> to vector<2000x1xi1>
    %broadcast_in_dim3A_86 = vector.broadcast %broadcast_in_dim3A_85 : vector<2000x1xi1> to vector<2000x128xi1>
    %broadcast_in_dim3A_87 = vector.broadcast %jit3A_84 : f32 to vector<2000x128xf32>
    %select_n3A_88 = arith.select %broadcast_in_dim3A_86, %add3A_82, %broadcast_in_dim3A_87 : vector<2000x128xi1>, vector<2000x128xf32>
    %add3A_89 = arith.addf %add3A_67, %select_n3A_88 : vector<2000x128xf32>
    %get3A_90 = arith.constant 3 : index
    %get3A_91 = arith.constant 0 : index
    %get3A_92 = arith.constant 0 : index
    %get3A_93 = vector.load %arg6[%get3A_90, %get3A_91, %get3A_92] : memref<11x128x128xf32, #tpu.memory_space<vmem>>, vector<1x128x128xf32>
    %get3A_94 = vector.shape_cast %get3A_93 : vector<1x128x128xf32> to vector<128x128xf32>
    %dot_general3A_95 = arith.constant dense<0.000000e+00> : vector<2000x128xf32>
    %dot_general3A_96 = tpu.matmul %concatenate3A, %get3A_94, %dot_general3A_95 {dimension_numbers = #tpu.dot_dimension_numbers<[1], [0], [0], [1], [0, 0, 1, 1], [], []>, transpose_lhs_hint = false} : vector<2000x128xf32>, vector<128x128xf32>, vector<2000x128xf32> -> vector<2000x128xf32>
    %get3A_97 = arith.constant 3 : index
    %get3A_98 = arith.constant 0 : index
    %get3A_99 = arith.constant 0 : index
    %get3A_100 = vector.load %arg7[%get3A_97, %get3A_98, %get3A_99] : memref<11x128x128xf32, #tpu.memory_space<vmem>>, vector<1x128x128xf32>
    %get3A_101 = vector.shape_cast %get3A_100 : vector<1x128x128xf32> to vector<128x128xf32>
    %dot_general3A_102 = arith.constant dense<0.000000e+00> : vector<2000x128xf32>
    %dot_general3A_103 = tpu.matmul %get3A_9, %get3A_101, %dot_general3A_102 {dimension_numbers = #tpu.dot_dimension_numbers<[1], [0], [0], [1], [0, 0, 1, 1], [], []>, transpose_lhs_hint = false} : vector<2000x128xf32>, vector<128x128xf32>, vector<2000x128xf32> -> vector<2000x128xf32>
    %add3A_104 = arith.addf %dot_general3A_96, %dot_general3A_103 : vector<2000x128xf32>
    %slice3A_105 = vector.extract_strided_slice %eq3A_20 {offsets = [0, 3], sizes = [2000, 1], strides = [1, 1]} : vector<2000x11xi1> to vector<2000x1xi1>
    %jit3A_106 = arith.constant 0.000000e+00 : f32
    %broadcast_in_dim3A_107 = vector.shape_cast %slice3A_105 : vector<2000x1xi1> to vector<2000x1xi1>
    %broadcast_in_dim3A_108 = vector.broadcast %broadcast_in_dim3A_107 : vector<2000x1xi1> to vector<2000x128xi1>
    %broadcast_in_dim3A_109 = vector.broadcast %jit3A_106 : f32 to vector<2000x128xf32>
    %select_n3A_110 = arith.select %broadcast_in_dim3A_108, %add3A_104, %broadcast_in_dim3A_109 : vector<2000x128xi1>, vector<2000x128xf32>
    %add3A_111 = arith.addf %add3A_89, %select_n3A_110 : vector<2000x128xf32>
    %get3A_112 = arith.constant 4 : index
    %get3A_113 = arith.constant 0 : index
    %get3A_114 = arith.constant 0 : index
    %get3A_115 = vector.load %arg6[%get3A_112, %get3A_113, %get3A_114] : memref<11x128x128xf32, #tpu.memory_space<vmem>>, vector<1x128x128xf32>
    %get3A_116 = vector.shape_cast %get3A_115 : vector<1x128x128xf32> to vector<128x128xf32>
    %dot_general3A_117 = arith.constant dense<0.000000e+00> : vector<2000x128xf32>
    %dot_general3A_118 = tpu.matmul %concatenate3A, %get3A_116, %dot_general3A_117 {dimension_numbers = #tpu.dot_dimension_numbers<[1], [0], [0], [1], [0, 0, 1, 1], [], []>, transpose_lhs_hint = false} : vector<2000x128xf32>, vector<128x128xf32>, vector<2000x128xf32> -> vector<2000x128xf32>
    %get3A_119 = arith.constant 4 : index
    %get3A_120 = arith.constant 0 : index
    %get3A_121 = arith.constant 0 : index
    %get3A_122 = vector.load %arg7[%get3A_119, %get3A_120, %get3A_121] : memref<11x128x128xf32, #tpu.memory_space<vmem>>, vector<1x128x128xf32>
    %get3A_123 = vector.shape_cast %get3A_122 : vector<1x128x128xf32> to vector<128x128xf32>
    %dot_general3A_124 = arith.constant dense<0.000000e+00> : vector<2000x128xf32>
    %dot_general3A_125 = tpu.matmul %get3A_9, %get3A_123, %dot_general3A_124 {dimension_numbers = #tpu.dot_dimension_numbers<[1], [0], [0], [1], [0, 0, 1, 1], [], []>, transpose_lhs_hint = false} : vector<2000x128xf32>, vector<128x128xf32>, vector<2000x128xf32> -> vector<2000x128xf32>
    %add3A_126 = arith.addf %dot_general3A_118, %dot_general3A_125 : vector<2000x128xf32>
    %slice3A_127 = vector.extract_strided_slice %eq3A_20 {offsets = [0, 4], sizes = [2000, 1], strides = [1, 1]} : vector<2000x11xi1> to vector<2000x1xi1>
    %jit3A_128 = arith.constant 0.000000e+00 : f32
    %broadcast_in_dim3A_129 = vector.shape_cast %slice3A_127 : vector<2000x1xi1> to vector<2000x1xi1>
    %broadcast_in_dim3A_130 = vector.broadcast %broadcast_in_dim3A_129 : vector<2000x1xi1> to vector<2000x128xi1>
    %broadcast_in_dim3A_131 = vector.broadcast %jit3A_128 : f32 to vector<2000x128xf32>
    %select_n3A_132 = arith.select %broadcast_in_dim3A_130, %add3A_126, %broadcast_in_dim3A_131 : vector<2000x128xi1>, vector<2000x128xf32>
    %add3A_133 = arith.addf %add3A_111, %select_n3A_132 : vector<2000x128xf32>
    %get3A_134 = arith.constant 5 : index
    %get3A_135 = arith.constant 0 : index
    %get3A_136 = arith.constant 0 : index
    %get3A_137 = vector.load %arg6[%get3A_134, %get3A_135, %get3A_136] : memref<11x128x128xf32, #tpu.memory_space<vmem>>, vector<1x128x128xf32>
    %get3A_138 = vector.shape_cast %get3A_137 : vector<1x128x128xf32> to vector<128x128xf32>
    %dot_general3A_139 = arith.constant dense<0.000000e+00> : vector<2000x128xf32>
    %dot_general3A_140 = tpu.matmul %concatenate3A, %get3A_138, %dot_general3A_139 {dimension_numbers = #tpu.dot_dimension_numbers<[1], [0], [0], [1], [0, 0, 1, 1], [], []>, transpose_lhs_hint = false} : vector<2000x128xf32>, vector<128x128xf32>, vector<2000x128xf32> -> vector<2000x128xf32>
    %get3A_141 = arith.constant 5 : index
    %get3A_142 = arith.constant 0 : index
    %get3A_143 = arith.constant 0 : index
    %get3A_144 = vector.load %arg7[%get3A_141, %get3A_142, %get3A_143] : memref<11x128x128xf32, #tpu.memory_space<vmem>>, vector<1x128x128xf32>
    %get3A_145 = vector.shape_cast %get3A_144 : vector<1x128x128xf32> to vector<128x128xf32>
    %dot_general3A_146 = arith.constant dense<0.000000e+00> : vector<2000x128xf32>
    %dot_general3A_147 = tpu.matmul %get3A_9, %get3A_145, %dot_general3A_146 {dimension_numbers = #tpu.dot_dimension_numbers<[1], [0], [0], [1], [0, 0, 1, 1], [], []>, transpose_lhs_hint = false} : vector<2000x128xf32>, vector<128x128xf32>, vector<2000x128xf32> -> vector<2000x128xf32>
    %add3A_148 = arith.addf %dot_general3A_140, %dot_general3A_147 : vector<2000x128xf32>
    %slice3A_149 = vector.extract_strided_slice %eq3A_20 {offsets = [0, 5], sizes = [2000, 1], strides = [1, 1]} : vector<2000x11xi1> to vector<2000x1xi1>
    %jit3A_150 = arith.constant 0.000000e+00 : f32
    %broadcast_in_dim3A_151 = vector.shape_cast %slice3A_149 : vector<2000x1xi1> to vector<2000x1xi1>
    %broadcast_in_dim3A_152 = vector.broadcast %broadcast_in_dim3A_151 : vector<2000x1xi1> to vector<2000x128xi1>
    %broadcast_in_dim3A_153 = vector.broadcast %jit3A_150 : f32 to vector<2000x128xf32>
    %select_n3A_154 = arith.select %broadcast_in_dim3A_152, %add3A_148, %broadcast_in_dim3A_153 : vector<2000x128xi1>, vector<2000x128xf32>
    %add3A_155 = arith.addf %add3A_133, %select_n3A_154 : vector<2000x128xf32>
    %get3A_156 = arith.constant 6 : index
    %get3A_157 = arith.constant 0 : index
    %get3A_158 = arith.constant 0 : index
    %get3A_159 = vector.load %arg6[%get3A_156, %get3A_157, %get3A_158] : memref<11x128x128xf32, #tpu.memory_space<vmem>>, vector<1x128x128xf32>
    %get3A_160 = vector.shape_cast %get3A_159 : vector<1x128x128xf32> to vector<128x128xf32>
    %dot_general3A_161 = arith.constant dense<0.000000e+00> : vector<2000x128xf32>
    %dot_general3A_162 = tpu.matmul %concatenate3A, %get3A_160, %dot_general3A_161 {dimension_numbers = #tpu.dot_dimension_numbers<[1], [0], [0], [1], [0, 0, 1, 1], [], []>, transpose_lhs_hint = false} : vector<2000x128xf32>, vector<128x128xf32>, vector<2000x128xf32> -> vector<2000x128xf32>
    %get3A_163 = arith.constant 6 : index
    %get3A_164 = arith.constant 0 : index
    %get3A_165 = arith.constant 0 : index
    %get3A_166 = vector.load %arg7[%get3A_163, %get3A_164, %get3A_165] : memref<11x128x128xf32, #tpu.memory_space<vmem>>, vector<1x128x128xf32>
    %get3A_167 = vector.shape_cast %get3A_166 : vector<1x128x128xf32> to vector<128x128xf32>
    %dot_general3A_168 = arith.constant dense<0.000000e+00> : vector<2000x128xf32>
    %dot_general3A_169 = tpu.matmul %get3A_9, %get3A_167, %dot_general3A_168 {dimension_numbers = #tpu.dot_dimension_numbers<[1], [0], [0], [1], [0, 0, 1, 1], [], []>, transpose_lhs_hint = false} : vector<2000x128xf32>, vector<128x128xf32>, vector<2000x128xf32> -> vector<2000x128xf32>
    %add3A_170 = arith.addf %dot_general3A_162, %dot_general3A_169 : vector<2000x128xf32>
    %slice3A_171 = vector.extract_strided_slice %eq3A_20 {offsets = [0, 6], sizes = [2000, 1], strides = [1, 1]} : vector<2000x11xi1> to vector<2000x1xi1>
    %jit3A_172 = arith.constant 0.000000e+00 : f32
    %broadcast_in_dim3A_173 = vector.shape_cast %slice3A_171 : vector<2000x1xi1> to vector<2000x1xi1>
    %broadcast_in_dim3A_174 = vector.broadcast %broadcast_in_dim3A_173 : vector<2000x1xi1> to vector<2000x128xi1>
    %broadcast_in_dim3A_175 = vector.broadcast %jit3A_172 : f32 to vector<2000x128xf32>
    %select_n3A_176 = arith.select %broadcast_in_dim3A_174, %add3A_170, %broadcast_in_dim3A_175 : vector<2000x128xi1>, vector<2000x128xf32>
    %add3A_177 = arith.addf %add3A_155, %select_n3A_176 : vector<2000x128xf32>
    %get3A_178 = arith.constant 7 : index
    %get3A_179 = arith.constant 0 : index
    %get3A_180 = arith.constant 0 : index
    %get3A_181 = vector.load %arg6[%get3A_178, %get3A_179, %get3A_180] : memref<11x128x128xf32, #tpu.memory_space<vmem>>, vector<1x128x128xf32>
    %get3A_182 = vector.shape_cast %get3A_181 : vector<1x128x128xf32> to vector<128x128xf32>
    %dot_general3A_183 = arith.constant dense<0.000000e+00> : vector<2000x128xf32>
    %dot_general3A_184 = tpu.matmul %concatenate3A, %get3A_182, %dot_general3A_183 {dimension_numbers = #tpu.dot_dimension_numbers<[1], [0], [0], [1], [0, 0, 1, 1], [], []>, transpose_lhs_hint = false} : vector<2000x128xf32>, vector<128x128xf32>, vector<2000x128xf32> -> vector<2000x128xf32>
    %get3A_185 = arith.constant 7 : index
    %get3A_186 = arith.constant 0 : index
    %get3A_187 = arith.constant 0 : index
    %get3A_188 = vector.load %arg7[%get3A_185, %get3A_186, %get3A_187] : memref<11x128x128xf32, #tpu.memory_space<vmem>>, vector<1x128x128xf32>
    %get3A_189 = vector.shape_cast %get3A_188 : vector<1x128x128xf32> to vector<128x128xf32>
    %dot_general3A_190 = arith.constant dense<0.000000e+00> : vector<2000x128xf32>
    %dot_general3A_191 = tpu.matmul %get3A_9, %get3A_189, %dot_general3A_190 {dimension_numbers = #tpu.dot_dimension_numbers<[1], [0], [0], [1], [0, 0, 1, 1], [], []>, transpose_lhs_hint = false} : vector<2000x128xf32>, vector<128x128xf32>, vector<2000x128xf32> -> vector<2000x128xf32>
    %add3A_192 = arith.addf %dot_general3A_184, %dot_general3A_191 : vector<2000x128xf32>
    %slice3A_193 = vector.extract_strided_slice %eq3A_20 {offsets = [0, 7], sizes = [2000, 1], strides = [1, 1]} : vector<2000x11xi1> to vector<2000x1xi1>
    %jit3A_194 = arith.constant 0.000000e+00 : f32
    %broadcast_in_dim3A_195 = vector.shape_cast %slice3A_193 : vector<2000x1xi1> to vector<2000x1xi1>
    %broadcast_in_dim3A_196 = vector.broadcast %broadcast_in_dim3A_195 : vector<2000x1xi1> to vector<2000x128xi1>
    %broadcast_in_dim3A_197 = vector.broadcast %jit3A_194 : f32 to vector<2000x128xf32>
    %select_n3A_198 = arith.select %broadcast_in_dim3A_196, %add3A_192, %broadcast_in_dim3A_197 : vector<2000x128xi1>, vector<2000x128xf32>
    %add3A_199 = arith.addf %add3A_177, %select_n3A_198 : vector<2000x128xf32>
    %get3A_200 = arith.constant 8 : index
    %get3A_201 = arith.constant 0 : index
    %get3A_202 = arith.constant 0 : index
    %get3A_203 = vector.load %arg6[%get3A_200, %get3A_201, %get3A_202] : memref<11x128x128xf32, #tpu.memory_space<vmem>>, vector<1x128x128xf32>
    %get3A_204 = vector.shape_cast %get3A_203 : vector<1x128x128xf32> to vector<128x128xf32>
    %dot_general3A_205 = arith.constant dense<0.000000e+00> : vector<2000x128xf32>
    %dot_general3A_206 = tpu.matmul %concatenate3A, %get3A_204, %dot_general3A_205 {dimension_numbers = #tpu.dot_dimension_numbers<[1], [0], [0], [1], [0, 0, 1, 1], [], []>, transpose_lhs_hint = false} : vector<2000x128xf32>, vector<128x128xf32>, vector<2000x128xf32> -> vector<2000x128xf32>
    %get3A_207 = arith.constant 8 : index
    %get3A_208 = arith.constant 0 : index
    %get3A_209 = arith.constant 0 : index
    %get3A_210 = vector.load %arg7[%get3A_207, %get3A_208, %get3A_209] : memref<11x128x128xf32, #tpu.memory_space<vmem>>, vector<1x128x128xf32>
    %get3A_211 = vector.shape_cast %get3A_210 : vector<1x128x128xf32> to vector<128x128xf32>
    %dot_general3A_212 = arith.constant dense<0.000000e+00> : vector<2000x128xf32>
    %dot_general3A_213 = tpu.matmul %get3A_9, %get3A_211, %dot_general3A_212 {dimension_numbers = #tpu.dot_dimension_numbers<[1], [0], [0], [1], [0, 0, 1, 1], [], []>, transpose_lhs_hint = false} : vector<2000x128xf32>, vector<128x128xf32>, vector<2000x128xf32> -> vector<2000x128xf32>
    %add3A_214 = arith.addf %dot_general3A_206, %dot_general3A_213 : vector<2000x128xf32>
    %slice3A_215 = vector.extract_strided_slice %eq3A_20 {offsets = [0, 8], sizes = [2000, 1], strides = [1, 1]} : vector<2000x11xi1> to vector<2000x1xi1>
    %jit3A_216 = arith.constant 0.000000e+00 : f32
    %broadcast_in_dim3A_217 = vector.shape_cast %slice3A_215 : vector<2000x1xi1> to vector<2000x1xi1>
    %broadcast_in_dim3A_218 = vector.broadcast %broadcast_in_dim3A_217 : vector<2000x1xi1> to vector<2000x128xi1>
    %broadcast_in_dim3A_219 = vector.broadcast %jit3A_216 : f32 to vector<2000x128xf32>
    %select_n3A_220 = arith.select %broadcast_in_dim3A_218, %add3A_214, %broadcast_in_dim3A_219 : vector<2000x128xi1>, vector<2000x128xf32>
    %add3A_221 = arith.addf %add3A_199, %select_n3A_220 : vector<2000x128xf32>
    %get3A_222 = arith.constant 9 : index
    %get3A_223 = arith.constant 0 : index
    %get3A_224 = arith.constant 0 : index
    %get3A_225 = vector.load %arg6[%get3A_222, %get3A_223, %get3A_224] : memref<11x128x128xf32, #tpu.memory_space<vmem>>, vector<1x128x128xf32>
    %get3A_226 = vector.shape_cast %get3A_225 : vector<1x128x128xf32> to vector<128x128xf32>
    %dot_general3A_227 = arith.constant dense<0.000000e+00> : vector<2000x128xf32>
    %dot_general3A_228 = tpu.matmul %concatenate3A, %get3A_226, %dot_general3A_227 {dimension_numbers = #tpu.dot_dimension_numbers<[1], [0], [0], [1], [0, 0, 1, 1], [], []>, transpose_lhs_hint = false} : vector<2000x128xf32>, vector<128x128xf32>, vector<2000x128xf32> -> vector<2000x128xf32>
    %get3A_229 = arith.constant 9 : index
    %get3A_230 = arith.constant 0 : index
    %get3A_231 = arith.constant 0 : index
    %get3A_232 = vector.load %arg7[%get3A_229, %get3A_230, %get3A_231] : memref<11x128x128xf32, #tpu.memory_space<vmem>>, vector<1x128x128xf32>
    %get3A_233 = vector.shape_cast %get3A_232 : vector<1x128x128xf32> to vector<128x128xf32>
    %dot_general3A_234 = arith.constant dense<0.000000e+00> : vector<2000x128xf32>
    %dot_general3A_235 = tpu.matmul %get3A_9, %get3A_233, %dot_general3A_234 {dimension_numbers = #tpu.dot_dimension_numbers<[1], [0], [0], [1], [0, 0, 1, 1], [], []>, transpose_lhs_hint = false} : vector<2000x128xf32>, vector<128x128xf32>, vector<2000x128xf32> -> vector<2000x128xf32>
    %add3A_236 = arith.addf %dot_general3A_228, %dot_general3A_235 : vector<2000x128xf32>
    %slice3A_237 = vector.extract_strided_slice %eq3A_20 {offsets = [0, 9], sizes = [2000, 1], strides = [1, 1]} : vector<2000x11xi1> to vector<2000x1xi1>
    %jit3A_238 = arith.constant 0.000000e+00 : f32
    %broadcast_in_dim3A_239 = vector.shape_cast %slice3A_237 : vector<2000x1xi1> to vector<2000x1xi1>
    %broadcast_in_dim3A_240 = vector.broadcast %broadcast_in_dim3A_239 : vector<2000x1xi1> to vector<2000x128xi1>
    %broadcast_in_dim3A_241 = vector.broadcast %jit3A_238 : f32 to vector<2000x128xf32>
    %select_n3A_242 = arith.select %broadcast_in_dim3A_240, %add3A_236, %broadcast_in_dim3A_241 : vector<2000x128xi1>, vector<2000x128xf32>
    %add3A_243 = arith.addf %add3A_221, %select_n3A_242 : vector<2000x128xf32>
    %get3A_244 = arith.constant 10 : index
    %get3A_245 = arith.constant 0 : index
    %get3A_246 = arith.constant 0 : index
    %get3A_247 = vector.load %arg6[%get3A_244, %get3A_245, %get3A_246] : memref<11x128x128xf32, #tpu.memory_space<vmem>>, vector<1x128x128xf32>
    %get3A_248 = vector.shape_cast %get3A_247 : vector<1x128x128xf32> to vector<128x128xf32>
    %dot_general3A_249 = arith.constant dense<0.000000e+00> : vector<2000x128xf32>
    %dot_general3A_250 = tpu.matmul %concatenate3A, %get3A_248, %dot_general3A_249 {dimension_numbers = #tpu.dot_dimension_numbers<[1], [0], [0], [1], [0, 0, 1, 1], [], []>, transpose_lhs_hint = false} : vector<2000x128xf32>, vector<128x128xf32>, vector<2000x128xf32> -> vector<2000x128xf32>
    %get3A_251 = arith.constant 10 : index
    %get3A_252 = arith.constant 0 : index
    %get3A_253 = arith.constant 0 : index
    %get3A_254 = vector.load %arg7[%get3A_251, %get3A_252, %get3A_253] : memref<11x128x128xf32, #tpu.memory_space<vmem>>, vector<1x128x128xf32>
    %get3A_255 = vector.shape_cast %get3A_254 : vector<1x128x128xf32> to vector<128x128xf32>
    %dot_general3A_256 = arith.constant dense<0.000000e+00> : vector<2000x128xf32>
    %dot_general3A_257 = tpu.matmul %get3A_9, %get3A_255, %dot_general3A_256 {dimension_numbers = #tpu.dot_dimension_numbers<[1], [0], [0], [1], [0, 0, 1, 1], [], []>, transpose_lhs_hint = false} : vector<2000x128xf32>, vector<128x128xf32>, vector<2000x128xf32> -> vector<2000x128xf32>
    %add3A_258 = arith.addf %dot_general3A_250, %dot_general3A_257 : vector<2000x128xf32>
    %slice3A_259 = vector.extract_strided_slice %eq3A_20 {offsets = [0, 10], sizes = [2000, 1], strides = [1, 1]} : vector<2000x11xi1> to vector<2000x1xi1>
    %jit3A_260 = arith.constant 0.000000e+00 : f32
    %broadcast_in_dim3A_261 = vector.shape_cast %slice3A_259 : vector<2000x1xi1> to vector<2000x1xi1>
    %broadcast_in_dim3A_262 = vector.broadcast %broadcast_in_dim3A_261 : vector<2000x1xi1> to vector<2000x128xi1>
    %broadcast_in_dim3A_263 = vector.broadcast %jit3A_260 : f32 to vector<2000x128xf32>
    %select_n3A_264 = arith.select %broadcast_in_dim3A_262, %add3A_258, %broadcast_in_dim3A_263 : vector<2000x128xi1>, vector<2000x128xf32>
    %add3A_265 = arith.addf %add3A_243, %select_n3A_264 : vector<2000x128xf32>
    %get3A_266 = arith.constant 0 : index
    %get3A_267 = arith.constant 0 : index
    %get3A_268 = vector.load %arg9[%get3A_266, %get3A_267] : memref<2000x16xi32, #tpu.memory_space<vmem>>, vector<2000x16xi32>
    %slice3A_269 = vector.extract_strided_slice %get3A_268 {offsets = [0, 0], sizes = [2000, 1], strides = [1, 1]} : vector<2000x16xi32> to vector<2000x1xi32>
    %iota3A_270 = tpu.iota {dimensions = array<i32: 1>} : vector<2000x64xi32>
    %eq3A_271 = vector.broadcast %slice3A_269 : vector<2000x1xi32> to vector<2000x64xi32>
    %eq3A_272 = arith.cmpi eq, %eq3A_271, %iota3A_270 : vector<2000x64xi32>
    %convert_element_type3A_273 = arith.extui %eq3A_272 : vector<2000x64xi1> to vector<2000x64xi32>
    %convert_element_type3A_274 = arith.sitofp %convert_element_type3A_273 : vector<2000x64xi32> to vector<2000x64xf32>
    %get3A_275 = arith.constant 0 : index
    %get3A_276 = arith.constant 0 : index
    %get3A_277 = vector.load %arg15[%get3A_275, %get3A_276] : memref<64x128xf32, #tpu.memory_space<vmem>>, vector<64x128xf32>
    %dot_general3A_278 = arith.constant dense<0.000000e+00> : vector<64x128xf32>
    %dot_general3A_279 = tpu.matmul %convert_element_type3A_274, %add3A_265, %dot_general3A_278 {dimension_numbers = #tpu.dot_dimension_numbers<[0], [0], [1], [1], [0, 1, 1, 1], [], []>, transpose_lhs_hint = false} : vector<2000x64xf32>, vector<2000x128xf32>, vector<64x128xf32> -> vector<64x128xf32>
    %add3A_280 = arith.addf %get3A_277, %dot_general3A_279 : vector<64x128xf32>
    %swap3A = arith.constant 0 : index
    %swap3A_281 = arith.constant 0 : index
    %swap3A_282 = vector.load %arg15[%swap3A, %swap3A_281] : memref<64x128xf32, #tpu.memory_space<vmem>>, vector<64x128xf32>
    tpu.vector_store %arg15[%swap3A, %swap3A_281], %add3A_280 {strides = array<i32>} : memref<64x128xf32, #tpu.memory_space<vmem>>, vector<64x128xf32>,
    %get3A_283 = arith.constant 0 : index
    %get3A_284 = arith.constant 0 : index
    %get3A_285 = vector.load %arg16[%get3A_283, %get3A_284] : memref<64x128xf32, #tpu.memory_space<vmem>>, vector<64x128xf32>
    %broadcast_in_dim3A_286 = arith.constant 1.000000e+00 : f32
    %broadcast_in_dim3A_287 = vector.broadcast %broadcast_in_dim3A_286 : f32 to vector<2000x128xf32>
    %dot_general3A_288 = arith.constant dense<0.000000e+00> : vector<64x128xf32>
    %dot_general3A_289 = tpu.matmul %convert_element_type3A_274, %broadcast_in_dim3A_287, %dot_general3A_288 {dimension_numbers = #tpu.dot_dimension_numbers<[0], [0], [1], [1], [0, 1, 1, 1], [], []>, transpose_lhs_hint = false} : vector<2000x64xf32>, vector<2000x128xf32>, vector<64x128xf32> -> vector<64x128xf32>
    %add3A_290 = arith.addf %get3A_285, %dot_general3A_289 : vector<64x128xf32>
    %swap3A_291 = arith.constant 0 : index
    %swap3A_292 = arith.constant 0 : index
    %swap3A_293 = vector.load %arg16[%swap3A_291, %swap3A_292] : memref<64x128xf32, #tpu.memory_space<vmem>>, vector<64x128xf32>
    tpu.vector_store %arg16[%swap3A_291, %swap3A_292], %add3A_290 {strides = array<i32>} : memref<64x128xf32, #tpu.memory_space<vmem>>, vector<64x128xf32>,
    %eq3A_294 = arith.constant 4 : i32
    %eq3A_295 = arith.cmpi eq, %arg0, %eq3A_294 : i32
    %convert_element_type3A_296 = arith.extui %eq3A_295 : i1 to i32
    %cond3A_297 = arith.constant 0 : i32
    %cond3A_298 = arith.cmpi ne, %convert_element_type3A_296, %cond3A_297 : i32
    scf.if %cond3A_298 {
      %get3A_299 = arith.constant 0 : index
      %get3A_300 = arith.constant 0 : index
      %get3A_301 = vector.load %arg15[%get3A_299, %get3A_300] : memref<64x128xf32, #tpu.memory_space<vmem>>, vector<64x128xf32>
      %get3A_302 = arith.constant 0 : index
      %get3A_303 = arith.constant 0 : index
      %get3A_304 = vector.load %arg16[%get3A_302, %get3A_303] : memref<64x128xf32, #tpu.memory_space<vmem>>, vector<64x128xf32>
      %max3A = arith.constant 1.000000e+00 : f32
      %max3A_305 = vector.broadcast %max3A : f32 to vector<64x128xf32>
      %max3A_306 = arith.maximumf %get3A_304, %max3A_305 : vector<64x128xf32>
      %div3A = arith.divf %get3A_301, %max3A_306 : vector<64x128xf32>
      %get3A_307 = arith.constant 0 : index
      %get3A_308 = arith.constant 0 : index
      %get3A_309 = vector.load %arg10[%get3A_307, %get3A_308] : memref<128x128xf32, #tpu.memory_space<vmem>>, vector<128x128xf32>
      %dot_general3A_310 = arith.constant dense<0.000000e+00> : vector<64x128xf32>
      %dot_general3A_311 = tpu.matmul %div3A, %get3A_309, %dot_general3A_310 {dimension_numbers = #tpu.dot_dimension_numbers<[1], [0], [0], [1], [0, 0, 1, 1], [], []>, transpose_lhs_hint = false} : vector<64x128xf32>, vector<128x128xf32>, vector<64x128xf32> -> vector<64x128xf32>
      %get3A_312 = arith.constant 0 : index
      %get3A_313 = arith.constant 0 : index
      %get3A_314 = vector.load %arg11[%get3A_312, %get3A_313] : memref<1x128xf32, #tpu.memory_space<vmem>>, vector<1x128xf32>
      %add3A_315 = vector.broadcast %get3A_314 : vector<1x128xf32> to vector<64x128xf32>
      %add3A_316 = arith.addf %dot_general3A_311, %add3A_315 : vector<64x128xf32>
      %max3A_317 = arith.constant 0.000000e+00 : f32
      %max3A_318 = vector.broadcast %max3A_317 : f32 to vector<64x128xf32>
      %max3A_319 = arith.maximumf %add3A_316, %max3A_318 : vector<64x128xf32>
      %get3A_320 = arith.constant 0 : index
      %get3A_321 = arith.constant 0 : index
      %get3A_322 = vector.load %arg12[%get3A_320, %get3A_321] : memref<128x128xf32, #tpu.memory_space<vmem>>, vector<128x128xf32>
      %dot_general3A_323 = arith.constant dense<0.000000e+00> : vector<64x128xf32>
      %dot_general3A_324 = tpu.matmul %max3A_319, %get3A_322, %dot_general3A_323 {dimension_numbers = #tpu.dot_dimension_numbers<[1], [0], [0], [1], [0, 0, 1, 1], [], []>, transpose_lhs_hint = false} : vector<64x128xf32>, vector<128x128xf32>, vector<64x128xf32> -> vector<64x128xf32>
      %get3A_325 = arith.constant 0 : index
      %get3A_326 = arith.constant 0 : index
      %get3A_327 = vector.load %arg13[%get3A_325, %get3A_326] : memref<1x128xf32, #tpu.memory_space<vmem>>, vector<1x128xf32>
      %add3A_328 = vector.broadcast %get3A_327 : vector<1x128xf32> to vector<64x128xf32>
      %add3A_329 = arith.addf %dot_general3A_324, %add3A_328 : vector<64x128xf32>
      %swap3A_330 = arith.constant 0 : index
      %swap3A_331 = arith.constant 0 : index
      %swap3A_332 = vector.load %arg14[%swap3A_330, %swap3A_331] : memref<64x128xf32, #tpu.memory_space<vmem>>, vector<64x128xf32>
      tpu.vector_store %arg14[%swap3A_330, %swap3A_331], %add3A_329 {strides = array<i32>} : memref<64x128xf32, #tpu.memory_space<vmem>>, vector<64x128xf32>,
    } else {
    }
    return
  }
  func.func @transform_0(%arg0: i32) -> (i32, i32) {
    %c0_i32 = arith.constant 0 : i32
    %c0_i32_0 = arith.constant 0 : i32
    return %arg0, %c0_i32 : i32, i32
  }
  func.func @transform_1(%arg0: i32) -> (i32, i32) {
    %c0_i32 = arith.constant 0 : i32
    %c0_i32_0 = arith.constant 0 : i32
    return %arg0, %c0_i32 : i32, i32
  }
  func.func @transform_2(%arg0: i32) -> (i32, i32) {
    %c0_i32 = arith.constant 0 : i32
    %c0_i32_0 = arith.constant 0 : i32
    return %arg0, %c0_i32 : i32, i32
  }
  func.func @transform_3(%arg0: i32) -> (i32, i32) {
    %c0_i32 = arith.constant 0 : i32
    %c0_i32_0 = arith.constant 0 : i32
    return %arg0, %c0_i32 : i32, i32
  }
  func.func @transform_4(%arg0: i32) -> (i32, i32) {
    %c0_i32 = arith.constant 0 : i32
    %c0_i32_0 = arith.constant 0 : i32
    return %arg0, %c0_i32 : i32, i32
  }
  func.func @transform_5(%arg0: i32) -> (i32, i32, i32) {
    %c0_i32 = arith.constant 0 : i32
    %c0_i32_0 = arith.constant 0 : i32
    %c0_i32_1 = arith.constant 0 : i32
    %c0_i32_2 = arith.constant 0 : i32
    return %c0_i32, %c0_i32_0, %c0_i32_1 : i32, i32, i32
  }
  func.func @transform_6(%arg0: i32) -> (i32, i32, i32) {
    %c0_i32 = arith.constant 0 : i32
    %c0_i32_0 = arith.constant 0 : i32
    %c0_i32_1 = arith.constant 0 : i32
    %c0_i32_2 = arith.constant 0 : i32
    return %c0_i32, %c0_i32_0, %c0_i32_1 : i32, i32, i32
  }
  func.func @transform_7(%arg0: i32) -> (i32, i32) {
    %c0_i32 = arith.constant 0 : i32
    %c0_i32_0 = arith.constant 0 : i32
    %c0_i32_1 = arith.constant 0 : i32
    return %c0_i32, %c0_i32_0 : i32, i32
  }
  func.func @transform_8(%arg0: i32) -> (i32, i32) {
    %c0_i32 = arith.constant 0 : i32
    %c0_i32_0 = arith.constant 0 : i32
    return %arg0, %c0_i32 : i32, i32
  }
  func.func @transform_9(%arg0: i32) -> (i32, i32) {
    %c0_i32 = arith.constant 0 : i32
    %c0_i32_0 = arith.constant 0 : i32
    %c0_i32_1 = arith.constant 0 : i32
    return %c0_i32, %c0_i32_0 : i32, i32
  }
  func.func @transform_10(%arg0: i32) -> (i32, i32) {
    %c0_i32 = arith.constant 0 : i32
    %c0_i32_0 = arith.constant 0 : i32
    %c0_i32_1 = arith.constant 0 : i32
    return %c0_i32, %c0_i32_0 : i32, i32
  }
  func.func @transform_11(%arg0: i32) -> (i32, i32) {
    %c0_i32 = arith.constant 0 : i32
    %c0_i32_0 = arith.constant 0 : i32
    %c0_i32_1 = arith.constant 0 : i32
    return %c0_i32, %c0_i32_0 : i32, i32
  }
  func.func @transform_12(%arg0: i32) -> (i32, i32) {
    %c0_i32 = arith.constant 0 : i32
    %c0_i32_0 = arith.constant 0 : i32
    %c0_i32_1 = arith.constant 0 : i32
    return %c0_i32, %c0_i32_0 : i32, i32
  }
  func.func @transform_13(%arg0: i32) -> (i32, i32) {
    %c0_i32 = arith.constant 0 : i32
    %c0_i32_0 = arith.constant 0 : i32
    %c0_i32_1 = arith.constant 0 : i32
    return %c0_i32, %c0_i32_0 : i32, i32
  }
}

</mosaic_0001>

<sc_bundles>
// kernel: kernel.11.cloned.1.call-start
scs
__scs_entry_jumppad:
0x0: {  	(pc) =	sbr.rel $0x88, $3  }
0x1: {  	(tag) =	ssettag $0x0;
	lr =	simm.s32 $0x1  }
0x2: {  	[smem:$0x3F90] =	sst lr;
	_ =	strace $0xD0000000  }
0x3: {  	_ = 	snop  }
0x4: {  	_ = 	snop  }
0x5: {  	_ = 	snop  }
0x6: {  	_ = 	snop  }
0x7: {  	_ = 	snop  }
__scs_overlays_trampoline_lowered:
0x8: {  	[smem:$0x3F9F] =	sst s0  }
0x9: {  	[smem:$0x3FA0] =	sst s1  }
0xa: {  	[smem:$0x3FA1] =	sst s2  }
0xb: {  	[smem:$0x3FA2] =	sst s3  }
0xc: {  	[smem:$0x3FA3] =	sst s4  }
0xd: {  	[smem:$0x3FA4] =	sst s5  }
0xe: {  	[smem:$0x3FA5] =	sst s6  }
0xf: {  	[smem:$0x3FA6] =	sst s7  }
0x10: {  	[smem:$0x3FA7] =	sst s8  }
0x11: {  	[smem:$0x3FA8] =	sst s9;
	s0 =	simm.s32 @!p0 $0x0  }
0x12: {  	s1 =	sld [smem:$0x3F8E];
	s0 =	simm.s32 @p0 $0x1  }
0x13: {  	[smem:$0x3FA9] =	sst s0;
	s0 =	simm.s32 @!p1 $0x0  }
0x14: {  	s2 =	sld [smem:$0x3F8D];
	s0 =	simm.s32 @p1 $0x1  }
0x15: {  	[smem:$0x3FAA] =	sst s0;
	s0 =	simm.s32 @!p2 $0x0  }
0x16: {  	s3 =	sld [smem:$0x3FDB];
	s0 =	simm.s32 @p2 $0x1  }
0x17: {  	s4 =	simm.s32 $0x1BF5;
	[smem:$0x3FAC] =	sst s0  }
0x18: {  	s0 =	sld [smem:$0x3F8F];
	_ =	swait.ge [sflag:s4], $0x0  }
0x19: {  	s7 =	sld [smem:$0x3F90]  }
0x1a: {  	s8 =	sadd.s32 $0xFFFFE003, lr  }
0x1b: {  	s9 =	sadd.s32 $0xFFFFFEF7, lr;
	s5 =	simm.s32 $0xFFFFFFFF;
	p2 =	slt.u32 s8, $0xFFFFF086  }
0x1c: {  	p1 =	slt.u32 s9, $0xF7A;
	s5 =	simm.s32 @!p2 $0x0  }
0x1d: {  	s5 =	simm.s32 @p1 $0x1;
	p0 =	seq.s32 s7, s2  }
0x1e: {  	s7 =	smul.u32 @!p0 $0xF7A, s2;
	p2 =	seq.s32 @!p0 s5, $0x0  }
0x1f: {  	s9 =	smul.u32 $0xF7A, s1;
	s8 =	simm.s32 @!p0 $0x1BF5;
	p2 =	por !p2, p0  }
0x20: {  	[sflag:s8] =	ssyncset.s32 @!p0 $0xFFFFF086;
	s6 =	sadd.s32 @!p0 s3, s7;
	s7 =	simm.s32 @!p0 $0x108  }
0x21: {  	s3 =	sadd.s32 s3, s9;
	s6 =	sadd.s32 @!p0 $0x88, s6;
	s7 =	simm.s32 @p2 $0x1082  }
0x22: {  	[simem:s7], [sflag:s8] =	dma.local @!p0 [hbm:s6], $0xF7A  }
0x23: {  	s9 =	sor.u32 $0xD0000000, s2;
	s6 =	simm.s32 $0x108;
	_ =	swait.ge @!p0 [sflag:s8], $0x0  }
0x24: {  	s3 =	sadd.s32 $0x88, s3;
	s6 =	simm.s32 @!p1 $0x1082;
	[sflag:s4] =	ssyncset.s32 $0xFFFFF086  }
0x25: {  	[simem:s6], [sflag:s4] =	dma.local [hbm:s3], $0xF7A  }
0x26: {  	[smem:$0x3F90] =	sst s1;
	(tag) =	ssettag s2;
	_ =	strace s9  }
0x27: {  	s1 =	sld [smem:$0x3FA0]  }
0x28: {  	s2 =	sld [smem:$0x3FA1]  }
0x29: {  	s4 =	sld [smem:$0x3FA3]  }
0x2a: {  	p0 =	seq.s32 s5, $0x0;
	s5 =	sld [smem:$0x3FA4]  }
0x2b: {  	s6 =	sld [smem:$0x3FA5]  }
0x2c: {  	s7 =	sld [smem:$0x3FA6]  }
0x2d: {  	s3 =	simm.s32 $0x108;
	s8 =	sld [smem:$0x3FA7]  }
0x2e: {  	s3 =	simm.s32 @!p0 $0x1082;
	s9 =	sld [smem:$0x3FA8]  }
0x2f: {  	lr =	sadd.s32 s0, s3;
	s0 =	sld [smem:$0x3F9F]  }
0x30: {  	s3 =	sld [smem:$0x3FA2]  }
0x31: {  	[smem:$0x3FAB] =	sst s10  }
0x32: {  	s10 =	sld [smem:$0x3FA9];
	_ =	sdelay $0x3  }
0x33: {  	p0 =	seq.s32 s10, $0x1;
	s10 =	sld [smem:$0x3FAB];
	_ =	sdelay $0x3  }
0x34: {  	[smem:$0x3FAB] =	sst s10  }
0x35: {  	s10 =	sld [smem:$0x3FAA];
	_ =	sdelay $0x3  }
0x36: {  	p1 =	seq.s32 s10, $0x1;
	s10 =	sld [smem:$0x3FAB];
	_ =	sdelay $0x3  }
0x37: {  	[smem:$0x3FAB] =	sst s10  }
0x38: {  	s10 =	sld [smem:$0x3FAC]  }
0x39: {  	_ = 	snop;
	(pc) =	sbr.ind lr, $3  }
0x3a: {  	_ = 	snop  }
0x3b: {  	_ = 	snop  }
0x3c: {  	p2 =	seq.s32 s10, $0x1;
	s10 =	sld [smem:$0x3FAB]  }
0x3d: {  	_ =	shalt  }
0x3e: {  	_ =	shalt  }
0x3f: {  	_ =	shalt  }
0x40: {  	_ =	shalt  }
0x41: {  	_ =	shalt  }
0x42: {  	_ =	shalt  }
0x43: {  	_ =	shalt  }
0x44: {  	_ =	shalt  }
0x45: {  	_ =	shalt  }
0x46: {  	_ =	shalt  }
0x47: {  	_ =	shalt  }
0x48: {  	_ =	shalt  }
0x49: {  	_ =	shalt  }
0x4a: {  	_ =	shalt  }
0x4b: {  	_ =	shalt  }
0x4c: {  	_ =	shalt  }
0x4d: {  	_ =	shalt  }
0x4e: {  	_ =	shalt  }
0x4f: {  	_ =	shalt  }
0x50: {  	_ =	shalt  }
0x51: {  	_ =	shalt  }
0x52: {  	_ =	shalt  }
0x53: {  	_ =	shalt  }
0x54: {  	_ =	shalt  }
0x55: {  	_ =	shalt  }
0x56: {  	_ =	shalt  }
0x57: {  	_ =	shalt  }
0x58: {  	_ =	shalt  }
0x59: {  	_ =	shalt  }
0x5a: {  	_ =	shalt  }
0x5b: {  	_ =	shalt  }
0x5c: {  	_ =	shalt  }
0x5d: {  	_ =	shalt  }
0x5e: {  	_ =	shalt  }
0x5f: {  	_ =	shalt  }
0x60: {  	_ =	shalt  }
0x61: {  	_ =	shalt  }
0x62: {  	_ =	shalt  }
0x63: {  	_ =	shalt  }
0x64: {  	_ =	shalt  }
0x65: {  	_ =	shalt  }
0x66: {  	_ =	shalt  }
0x67: {  	_ =	shalt  }
0x68: {  	_ =	shalt  }
0x69: {  	_ =	shalt  }
0x6a: {  	_ =	shalt  }
0x6b: {  	_ =	shalt  }
0x6c: {  	_ =	shalt  }
0x6d: {  	_ =	shalt  }
0x6e: {  	_ =	shalt  }
0x6f: {  	_ =	shalt  }
0x70: {  	_ =	shalt  }
0x71: {  	_ =	shalt  }
0x72: {  	_ =	shalt  }
0x73: {  	_ =	shalt  }
0x74: {  	_ =	shalt  }
0x75: {  	_ =	shalt  }
0x76: {  	_ =	shalt  }
0x77: {  	_ =	shalt  }
0x78: {  	_ =	shalt  }
0x79: {  	_ =	shalt  }
0x7a: {  	_ =	shalt  }
0x7b: {  	_ =	shalt  }
0x7c: {  	_ =	shalt  }
0x7d: {  	_ =	shalt  }
0x7e: {  	_ =	shalt  }
0x7f: {  	_ =	shalt  }
0x80: {  	_ =	shalt  }
0x81: {  	_ =	shalt  }
0x82: {  	_ =	shalt  }
0x83: {  	_ =	shalt  }
0x84: {  	_ =	shalt  }
0x85: {  	_ =	shalt  }
0x86: {  	_ =	shalt  }
0x87: {  	_ =	shalt  }
.Lfunc_end0:
.L_simem_size_0:
called_computation.1_lowered:
.L_overlay_start_0:
0x88: {  	s2 =	sld [smem:$0x3FD9]  }
0x89: {  	s3 =	sld [smem:$0x3FFE];
	_ =	sdelay $0x1  }
0x8a: {  	s1 =	srdreg.scid  }
0x8b: {  	s0 =	sand.u32 $0x1, s1  }
0x8c: {  	s16 =	sshll.u32 s0, $0xA;
	s2 =	sadd.s32 s3, s2  }
0x8d: {  	s2 =	sadd.s32 s2, s16  }
0x8e: {  	[smem:$0x3FB7] =	sst s2  }
0x8f: {  	_ = 	snop  }
0x90: {  	(tm) =	ssettm $0x1  }
0x91: {  	s17 =	sld [smem:$0x3FFB];
	_ =	sdelay $0x3  }
0x92: {  	_ =	strace s17  }
0x93: {  	s2 =	sld [smem:$0x3FFC];
	_ =	sdelay $0x3  }
0x94: {  	_ =	strace s2  }
0x95: {  	s2 =	sld [smem:$0x3FFD];
	_ =	sdelay $0x3  }
0x96: {  	_ =	strace s2  }
0x97: {  	_ =	strace $0x8FFFFFFF  }
0x98: {  	s18 =	sld [smem:$0x3FDB];
	_ =	sdelay $0x1  }
0x99: {  	s19 =	simm.s32 $_scs_section_size  }
0x9a: {  	s4 =	simm.s32 $_size__tile_overlayer_lowered;
	s5 =	simm.s32 $_tile_overlayer_lowered  }
0x9b: {  	s22 =	simm.s32 $0x1BFF;
	s21 =	sshll.u32 s5, $0x1;
	s2 =	sadd.s32 s19, s18  }
0x9c: {  	s6 =	simm.s32 $0x0;
	s20 =	sshll.u32 s4, $0x1;
	s4 =	sadd.s32 s21, s2  }
0x9d: {  	[timem:s6], [sflag:s22] =	dma.local [hbm:s4], s20  }
0x9e: {  	_ =	swait.ge [sflag:s22], s20  }
0x9f: {  	s3 =	ssub.s32 $0x0, s20;
	[sflag:s22] =	ssyncset.done $0x0  }
0xa0: {  	[sflag:s22] =	ssyncadd.s32 s3;
	_ =	sdelay $0x1  }
0xa1: {  	s23 =	simm.s32 $0x1B8B  }
0xa2: {  	_ =	swait.ge [sflag:s23], $0x1  }
0xa3: {  	[sflag:s23] =	ssyncset.done $0x0  }
0xa4: {  	s25 =	simm.s32 $0x1B8E;
	s24 =	sld [smem:$0x3FFE];
	[sflag:s23] =	ssyncadd.s32 $0xFFFFFFFF  }
0xa5: {  	s26 =	simm.s32 $execute0_lowered;
	[smem:$0x3FD2] =	sst s25  }
0xa6: {  	s4 =	sshll.u32 s26, $0x1;
	_ =	strace $0x80000046;
	[dreg:$0x1] =	wrdreg $0xFFFFFFFF  }
0xa7: {  	s28 =	simm.s32 $_size_execute0_lowered;
	s2 =	sadd.s32 s2, s4;
	[dreg:$0x0] =	wrdreg $0x0  }
0xa8: {  	s4 =	sshll.u32 s28, $0x1;
	[dreg:$0x2] =	wrdreg s2  }
0xa9: {  	[dreg:$0x3] =	wrdreg s4  }
0xaa: {  	[dreg:$0x4] =	wrdreg $0xC0  }
0xab: {  	_ =	task [dreg:s6], $0x5FFFF  }
0xac: {  	[dreg:$0x1] =	wrdreg $0xFFFFFFFF  }
0xad: {  	[dreg:$0x0] =	wrdreg $0x60  }
0xae: {  	[dreg:$0x2] =	wrdreg s24  }
0xaf: {  	[dreg:$0x3] =	wrdreg $0x140000  }
0xb0: {  	[dreg:$0x4] =	wrdreg $0xA  }
0xb1: {  	_ =	task.clear_ibuf [dreg:s6], $0x5FFFF;
	_ =	strace $0x90000046  }
0xb2: {  	s29 =	simm.s32 $0xA;
	_ =	strace $0x80000048  }
0xb3: {  	_ =	swait.ge [sflag:s29], $0x1  }
0xb4: {  	[sflag:s29] =	ssyncadd.s32 $0xFFFFFFFF  }
0xb5: {  	_ =	strace $0x90000048  }
0xb6: {  	_ =	sfence  }
0xb7: {  	s30 =	sld [smem:$0x0];
	_ =	sdelay $0x2  }
0xb8: {  	s31 =	sshll.u32 s1, $0xD;
	s1 =	sshrl.u32 s1, $0x2  }
0xb9: {  	s3 =	sand.u32 $0x4000, s31;
	s1 =	sadd.s32 s1, s30  }
0xba: {  	s0 =	sor.u32 s3, s0;
	s1 =	sshll.u32 s1, $0x11  }
0xbb: {  	s0 =	sor.u32 s1, s0  }
0xbc: {  	s0 =	sadd.s32 $0x8F2B, s0  }
0xbd: {  	[sflag:s0] =	ssyncadd.remote.s32 $0x1  }
0xbe: {  	_ =	sfence.sel $0xFFFF  }
0xbf: {  	[dreg:$0x0] =	wrdreg $0xFFFFFFFF;
	(pc) =	sbr.abs _section_cstart, $3  }
0xc0: {  	[dreg:$0x1] =	wrdreg $0xFFFFFFFF  }
0xc1: {  	_ =	task.clear_ibuf [dreg:s6], $0x2FFFF;
	_ =	strace $0x9FFFFFFF  }
0xc2: {  	(tm) =	ssettm $0x7FFFFFFF  }
0xc3: {  	_ =	shalt  }
tec
execute0_lowered:
.L_overlay_start_1:
0x0: {  	(tag) =	ssettag $0x1  }
0x1: {  	s0 =	srdreg.scid;
	s1 =	rddreg [dreg:$0x0]  }
0x2: {  	s8 =	stileid.u32;
	s2 =	rddreg [dreg:$0x1];
	s6 =	simm.s32 $0x0  }
0x3: {  	s14 =	simm.s32 $0xB;
	s15 =	simm.s32 $0x5000;
	s16 =	simm.s32 $0xA000  }
0x4: {  	s17 =	simm.s32 $0x80;
	s18 =	simm.s32 $0xC000;
	s19 =	simm.s32 $0x1  }
0x5: {  	s21 =	simm.s32 $0xE000;
	s22 =	simm.s32 $0x2;
	s3 =	smul.u32 $0x5000, s8  }
0x6: {  	s30 =	simm.s32 $0x12000;
	s31 =	simm.s32 $0x4;
	s5 =	smul.u32 $0x9C80, s8  }
0x7: {  	s28 =	simm.s32 $0x7;
	s0 =	sand.u32 $0x1, s0;
	s8 =	smul.u32 $0x27200, s8  }
0x8: {  	s20 =	simm.s32 $0x9;
	s29 =	simm.s32 $0x0;
	s4 =	smul.u32 $0x50000, s0  }
0x9: {  	[smem:$0x7FF] =	sst s6;
	s7 =	smul.u32 $0x9C800, s0;
	s0 =	ssub.s32 $0x2, s0  }
0xa: {  	_ =	strace $0x80000047;
	s24 =	sshrl.u32 s0, $0x1;
	s8 =	sshrl.u32 s8, $0x2  }
0xb: {  	s4 =	sadd.s32 s3, s4;
	s3 =	sshrl.u32 s3, $0x3;
	s7 =	sadd.s32 s5, s7  }
0xc: {  	s0 =	ssub.s32 s0, s24;
	s25 =	sadd.s32 s8, s2;
	s24 =	simm.s32 $0xA  }
0xd: {  	s23 =	sshrl.u32 s4, $0x3;
	s4 =	sadd.s32 $0x22A00, s1;
	s3 =	sadd.s32 s3, s1  }
0xe: {  	s7 =	sshrl.u32 s7, $0x3;
	s26 =	sadd.s32 $0x2000, s25;
	s9 =	sadd.s32 $0x4000, s25  }
0xf: {  	s10 =	sadd.s32 $0x6000, s25;
	s11 =	sadd.s32 $0x8000, s25;
	s13 =	smax.u32 s0, $0x1  }
.Ltmp0:
0x10: {  	s25 =	simm.s32 $0x10000;
	s0 =	simm.s32 $0x6;
	(pc) =	sbr.rel .LBB2_1-.Ltmp0, $4  }
0x11: {  	s6 =	sadd.s32 s23, s1;
	s1 =	sadd.s32 s7, s1;
	s3 =	sadd.s32 $0x18A00, s3  }
0x12: {  	s7 =	sadd.s32 s5, s2;
	[dreg:$0x5] =	wrdreg s26;
	s26 =	simm.s32 $0x3  }
0x13: {  	s23 =	simm.s32 $0x5;
	s6 =	sadd.s32 $0x4A00, s6;
	[dreg:$0x4] =	wrdreg s3  }
0x14: {  	v0 =	vimm.f32 $0.0e+00;
	s12 =	sadd.s32 $0x49C00, s1;
	s1 =	simm.s32 $0x8;
	[dreg:$0x3] =	wrdreg s6  }
.LBB2_6:
0x15: {  	_ =	swait.ge [sflag:s23], $0x2000  }
0x16: {  	[sflag:s23] =	ssyncset.done $0x0  }
0x17: {  	[sflag:s23] =	ssyncadd.s32 $0xFFFFE000  }
0x18: {  	[spmem:s2] =	stream.indirect.scatter.add.f32 [tilespmem:s30], [sflag:$0xA], $0x40, s6, s17, $0xb8;
	[tilespmem:$0x1DC80] =	vst v63  }
0x19: {  	_ =	swait.ge [sflag:s28], $0x2000  }
0x1a: {  	[sflag:s28] =	ssyncset.done $0x0  }
0x1b: {  	[sflag:s28] =	ssyncadd.s32 $0xFFFFE000  }
0x1c: {  	_ =	swait.ge [sflag:s1], $0x2000  }
0x1d: {  	[sflag:s1] =	ssyncset.done $0x0  }
0x1e: {  	[sflag:s1] =	ssyncadd.s32 $0xFFFFE000  }
0x1f: {  	_ =	swait.ge [sflag:s20], $0x2000  }
0x20: {  	[sflag:s20] =	ssyncset.done $0x0  }
0x21: {  	[sflag:s20] =	ssyncadd.s32 $0xFFFFE000  }
0x22: {  	s3 =	stileid.u32;
	_ =	swait.ge [sflag:s24], $0x2000  }
0x23: {  	s5 =	sshrl.u32 s7, $0x3;
	s29 =	sadd.s32 $0x1, s29;
	[sflag:s24] =	ssyncset.done $0x0  }
0x24: {  	s3 =	sshll.u32 s3, $0x6;
	p0 =	sne.s32 s29, s13;
	[sflag:s24] =	ssyncadd.s32 $0xFFFFE000  }
.Ltmp1:
0x25: {  	s3 =	sor.u32 $0x1C0B, s3;
	[bflag:$0x0] =	sbarrier.arrive $0xFFFF;
	(pc) =	sbr.rel @!p0 .LBB2_7-.Ltmp1, $4  }
0x26: {  	[hbm:s12], [sflag:s3] =	dma.local [spmem:s5], $0x1390  }
0x27: {  	_ =	swait.ge [sflag:s14], $0x1390  }
0x28: {  	[sflag:s14] =	ssyncset.done $0x0  }
0x29: {  	[sflag:s14] =	ssyncadd.s32 $0xFFFFEC70  }
.LBB2_1:
0x2a: {  	s3 =	simm.s32 $0x0;
	s5 =	rddreg [dreg:$0x3]  }
0x2b: {  	[tilespmem:s3], [sflag:$0xB] =	stream.linear.gather [hbm4b:s5+s3], $0x5000, $0x38;
	[tilespmem:$0x1DC80] =	vst v63  }
0x2c: {  	_ =	swait.ge [sflag:s14], $0x5000  }
0x2d: {  	[sflag:s14] =	ssyncset.done $0x0  }
0x2e: {  	s8 =	rddreg [dreg:$0x4];
	[sflag:s14] =	ssyncadd.s32 $0xFFFFB000  }
0x2f: {  	[tilespmem:s15], [sflag:$0xB] =	stream.linear.gather [hbm4b:s8+s3], $0x5000, $0x38;
	[tilespmem:$0x1DC80] =	vst v63  }
0x30: {  	_ =	swait.ge [sflag:s14], $0x5000  }
0x31: {  	[sflag:s14] =	ssyncset.done $0x0  }
0x32: {  	s5 =	simm.s32 $0x100;
	s3 =	simm.s32 $0x0;
	[sflag:s14] =	ssyncadd.s32 $0xFFFFB000  }
.LBB2_2:
0x33: {  	p0 =	sne.s32 s5, $0x7F00;
	[tilespmem:s3+$0xA030] =	vst v0;
	s6 =	smov.u32 s5;
	s5 =	sadd.s32 $0x100, s5  }
.Ltmp2:
0x34: {  	[tilespmem:s3+$0xA020] =	vst v0;
	(pc) =	sbr.rel @p0 .LBB2_2-.Ltmp2, $3  }
0x35: {  	[tilespmem:s3+$0xA000] =	vst v0  }
0x36: {  	[tilespmem:s3+$0xA010] =	vst v0;
	_ =	sdelay $0x1  }
0x37: {  	s3 =	sshra.s32 s6, $0x2  }
0x38: {  	[tilespmem:s3+$0xA030] =	vst v0  }
0x39: {  	[tilespmem:s3+$0xA020] =	vst v0  }
0x3a: {  	[tilespmem:s3+$0xA000] =	vst v0  }
0x3b: {  	[tilespmem:s3+$0xA010] =	vst v0  }
0x3c: {  	[spmem:s7] =	stream.linear.scatter [tilespmem:s16], [sflag:$0xB], $0x2000, $0x38;
	[tilespmem:$0x1DC80] =	vst v63  }
0x3d: {  	_ =	swait.ge [sflag:s14], $0x2000  }
0x3e: {  	[sflag:s14] =	ssyncset.done $0x0  }
0x3f: {  	s5 =	rddreg [dreg:$0x5];
	[sflag:s14] =	ssyncadd.s32 $0xFFFFE000  }
0x40: {  	[spmem:s5] =	stream.linear.scatter [tilespmem:s16], [sflag:$0xB], $0x2000, $0x38;
	[tilespmem:$0x1DC80] =	vst v63  }
0x41: {  	_ =	swait.ge [sflag:s14], $0x2000  }
0x42: {  	[sflag:s14] =	ssyncset.done $0x0  }
0x43: {  	[sflag:s14] =	ssyncadd.s32 $0xFFFFE000  }
0x44: {  	[spmem:s9] =	stream.linear.scatter [tilespmem:s16], [sflag:$0xB], $0x2000, $0x38;
	[tilespmem:$0x1DC80] =	vst v63  }
0x45: {  	_ =	swait.ge [sflag:s14], $0x2000  }
0x46: {  	[sflag:s14] =	ssyncset.done $0x0  }
0x47: {  	[sflag:s14] =	ssyncadd.s32 $0xFFFFE000  }
0x48: {  	[spmem:s10] =	stream.linear.scatter [tilespmem:s16], [sflag:$0xB], $0x2000, $0x38;
	[tilespmem:$0x1DC80] =	vst v63  }
0x49: {  	_ =	swait.ge [sflag:s14], $0x2000  }
0x4a: {  	[sflag:s14] =	ssyncset.done $0x0  }
0x4b: {  	[sflag:s14] =	ssyncadd.s32 $0xFFFFE000  }
0x4c: {  	[spmem:s11] =	stream.linear.scatter [tilespmem:s16], [sflag:$0xB], $0x1C80, $0x38;
	[tilespmem:$0x1DC80] =	vst v63  }
0x4d: {  	_ =	swait.ge [sflag:s14], $0x1C80  }
0x4e: {  	[sflag:s14] =	ssyncset.done $0x0  }
0x4f: {  	[sflag:s14] =	ssyncadd.s32 $0xFFFFE380  }
0x50: {  	s3 =	simm.s32 $0x0;
	[bflag:$0x0] =	sbarrier.arrive $0xFFFF  }
0x51: {  	[tilespmem:s16], [sflag:$0x1] =	stream.indirect.gather [hbm4b:s4+s17], $0x40, s3, s17, $0xb8;
	[tilespmem:$0x1DC80] =	vst v63  }
0x52: {  	_ = 	snop  }
0x53: {  	[tilespmem:s18], [sflag:$0x2] =	stream.indirect.gather [hbm4b:s4+s17], $0x40, s17, s17, $0xb8;
	[tilespmem:$0x1DC80] =	vst v63  }
0x54: {  	_ =	swait.ge [sflag:s19], $0x2000  }
0x55: {  	[sflag:s19] =	ssyncset.done $0x0  }
0x56: {  	[sflag:s19] =	ssyncadd.s32 $0xFFFFE000  }
0x57: {  	[spmem:s2] =	stream.indirect.scatter.add.f32 [tilespmem:s16], [sflag:$0x6], $0x40, s15, s17, $0xb8;
	[tilespmem:$0x1DC80] =	vst v63  }
0x58: {  	s5 =	simm.s32 $0x100  }
0x59: {  	[tilespmem:s21], [sflag:$0x3] =	stream.indirect.gather [hbm4b:s4+s17], $0x40, s5, s17, $0xb8;
	[tilespmem:$0x1DC80] =	vst v63  }
0x5a: {  	_ =	swait.ge [sflag:s22], $0x2000  }
0x5b: {  	[sflag:s22] =	ssyncset.done $0x0  }
0x5c: {  	s6 =	simm.s32 $0x5080;
	[sflag:s22] =	ssyncadd.s32 $0xFFFFE000  }
0x5d: {  	[spmem:s2] =	stream.indirect.scatter.add.f32 [tilespmem:s18], [sflag:$0x7], $0x40, s6, s17, $0xb8;
	[tilespmem:$0x1DC80] =	vst v63  }
0x5e: {  	s8 =	simm.s32 $0x180  }
0x5f: {  	[tilespmem:s25], [sflag:$0x4] =	stream.indirect.gather [hbm4b:s4+s17], $0x40, s8, s17, $0xb8;
	[tilespmem:$0x1DC80] =	vst v63  }
0x60: {  	_ =	swait.ge [sflag:s26], $0x2000  }
0x61: {  	[sflag:s26] =	ssyncset.done $0x0  }
0x62: {  	s6 =	simm.s32 $0x5100;
	[sflag:s26] =	ssyncadd.s32 $0xFFFFE000  }
0x63: {  	[spmem:s2] =	stream.indirect.scatter.add.f32 [tilespmem:s21], [sflag:$0x8], $0x40, s6, s17, $0xb8;
	[tilespmem:$0x1DC80] =	vst v63  }
0x64: {  	s8 =	simm.s32 $0x200  }
0x65: {  	[tilespmem:s30], [sflag:$0x5] =	stream.indirect.gather [hbm4b:s4+s17], $0x40, s8, s17, $0xb8;
	[tilespmem:$0x1DC80] =	vst v63  }
0x66: {  	_ =	swait.ge [sflag:s31], $0x2000  }
0x67: {  	[sflag:s31] =	ssyncset.done $0x0  }
0x68: {  	s6 =	simm.s32 $0x5180;
	[sflag:s31] =	ssyncadd.s32 $0xFFFFE000  }
0x69: {  	[spmem:s2] =	stream.indirect.scatter.add.f32 [tilespmem:s25], [sflag:$0x9], $0x40, s6, s17, $0xb8;
	[tilespmem:$0x1DC80] =	vst v63  }
0x6a: {  	_ =	swait.ge [sflag:s0], $0x2000  }
0x6b: {  	[sflag:s0] =	ssyncset.done $0x0  }
0x6c: {  	s8 =	simm.s32 $0x280;
	[sflag:s0] =	ssyncadd.s32 $0xFFFFE000  }
0x6d: {  	[tilespmem:s16], [sflag:$0x1] =	stream.indirect.gather [hbm4b:s4+s17], $0x40, s8, s17, $0xb8;
	[tilespmem:$0x1DC80] =	vst v63  }
0x6e: {  	_ =	swait.ge [sflag:s23], $0x2000  }
0x6f: {  	[sflag:s23] =	ssyncset.done $0x0  }
0x70: {  	s6 =	simm.s32 $0x5200;
	[sflag:s23] =	ssyncadd.s32 $0xFFFFE000  }
0x71: {  	[spmem:s2] =	stream.indirect.scatter.add.f32 [tilespmem:s30], [sflag:$0xA], $0x40, s6, s17, $0xb8;
	[tilespmem:$0x1DC80] =	vst v63  }
0x72: {  	_ =	swait.ge [sflag:s28], $0x2000  }
0x73: {  	[sflag:s28] =	ssyncset.done $0x0  }
0x74: {  	s8 =	simm.s32 $0x300;
	[sflag:s28] =	ssyncadd.s32 $0xFFFFE000  }
0x75: {  	[tilespmem:s18], [sflag:$0x2] =	stream.indirect.gather [hbm4b:s4+s17], $0x40, s8, s17, $0xb8;
	[tilespmem:$0x1DC80] =	vst v63  }
.LBB2_4:
0x76: {  	_ =	swait.ge [sflag:s19], $0x2000  }
0x77: {  	s5 =	sshra.s32 s3, $0x2;
	[sflag:s19] =	ssyncset.done $0x0  }
0x78: {  	s6 =	sadd.s32 $0x5280, s5;
	[sflag:s19] =	ssyncadd.s32 $0xFFFFE000  }
0x79: {  	[spmem:s2] =	stream.indirect.scatter.add.f32 [tilespmem:s16], [sflag:$0x6], $0x40, s6, s17, $0xb8;
	[tilespmem:$0x1DC80] =	vst v63  }
0x7a: {  	_ =	swait.ge [sflag:s1], $0x2000  }
0x7b: {  	[sflag:s1] =	ssyncset.done $0x0  }
0x7c: {  	s8 =	sadd.s32 $0x380, s5;
	[sflag:s1] =	ssyncadd.s32 $0xFFFFE000  }
0x7d: {  	[tilespmem:s21], [sflag:$0x3] =	stream.indirect.gather [hbm4b:s4+s17], $0x40, s8, s17, $0xb8;
	[tilespmem:$0x1DC80] =	vst v63  }
0x7e: {  	_ =	swait.ge [sflag:s22], $0x2000  }
0x7f: {  	[sflag:s22] =	ssyncset.done $0x0  }
0x80: {  	s8 =	sadd.s32 $0x5300, s5;
	[sflag:s22] =	ssyncadd.s32 $0xFFFFE000  }
0x81: {  	[spmem:s2] =	stream.indirect.scatter.add.f32 [tilespmem:s18], [sflag:$0x7], $0x40, s8, s17, $0xb8;
	[tilespmem:$0x1DC80] =	vst v63  }
0x82: {  	_ =	swait.ge [sflag:s20], $0x2000  }
0x83: {  	[sflag:s20] =	ssyncset.done $0x0  }
0x84: {  	s8 =	sadd.s32 $0x400, s5;
	[sflag:s20] =	ssyncadd.s32 $0xFFFFE000  }
0x85: {  	[tilespmem:s25], [sflag:$0x4] =	stream.indirect.gather [hbm4b:s4+s17], $0x40, s8, s17, $0xb8;
	[tilespmem:$0x1DC80] =	vst v63  }
0x86: {  	_ =	swait.ge [sflag:s26], $0x2000  }
0x87: {  	[sflag:s26] =	ssyncset.done $0x0  }
0x88: {  	s8 =	sadd.s32 $0x5380, s5;
	[sflag:s26] =	ssyncadd.s32 $0xFFFFE000  }
0x89: {  	[spmem:s2] =	stream.indirect.scatter.add.f32 [tilespmem:s21], [sflag:$0x8], $0x40, s8, s17, $0xb8;
	[tilespmem:$0x1DC80] =	vst v63  }
0x8a: {  	_ =	swait.ge [sflag:s24], $0x2000  }
0x8b: {  	[sflag:s24] =	ssyncset.done $0x0  }
0x8c: {  	s8 =	sadd.s32 $0x480, s5;
	[sflag:s24] =	ssyncadd.s32 $0xFFFFE000  }
0x8d: {  	[tilespmem:s30], [sflag:$0x5] =	stream.indirect.gather [hbm4b:s4+s17], $0x40, s8, s17, $0xb8;
	[tilespmem:$0x1DC80] =	vst v63  }
0x8e: {  	_ =	swait.ge [sflag:s31], $0x2000  }
0x8f: {  	p0 =	seq.s32 s3, $0x12C00;
	[sflag:s31] =	ssyncset.done $0x0  }
.Ltmp3:
0x90: {  	s8 =	sadd.s32 $0x5400, s5;
	[sflag:s31] =	ssyncadd.s32 $0xFFFFE000;
	(pc) =	sbr.rel @p0 .LBB2_6-.Ltmp3, $4  }
0x91: {  	[spmem:s2] =	stream.indirect.scatter.add.f32 [tilespmem:s25], [sflag:$0x9], $0x40, s8, s17, $0xb8;
	[tilespmem:$0x1DC80] =	vst v63  }
0x92: {  	_ =	swait.ge [sflag:s0], $0x2000  }
0x93: {  	[sflag:s0] =	ssyncset.done $0x0  }
0x94: {  	s6 =	sadd.s32 $0x5480, s5;
	[sflag:s0] =	ssyncadd.s32 $0xFFFFE000  }
0x95: {  	s8 =	sadd.s32 $0x500, s5  }
0x96: {  	[tilespmem:s16], [sflag:$0x1] =	stream.indirect.gather [hbm4b:s4+s17], $0x40, s8, s17, $0xb8;
	[tilespmem:$0x1DC80] =	vst v63  }
0x97: {  	_ =	swait.ge [sflag:s23], $0x2000  }
0x98: {  	[sflag:s23] =	ssyncset.done $0x0  }
0x99: {  	[sflag:s23] =	ssyncadd.s32 $0xFFFFE000  }
0x9a: {  	[spmem:s2] =	stream.indirect.scatter.add.f32 [tilespmem:s30], [sflag:$0xA], $0x40, s6, s17, $0xb8;
	[tilespmem:$0x1DC80] =	vst v63  }
.Ltmp4:
0x9b: {  	_ = 	snop;
	(pc) =	sbr.rel .LBB2_4-.Ltmp4, $4  }
0x9c: {  	_ =	swait.ge [sflag:s28], $0x2000  }
0x9d: {  	[sflag:s28] =	ssyncset.done $0x0  }
0x9e: {  	s3 =	sadd.s32 $0xA00, s3;
	s8 =	sadd.s32 $0x580, s5;
	[sflag:s28] =	ssyncadd.s32 $0xFFFFE000  }
0x9f: {  	[tilespmem:s18], [sflag:$0x2] =	stream.indirect.gather [hbm4b:s4+s17], $0x40, s8, s17, $0xb8;
	[tilespmem:$0x1DC80] =	vst v63  }
.LBB2_7:
0xa0: {  	_ =	sfence.sel $0x180000  }
0xa1: {  	[bflag:$0x0] =	sbarrier.arrive $0xFFFF  }
0xa2: {  	_ =	strace $0x90000047  }
0xa3: {  	s0 =	stileid.u32;
	[bflag:$0x2] =	sbarrier.arrive $0xFFFF  }
0xa4: {  	p0 =	sne.s32 s0, $0x0;
	s0 =	rddreg [dreg:$0x2]  }
0xa5: {  	s0 =	sadd.s32 @!p0 $0x100000, s0  }
0xa6: {  	[sflag:s0] =	ssyncadd.tile.s32 @!p0 $0x1;
	_ =	shalt  }
.Lfunc_end2:
_tile_overlayer_lowered:
.L_overlay_start_2:
0xa7: {  	(tag) =	ssettag $0x2  }
0xa8: {  	s0 =	rddreg [dreg:$0x0];
	s2 =	stileid.u32  }
0xa9: {  	s1 =	rddreg [dreg:$0x1];
	p0 =	sne.s32 s2, $0x0  }
0xaa: {  	s3 =	rddreg [dreg:$0x2];
	[bflag:$0x3] =	sbarrier.arrive $0xFFFF;
	s2 =	simm.s32 @!p0 $0x1C0B  }
0xab: {  	[timem:s3], [sflag:s2] =	dma.local @!p0 [hbm:s0], s1  }
0xac: {  	s0 =	simm.s32 @!p0 $0xB  }
0xad: {  	_ =	swait.ge @!p0 [sflag:s0], s1  }
0xae: {  	s1 =	ssub.s32 @!p0 $0x0, s1;
	[sflag:s0] =	ssyncset.done @!p0 $0x0  }
0xaf: {  	[sflag:s0] =	ssyncadd.s32 @!p0 s1  }
0xb0: {  	[bflag:$0x3] =	sbarrier.arrive $0xFFFF  }
0xb1: {  	_ =	shalt  }

// kernel: kernel.14.cloned.1.call-start
scs
__scs_entry_jumppad:
0x0: {  	(pc) =	sbr.rel $0x88, $3  }
0x1: {  	(tag) =	ssettag $0x0;
	lr =	simm.s32 $0x1  }
0x2: {  	[smem:$0x3F90] =	sst lr;
	_ =	strace $0xD0000000  }
0x3: {  	_ = 	snop  }
0x4: {  	_ = 	snop  }
0x5: {  	_ = 	snop  }
0x6: {  	_ = 	snop  }
0x7: {  	_ = 	snop  }
__scs_overlays_trampoline_lowered:
0x8: {  	[smem:$0x3F9F] =	sst s0  }
0x9: {  	[smem:$0x3FA0] =	sst s1  }
0xa: {  	[smem:$0x3FA1] =	sst s2  }
0xb: {  	[smem:$0x3FA2] =	sst s3  }
0xc: {  	[smem:$0x3FA3] =	sst s4  }
0xd: {  	[smem:$0x3FA4] =	sst s5  }
0xe: {  	[smem:$0x3FA5] =	sst s6  }
0xf: {  	[smem:$0x3FA6] =	sst s7  }
0x10: {  	[smem:$0x3FA7] =	sst s8  }
0x11: {  	[smem:$0x3FA8] =	sst s9;
	s0 =	simm.s32 @!p0 $0x0  }
0x12: {  	s1 =	sld [smem:$0x3F8E];
	s0 =	simm.s32 @p0 $0x1  }
0x13: {  	[smem:$0x3FA9] =	sst s0;
	s0 =	simm.s32 @!p1 $0x0  }
0x14: {  	s2 =	sld [smem:$0x3F8D];
	s0 =	simm.s32 @p1 $0x1  }
0x15: {  	[smem:$0x3FAA] =	sst s0;
	s0 =	simm.s32 @!p2 $0x0  }
0x16: {  	s3 =	sld [smem:$0x3FDB];
	s0 =	simm.s32 @p2 $0x1  }
0x17: {  	s4 =	simm.s32 $0x1BF5;
	[smem:$0x3FAC] =	sst s0  }
0x18: {  	s0 =	sld [smem:$0x3F8F];
	_ =	swait.ge [sflag:s4], $0x0  }
0x19: {  	s7 =	sld [smem:$0x3F90]  }
0x1a: {  	s8 =	sadd.s32 $0xFFFFE003, lr  }
0x1b: {  	s9 =	sadd.s32 $0xFFFFFEF7, lr;
	s5 =	simm.s32 $0xFFFFFFFF;
	p2 =	slt.u32 s8, $0xFFFFF086  }
0x1c: {  	p1 =	slt.u32 s9, $0xF7A;
	s5 =	simm.s32 @!p2 $0x0  }
0x1d: {  	s5 =	simm.s32 @p1 $0x1;
	p0 =	seq.s32 s7, s2  }
0x1e: {  	s7 =	smul.u32 @!p0 $0xF7A, s2;
	p2 =	seq.s32 @!p0 s5, $0x0  }
0x1f: {  	s9 =	smul.u32 $0xF7A, s1;
	s8 =	simm.s32 @!p0 $0x1BF5;
	p2 =	por !p2, p0  }
0x20: {  	[sflag:s8] =	ssyncset.s32 @!p0 $0xFFFFF086;
	s6 =	sadd.s32 @!p0 s3, s7;
	s7 =	simm.s32 @!p0 $0x108  }
0x21: {  	s3 =	sadd.s32 s3, s9;
	s6 =	sadd.s32 @!p0 $0x88, s6;
	s7 =	simm.s32 @p2 $0x1082  }
0x22: {  	[simem:s7], [sflag:s8] =	dma.local @!p0 [hbm:s6], $0xF7A  }
0x23: {  	s9 =	sor.u32 $0xD0000000, s2;
	s6 =	simm.s32 $0x108;
	_ =	swait.ge @!p0 [sflag:s8], $0x0  }
0x24: {  	s3 =	sadd.s32 $0x88, s3;
	s6 =	simm.s32 @!p1 $0x1082;
	[sflag:s4] =	ssyncset.s32 $0xFFFFF086  }
0x25: {  	[simem:s6], [sflag:s4] =	dma.local [hbm:s3], $0xF7A  }
0x26: {  	[smem:$0x3F90] =	sst s1;
	(tag) =	ssettag s2;
	_ =	strace s9  }
0x27: {  	s1 =	sld [smem:$0x3FA0]  }
0x28: {  	s2 =	sld [smem:$0x3FA1]  }
0x29: {  	s4 =	sld [smem:$0x3FA3]  }
0x2a: {  	p0 =	seq.s32 s5, $0x0;
	s5 =	sld [smem:$0x3FA4]  }
0x2b: {  	s6 =	sld [smem:$0x3FA5]  }
0x2c: {  	s7 =	sld [smem:$0x3FA6]  }
0x2d: {  	s3 =	simm.s32 $0x108;
	s8 =	sld [smem:$0x3FA7]  }
0x2e: {  	s3 =	simm.s32 @!p0 $0x1082;
	s9 =	sld [smem:$0x3FA8]  }
0x2f: {  	lr =	sadd.s32 s0, s3;
	s0 =	sld [smem:$0x3F9F]  }
0x30: {  	s3 =	sld [smem:$0x3FA2]  }
0x31: {  	[smem:$0x3FAB] =	sst s10  }
0x32: {  	s10 =	sld [smem:$0x3FA9];
	_ =	sdelay $0x3  }
0x33: {  	p0 =	seq.s32 s10, $0x1;
	s10 =	sld [smem:$0x3FAB];
	_ =	sdelay $0x3  }
0x34: {  	[smem:$0x3FAB] =	sst s10  }
0x35: {  	s10 =	sld [smem:$0x3FAA];
	_ =	sdelay $0x3  }
0x36: {  	p1 =	seq.s32 s10, $0x1;
	s10 =	sld [smem:$0x3FAB];
	_ =	sdelay $0x3  }
0x37: {  	[smem:$0x3FAB] =	sst s10  }
0x38: {  	s10 =	sld [smem:$0x3FAC]  }
0x39: {  	_ = 	snop;
	(pc) =	sbr.ind lr, $3  }
0x3a: {  	_ = 	snop  }
0x3b: {  	_ = 	snop  }
0x3c: {  	p2 =	seq.s32 s10, $0x1;
	s10 =	sld [smem:$0x3FAB]  }
0x3d: {  	_ =	shalt  }
0x3e: {  	_ =	shalt  }
0x3f: {  	_ =	shalt  }
0x40: {  	_ =	shalt  }
0x41: {  	_ =	shalt  }
0x42: {  	_ =	shalt  }
0x43: {  	_ =	shalt  }
0x44: {  	_ =	shalt  }
0x45: {  	_ =	shalt  }
0x46: {  	_ =	shalt  }
0x47: {  	_ =	shalt  }
0x48: {  	_ =	shalt  }
0x49: {  	_ =	shalt  }
0x4a: {  	_ =	shalt  }
0x4b: {  	_ =	shalt  }
0x4c: {  	_ =	shalt  }
0x4d: {  	_ =	shalt  }
0x4e: {  	_ =	shalt  }
0x4f: {  	_ =	shalt  }
0x50: {  	_ =	shalt  }
0x51: {  	_ =	shalt  }
0x52: {  	_ =	shalt  }
0x53: {  	_ =	shalt  }
0x54: {  	_ =	shalt  }
0x55: {  	_ =	shalt  }
0x56: {  	_ =	shalt  }
0x57: {  	_ =	shalt  }
0x58: {  	_ =	shalt  }
0x59: {  	_ =	shalt  }
0x5a: {  	_ =	shalt  }
0x5b: {  	_ =	shalt  }
0x5c: {  	_ =	shalt  }
0x5d: {  	_ =	shalt  }
0x5e: {  	_ =	shalt  }
0x5f: {  	_ =	shalt  }
0x60: {  	_ =	shalt  }
0x61: {  	_ =	shalt  }
0x62: {  	_ =	shalt  }
0x63: {  	_ =	shalt  }
0x64: {  	_ =	shalt  }
0x65: {  	_ =	shalt  }
0x66: {  	_ =	shalt  }
0x67: {  	_ =	shalt  }
0x68: {  	_ =	shalt  }
0x69: {  	_ =	shalt  }
0x6a: {  	_ =	shalt  }
0x6b: {  	_ =	shalt  }
0x6c: {  	_ =	shalt  }
0x6d: {  	_ =	shalt  }
0x6e: {  	_ =	shalt  }
0x6f: {  	_ =	shalt  }
0x70: {  	_ =	shalt  }
0x71: {  	_ =	shalt  }
0x72: {  	_ =	shalt  }
0x73: {  	_ =	shalt  }
0x74: {  	_ =	shalt  }
0x75: {  	_ =	shalt  }
0x76: {  	_ =	shalt  }
0x77: {  	_ =	shalt  }
0x78: {  	_ =	shalt  }
0x79: {  	_ =	shalt  }
0x7a: {  	_ =	shalt  }
0x7b: {  	_ =	shalt  }
0x7c: {  	_ =	shalt  }
0x7d: {  	_ =	shalt  }
0x7e: {  	_ =	shalt  }
0x7f: {  	_ =	shalt  }
0x80: {  	_ =	shalt  }
0x81: {  	_ =	shalt  }
0x82: {  	_ =	shalt  }
0x83: {  	_ =	shalt  }
0x84: {  	_ =	shalt  }
0x85: {  	_ =	shalt  }
0x86: {  	_ =	shalt  }
0x87: {  	_ =	shalt  }
.Lfunc_end0:
.L_simem_size_0:
called_computation.2_lowered:
.L_overlay_start_0:
0x88: {  	s2 =	sld [smem:$0x3FD9]  }
0x89: {  	s3 =	sld [smem:$0x3FFE];
	_ =	sdelay $0x1  }
0x8a: {  	s1 =	srdreg.scid  }
0x8b: {  	s0 =	sand.u32 $0x1, s1  }
0x8c: {  	s16 =	sshll.u32 s0, $0xA;
	s2 =	sadd.s32 s3, s2  }
0x8d: {  	s2 =	sadd.s32 s2, s16  }
0x8e: {  	[smem:$0x3FB7] =	sst s2  }
0x8f: {  	_ = 	snop  }
0x90: {  	(tm) =	ssettm $0x1  }
0x91: {  	s17 =	sld [smem:$0x3FFB];
	_ =	sdelay $0x3  }
0x92: {  	_ =	strace s17  }
0x93: {  	s2 =	sld [smem:$0x3FFC];
	_ =	sdelay $0x3  }
0x94: {  	_ =	strace s2  }
0x95: {  	s2 =	sld [smem:$0x3FFD];
	_ =	sdelay $0x3  }
0x96: {  	_ =	strace s2  }
0x97: {  	_ =	strace $0x8FFFFFFF  }
0x98: {  	s18 =	sld [smem:$0x3FDB];
	_ =	sdelay $0x1  }
0x99: {  	s19 =	simm.s32 $_scs_section_size  }
0x9a: {  	s4 =	simm.s32 $_size__tile_overlayer_lowered;
	s5 =	simm.s32 $_tile_overlayer_lowered  }
0x9b: {  	s22 =	simm.s32 $0x1BFF;
	s21 =	sshll.u32 s5, $0x1;
	s2 =	sadd.s32 s19, s18  }
0x9c: {  	s6 =	simm.s32 $0x0;
	s20 =	sshll.u32 s4, $0x1;
	s4 =	sadd.s32 s21, s2  }
0x9d: {  	[timem:s6], [sflag:s22] =	dma.local [hbm:s4], s20  }
0x9e: {  	_ =	swait.ge [sflag:s22], s20  }
0x9f: {  	s3 =	ssub.s32 $0x0, s20;
	[sflag:s22] =	ssyncset.done $0x0  }
0xa0: {  	[sflag:s22] =	ssyncadd.s32 s3;
	_ =	sdelay $0x1  }
0xa1: {  	s23 =	simm.s32 $0x1B8B  }
0xa2: {  	_ =	swait.ge [sflag:s23], $0x1  }
0xa3: {  	[sflag:s23] =	ssyncset.done $0x0  }
0xa4: {  	s25 =	simm.s32 $0x1B8E;
	s24 =	sld [smem:$0x3FFE];
	[sflag:s23] =	ssyncadd.s32 $0xFFFFFFFF  }
0xa5: {  	s26 =	simm.s32 $execute0_lowered;
	[smem:$0x3FD2] =	sst s25  }
0xa6: {  	s4 =	sshll.u32 s26, $0x1;
	_ =	strace $0x8000004C;
	[dreg:$0x1] =	wrdreg $0xFFFFFFFF  }
0xa7: {  	s28 =	simm.s32 $_size_execute0_lowered;
	s2 =	sadd.s32 s2, s4;
	[dreg:$0x0] =	wrdreg $0x0  }
0xa8: {  	s4 =	sshll.u32 s28, $0x1;
	[dreg:$0x2] =	wrdreg s2  }
0xa9: {  	[dreg:$0x3] =	wrdreg s4  }
0xaa: {  	[dreg:$0x4] =	wrdreg $0xC0  }
0xab: {  	_ =	task [dreg:s6], $0x5FFFF  }
0xac: {  	[dreg:$0x1] =	wrdreg $0xFFFFFFFF  }
0xad: {  	[dreg:$0x0] =	wrdreg $0x60  }
0xae: {  	[dreg:$0x2] =	wrdreg s24  }
0xaf: {  	[dreg:$0x3] =	wrdreg $0x140000  }
0xb0: {  	[dreg:$0x4] =	wrdreg $0x9  }
0xb1: {  	_ =	task.clear_ibuf [dreg:s6], $0x5FFFF;
	_ =	strace $0x9000004C  }
0xb2: {  	s29 =	simm.s32 $0x9;
	_ =	strace $0x8000004E  }
0xb3: {  	_ =	swait.ge [sflag:s29], $0x1  }
0xb4: {  	[sflag:s29] =	ssyncadd.s32 $0xFFFFFFFF  }
0xb5: {  	_ =	strace $0x9000004E  }
0xb6: {  	_ =	sfence  }
0xb7: {  	s30 =	sld [smem:$0x0];
	_ =	sdelay $0x2  }
0xb8: {  	s31 =	sshll.u32 s1, $0xD;
	s1 =	sshrl.u32 s1, $0x2  }
0xb9: {  	s3 =	sand.u32 $0x4000, s31;
	s1 =	sadd.s32 s1, s30  }
0xba: {  	s0 =	sor.u32 s3, s0;
	s1 =	sshll.u32 s1, $0x11  }
0xbb: {  	s0 =	sor.u32 s1, s0  }
0xbc: {  	s0 =	sadd.s32 $0x8F2B, s0  }
0xbd: {  	[sflag:s0] =	ssyncadd.remote.s32 $0x1  }
0xbe: {  	_ =	sfence.sel $0xFFFF  }
0xbf: {  	[dreg:$0x0] =	wrdreg $0xFFFFFFFF;
	(pc) =	sbr.abs _section_cstart, $3  }
0xc0: {  	[dreg:$0x1] =	wrdreg $0xFFFFFFFF  }
0xc1: {  	_ =	task.clear_ibuf [dreg:s6], $0x2FFFF;
	_ =	strace $0x9FFFFFFF  }
0xc2: {  	(tm) =	ssettm $0x7FFFFFFF  }
0xc3: {  	_ =	shalt  }
tec
execute0_lowered:
.L_overlay_start_1:
0x0: {  	(tag) =	ssettag $0x1  }
0x1: {  	s0 =	srdreg.scid;
	s1 =	rddreg [dreg:$0x0]  }
0x2: {  	s8 =	stileid.u32;
	s2 =	rddreg [dreg:$0x1];
	s6 =	simm.s32 $0x0  }
0x3: {  	s14 =	simm.s32 $0xB;
	s15 =	simm.s32 $0x5000;
	s16 =	simm.s32 $0xA000  }
0x4: {  	s17 =	simm.s32 $0x80;
	s18 =	simm.s32 $0xC000;
	s19 =	simm.s32 $0x1  }
0x5: {  	s21 =	simm.s32 $0xE000;
	s22 =	simm.s32 $0x2;
	s3 =	smul.u32 $0x5000, s8  }
0x6: {  	s30 =	simm.s32 $0x12000;
	s31 =	simm.s32 $0x4;
	s5 =	smul.u32 $0x9C80, s8  }
0x7: {  	s28 =	simm.s32 $0x7;
	s0 =	sand.u32 $0x1, s0;
	s8 =	smul.u32 $0x27200, s8  }
0x8: {  	s20 =	simm.s32 $0x9;
	s29 =	simm.s32 $0x0;
	s4 =	smul.u32 $0x50000, s0  }
0x9: {  	[smem:$0x7FF] =	sst s6;
	s7 =	smul.u32 $0x9C800, s0;
	s0 =	ssub.s32 $0x2, s0  }
0xa: {  	_ =	strace $0x8000004D;
	s24 =	sshrl.u32 s0, $0x1;
	s8 =	sshrl.u32 s8, $0x2  }
0xb: {  	s4 =	sadd.s32 s3, s4;
	s3 =	sshrl.u32 s3, $0x3;
	s7 =	sadd.s32 s5, s7  }
0xc: {  	s0 =	ssub.s32 s0, s24;
	s25 =	sadd.s32 s8, s2;
	s24 =	simm.s32 $0xA  }
0xd: {  	s23 =	sshrl.u32 s4, $0x3;
	s4 =	sadd.s32 $0x22A00, s1;
	s3 =	sadd.s32 s3, s1  }
0xe: {  	s7 =	sshrl.u32 s7, $0x3;
	s26 =	sadd.s32 $0x2000, s25;
	s9 =	sadd.s32 $0x4000, s25  }
0xf: {  	s10 =	sadd.s32 $0x6000, s25;
	s11 =	sadd.s32 $0x8000, s25;
	s13 =	smax.u32 s0, $0x1  }
.Ltmp0:
0x10: {  	s25 =	simm.s32 $0x10000;
	s0 =	simm.s32 $0x6;
	(pc) =	sbr.rel .LBB2_1-.Ltmp0, $4  }
0x11: {  	s6 =	sadd.s32 s23, s1;
	s1 =	sadd.s32 s7, s1;
	s3 =	sadd.s32 $0x18A00, s3  }
0x12: {  	s7 =	sadd.s32 s5, s2;
	[dreg:$0x5] =	wrdreg s26;
	s26 =	simm.s32 $0x3  }
0x13: {  	s23 =	simm.s32 $0x5;
	s6 =	sadd.s32 $0x4A00, s6;
	[dreg:$0x4] =	wrdreg s3  }
0x14: {  	v0 =	vimm.f32 $0.0e+00;
	s12 =	sadd.s32 $0x98000, s1;
	s1 =	simm.s32 $0x8;
	[dreg:$0x3] =	wrdreg s6  }
.LBB2_6:
0x15: {  	_ =	swait.ge [sflag:s23], $0x2000  }
0x16: {  	[sflag:s23] =	ssyncset.done $0x0  }
0x17: {  	[sflag:s23] =	ssyncadd.s32 $0xFFFFE000  }
0x18: {  	[spmem:s2] =	stream.indirect.scatter.add.f32 [tilespmem:s30], [sflag:$0xA], $0x40, s6, s17, $0xb8;
	[tilespmem:$0x1DC80] =	vst v63  }
0x19: {  	_ =	swait.ge [sflag:s28], $0x2000  }
0x1a: {  	[sflag:s28] =	ssyncset.done $0x0  }
0x1b: {  	[sflag:s28] =	ssyncadd.s32 $0xFFFFE000  }
0x1c: {  	_ =	swait.ge [sflag:s1], $0x2000  }
0x1d: {  	[sflag:s1] =	ssyncset.done $0x0  }
0x1e: {  	[sflag:s1] =	ssyncadd.s32 $0xFFFFE000  }
0x1f: {  	_ =	swait.ge [sflag:s20], $0x2000  }
0x20: {  	[sflag:s20] =	ssyncset.done $0x0  }
0x21: {  	[sflag:s20] =	ssyncadd.s32 $0xFFFFE000  }
0x22: {  	s3 =	stileid.u32;
	_ =	swait.ge [sflag:s24], $0x2000  }
0x23: {  	s5 =	sshrl.u32 s7, $0x3;
	s29 =	sadd.s32 $0x1, s29;
	[sflag:s24] =	ssyncset.done $0x0  }
0x24: {  	s3 =	sshll.u32 s3, $0x6;
	p0 =	sne.s32 s29, s13;
	[sflag:s24] =	ssyncadd.s32 $0xFFFFE000  }
.Ltmp1:
0x25: {  	s3 =	sor.u32 $0x1C0B, s3;
	[bflag:$0x0] =	sbarrier.arrive $0xFFFF;
	(pc) =	sbr.rel @!p0 .LBB2_7-.Ltmp1, $4  }
0x26: {  	[hbm:s12], [sflag:s3] =	dma.local [spmem:s5], $0x1390  }
0x27: {  	_ =	swait.ge [sflag:s14], $0x1390  }
0x28: {  	[sflag:s14] =	ssyncset.done $0x0  }
0x29: {  	[sflag:s14] =	ssyncadd.s32 $0xFFFFEC70  }
.LBB2_1:
0x2a: {  	s3 =	simm.s32 $0x0;
	s5 =	rddreg [dreg:$0x3]  }
0x2b: {  	[tilespmem:s3], [sflag:$0xB] =	stream.linear.gather [hbm4b:s5+s3], $0x5000, $0x38;
	[tilespmem:$0x1DC80] =	vst v63  }
0x2c: {  	_ =	swait.ge [sflag:s14], $0x5000  }
0x2d: {  	[sflag:s14] =	ssyncset.done $0x0  }
0x2e: {  	s8 =	rddreg [dreg:$0x4];
	[sflag:s14] =	ssyncadd.s32 $0xFFFFB000  }
0x2f: {  	[tilespmem:s15], [sflag:$0xB] =	stream.linear.gather [hbm4b:s8+s3], $0x5000, $0x38;
	[tilespmem:$0x1DC80] =	vst v63  }
0x30: {  	_ =	swait.ge [sflag:s14], $0x5000  }
0x31: {  	[sflag:s14] =	ssyncset.done $0x0  }
0x32: {  	s5 =	simm.s32 $0x100;
	s3 =	simm.s32 $0x0;
	[sflag:s14] =	ssyncadd.s32 $0xFFFFB000  }
.LBB2_2:
0x33: {  	p0 =	sne.s32 s5, $0x7F00;
	[tilespmem:s3+$0xA030] =	vst v0;
	s6 =	smov.u32 s5;
	s5 =	sadd.s32 $0x100, s5  }
.Ltmp2:
0x34: {  	[tilespmem:s3+$0xA020] =	vst v0;
	(pc) =	sbr.rel @p0 .LBB2_2-.Ltmp2, $3  }
0x35: {  	[tilespmem:s3+$0xA000] =	vst v0  }
0x36: {  	[tilespmem:s3+$0xA010] =	vst v0;
	_ =	sdelay $0x1  }
0x37: {  	s3 =	sshra.s32 s6, $0x2  }
0x38: {  	[tilespmem:s3+$0xA030] =	vst v0  }
0x39: {  	[tilespmem:s3+$0xA020] =	vst v0  }
0x3a: {  	[tilespmem:s3+$0xA000] =	vst v0  }
0x3b: {  	[tilespmem:s3+$0xA010] =	vst v0  }
0x3c: {  	[spmem:s7] =	stream.linear.scatter [tilespmem:s16], [sflag:$0xB], $0x2000, $0x38;
	[tilespmem:$0x1DC80] =	vst v63  }
0x3d: {  	_ =	swait.ge [sflag:s14], $0x2000  }
0x3e: {  	[sflag:s14] =	ssyncset.done $0x0  }
0x3f: {  	s5 =	rddreg [dreg:$0x5];
	[sflag:s14] =	ssyncadd.s32 $0xFFFFE000  }
0x40: {  	[spmem:s5] =	stream.linear.scatter [tilespmem:s16], [sflag:$0xB], $0x2000, $0x38;
	[tilespmem:$0x1DC80] =	vst v63  }
0x41: {  	_ =	swait.ge [sflag:s14], $0x2000  }
0x42: {  	[sflag:s14] =	ssyncset.done $0x0  }
0x43: {  	[sflag:s14] =	ssyncadd.s32 $0xFFFFE000  }
0x44: {  	[spmem:s9] =	stream.linear.scatter [tilespmem:s16], [sflag:$0xB], $0x2000, $0x38;
	[tilespmem:$0x1DC80] =	vst v63  }
0x45: {  	_ =	swait.ge [sflag:s14], $0x2000  }
0x46: {  	[sflag:s14] =	ssyncset.done $0x0  }
0x47: {  	[sflag:s14] =	ssyncadd.s32 $0xFFFFE000  }
0x48: {  	[spmem:s10] =	stream.linear.scatter [tilespmem:s16], [sflag:$0xB], $0x2000, $0x38;
	[tilespmem:$0x1DC80] =	vst v63  }
0x49: {  	_ =	swait.ge [sflag:s14], $0x2000  }
0x4a: {  	[sflag:s14] =	ssyncset.done $0x0  }
0x4b: {  	[sflag:s14] =	ssyncadd.s32 $0xFFFFE000  }
0x4c: {  	[spmem:s11] =	stream.linear.scatter [tilespmem:s16], [sflag:$0xB], $0x1C80, $0x38;
	[tilespmem:$0x1DC80] =	vst v63  }
0x4d: {  	_ =	swait.ge [sflag:s14], $0x1C80  }
0x4e: {  	[sflag:s14] =	ssyncset.done $0x0  }
0x4f: {  	[sflag:s14] =	ssyncadd.s32 $0xFFFFE380  }
0x50: {  	s3 =	simm.s32 $0x0;
	[bflag:$0x0] =	sbarrier.arrive $0xFFFF  }
0x51: {  	[tilespmem:s16], [sflag:$0x1] =	stream.indirect.gather [hbm4b:s4+s17], $0x40, s3, s17, $0xb8;
	[tilespmem:$0x1DC80] =	vst v63  }
0x52: {  	_ = 	snop  }
0x53: {  	[tilespmem:s18], [sflag:$0x2] =	stream.indirect.gather [hbm4b:s4+s17], $0x40, s17, s17, $0xb8;
	[tilespmem:$0x1DC80] =	vst v63  }
0x54: {  	_ =	swait.ge [sflag:s19], $0x2000  }
0x55: {  	[sflag:s19] =	ssyncset.done $0x0  }
0x56: {  	[sflag:s19] =	ssyncadd.s32 $0xFFFFE000  }
0x57: {  	[spmem:s2] =	stream.indirect.scatter.add.f32 [tilespmem:s16], [sflag:$0x6], $0x40, s15, s17, $0xb8;
	[tilespmem:$0x1DC80] =	vst v63  }
0x58: {  	s5 =	simm.s32 $0x100  }
0x59: {  	[tilespmem:s21], [sflag:$0x3] =	stream.indirect.gather [hbm4b:s4+s17], $0x40, s5, s17, $0xb8;
	[tilespmem:$0x1DC80] =	vst v63  }
0x5a: {  	_ =	swait.ge [sflag:s22], $0x2000  }
0x5b: {  	[sflag:s22] =	ssyncset.done $0x0  }
0x5c: {  	s6 =	simm.s32 $0x5080;
	[sflag:s22] =	ssyncadd.s32 $0xFFFFE000  }
0x5d: {  	[spmem:s2] =	stream.indirect.scatter.add.f32 [tilespmem:s18], [sflag:$0x7], $0x40, s6, s17, $0xb8;
	[tilespmem:$0x1DC80] =	vst v63  }
0x5e: {  	s8 =	simm.s32 $0x180  }
0x5f: {  	[tilespmem:s25], [sflag:$0x4] =	stream.indirect.gather [hbm4b:s4+s17], $0x40, s8, s17, $0xb8;
	[tilespmem:$0x1DC80] =	vst v63  }
0x60: {  	_ =	swait.ge [sflag:s26], $0x2000  }
0x61: {  	[sflag:s26] =	ssyncset.done $0x0  }
0x62: {  	s6 =	simm.s32 $0x5100;
	[sflag:s26] =	ssyncadd.s32 $0xFFFFE000  }
0x63: {  	[spmem:s2] =	stream.indirect.scatter.add.f32 [tilespmem:s21], [sflag:$0x8], $0x40, s6, s17, $0xb8;
	[tilespmem:$0x1DC80] =	vst v63  }
0x64: {  	s8 =	simm.s32 $0x200  }
0x65: {  	[tilespmem:s30], [sflag:$0x5] =	stream.indirect.gather [hbm4b:s4+s17], $0x40, s8, s17, $0xb8;
	[tilespmem:$0x1DC80] =	vst v63  }
0x66: {  	_ =	swait.ge [sflag:s31], $0x2000  }
0x67: {  	[sflag:s31] =	ssyncset.done $0x0  }
0x68: {  	s6 =	simm.s32 $0x5180;
	[sflag:s31] =	ssyncadd.s32 $0xFFFFE000  }
0x69: {  	[spmem:s2] =	stream.indirect.scatter.add.f32 [tilespmem:s25], [sflag:$0x9], $0x40, s6, s17, $0xb8;
	[tilespmem:$0x1DC80] =	vst v63  }
0x6a: {  	_ =	swait.ge [sflag:s0], $0x2000  }
0x6b: {  	[sflag:s0] =	ssyncset.done $0x0  }
0x6c: {  	s8 =	simm.s32 $0x280;
	[sflag:s0] =	ssyncadd.s32 $0xFFFFE000  }
0x6d: {  	[tilespmem:s16], [sflag:$0x1] =	stream.indirect.gather [hbm4b:s4+s17], $0x40, s8, s17, $0xb8;
	[tilespmem:$0x1DC80] =	vst v63  }
0x6e: {  	_ =	swait.ge [sflag:s23], $0x2000  }
0x6f: {  	[sflag:s23] =	ssyncset.done $0x0  }
0x70: {  	s6 =	simm.s32 $0x5200;
	[sflag:s23] =	ssyncadd.s32 $0xFFFFE000  }
0x71: {  	[spmem:s2] =	stream.indirect.scatter.add.f32 [tilespmem:s30], [sflag:$0xA], $0x40, s6, s17, $0xb8;
	[tilespmem:$0x1DC80] =	vst v63  }
0x72: {  	_ =	swait.ge [sflag:s28], $0x2000  }
0x73: {  	[sflag:s28] =	ssyncset.done $0x0  }
0x74: {  	s8 =	simm.s32 $0x300;
	[sflag:s28] =	ssyncadd.s32 $0xFFFFE000  }
0x75: {  	[tilespmem:s18], [sflag:$0x2] =	stream.indirect.gather [hbm4b:s4+s17], $0x40, s8, s17, $0xb8;
	[tilespmem:$0x1DC80] =	vst v63  }
.LBB2_4:
0x76: {  	_ =	swait.ge [sflag:s19], $0x2000  }
0x77: {  	s5 =	sshra.s32 s3, $0x2;
	[sflag:s19] =	ssyncset.done $0x0  }
0x78: {  	s6 =	sadd.s32 $0x5280, s5;
	[sflag:s19] =	ssyncadd.s32 $0xFFFFE000  }
0x79: {  	[spmem:s2] =	stream.indirect.scatter.add.f32 [tilespmem:s16], [sflag:$0x6], $0x40, s6, s17, $0xb8;
	[tilespmem:$0x1DC80] =	vst v63  }
0x7a: {  	_ =	swait.ge [sflag:s1], $0x2000  }
0x7b: {  	[sflag:s1] =	ssyncset.done $0x0  }
0x7c: {  	s8 =	sadd.s32 $0x380, s5;
	[sflag:s1] =	ssyncadd.s32 $0xFFFFE000  }
0x7d: {  	[tilespmem:s21], [sflag:$0x3] =	stream.indirect.gather [hbm4b:s4+s17], $0x40, s8, s17, $0xb8;
	[tilespmem:$0x1DC80] =	vst v63  }
0x7e: {  	_ =	swait.ge [sflag:s22], $0x2000  }
0x7f: {  	[sflag:s22] =	ssyncset.done $0x0  }
0x80: {  	s8 =	sadd.s32 $0x5300, s5;
	[sflag:s22] =	ssyncadd.s32 $0xFFFFE000  }
0x81: {  	[spmem:s2] =	stream.indirect.scatter.add.f32 [tilespmem:s18], [sflag:$0x7], $0x40, s8, s17, $0xb8;
	[tilespmem:$0x1DC80] =	vst v63  }
0x82: {  	_ =	swait.ge [sflag:s20], $0x2000  }
0x83: {  	[sflag:s20] =	ssyncset.done $0x0  }
0x84: {  	s8 =	sadd.s32 $0x400, s5;
	[sflag:s20] =	ssyncadd.s32 $0xFFFFE000  }
0x85: {  	[tilespmem:s25], [sflag:$0x4] =	stream.indirect.gather [hbm4b:s4+s17], $0x40, s8, s17, $0xb8;
	[tilespmem:$0x1DC80] =	vst v63  }
0x86: {  	_ =	swait.ge [sflag:s26], $0x2000  }
0x87: {  	[sflag:s26] =	ssyncset.done $0x0  }
0x88: {  	s8 =	sadd.s32 $0x5380, s5;
	[sflag:s26] =	ssyncadd.s32 $0xFFFFE000  }
0x89: {  	[spmem:s2] =	stream.indirect.scatter.add.f32 [tilespmem:s21], [sflag:$0x8], $0x40, s8, s17, $0xb8;
	[tilespmem:$0x1DC80] =	vst v63  }
0x8a: {  	_ =	swait.ge [sflag:s24], $0x2000  }
0x8b: {  	[sflag:s24] =	ssyncset.done $0x0  }
0x8c: {  	s8 =	sadd.s32 $0x480, s5;
	[sflag:s24] =	ssyncadd.s32 $0xFFFFE000  }
0x8d: {  	[tilespmem:s30], [sflag:$0x5] =	stream.indirect.gather [hbm4b:s4+s17], $0x40, s8, s17, $0xb8;
	[tilespmem:$0x1DC80] =	vst v63  }
0x8e: {  	_ =	swait.ge [sflag:s31], $0x2000  }
0x8f: {  	p0 =	seq.s32 s3, $0x12C00;
	[sflag:s31] =	ssyncset.done $0x0  }
.Ltmp3:
0x90: {  	s8 =	sadd.s32 $0x5400, s5;
	[sflag:s31] =	ssyncadd.s32 $0xFFFFE000;
	(pc) =	sbr.rel @p0 .LBB2_6-.Ltmp3, $4  }
0x91: {  	[spmem:s2] =	stream.indirect.scatter.add.f32 [tilespmem:s25], [sflag:$0x9], $0x40, s8, s17, $0xb8;
	[tilespmem:$0x1DC80] =	vst v63  }
0x92: {  	_ =	swait.ge [sflag:s0], $0x2000  }
0x93: {  	[sflag:s0] =	ssyncset.done $0x0  }
0x94: {  	s6 =	sadd.s32 $0x5480, s5;
	[sflag:s0] =	ssyncadd.s32 $0xFFFFE000  }
0x95: {  	s8 =	sadd.s32 $0x500, s5  }
0x96: {  	[tilespmem:s16], [sflag:$0x1] =	stream.indirect.gather [hbm4b:s4+s17], $0x40, s8, s17, $0xb8;
	[tilespmem:$0x1DC80] =	vst v63  }
0x97: {  	_ =	swait.ge [sflag:s23], $0x2000  }
0x98: {  	[sflag:s23] =	ssyncset.done $0x0  }
0x99: {  	[sflag:s23] =	ssyncadd.s32 $0xFFFFE000  }
0x9a: {  	[spmem:s2] =	stream.indirect.scatter.add.f32 [tilespmem:s30], [sflag:$0xA], $0x40, s6, s17, $0xb8;
	[tilespmem:$0x1DC80] =	vst v63  }
.Ltmp4:
0x9b: {  	_ = 	snop;
	(pc) =	sbr.rel .LBB2_4-.Ltmp4, $4  }
0x9c: {  	_ =	swait.ge [sflag:s28], $0x2000  }
0x9d: {  	[sflag:s28] =	ssyncset.done $0x0  }
0x9e: {  	s3 =	sadd.s32 $0xA00, s3;
	s8 =	sadd.s32 $0x580, s5;
	[sflag:s28] =	ssyncadd.s32 $0xFFFFE000  }
0x9f: {  	[tilespmem:s18], [sflag:$0x2] =	stream.indirect.gather [hbm4b:s4+s17], $0x40, s8, s17, $0xb8;
	[tilespmem:$0x1DC80] =	vst v63  }
.LBB2_7:
0xa0: {  	_ =	sfence.sel $0x180000  }
0xa1: {  	[bflag:$0x0] =	sbarrier.arrive $0xFFFF  }
0xa2: {  	_ =	strace $0x9000004D  }
0xa3: {  	s0 =	stileid.u32;
	[bflag:$0x2] =	sbarrier.arrive $0xFFFF  }
0xa4: {  	p0 =	sne.s32 s0, $0x0;
	s0 =	rddreg [dreg:$0x2]  }
0xa5: {  	s0 =	sadd.s32 @!p0 $0x100000, s0  }
0xa6: {  	[sflag:s0] =	ssyncadd.tile.s32 @!p0 $0x1;
	_ =	shalt  }
.Lfunc_end2:
_tile_overlayer_lowered:
.L_overlay_start_2:
0xa7: {  	(tag) =	ssettag $0x2  }
0xa8: {  	s0 =	rddreg [dreg:$0x0];
	s2 =	stileid.u32  }
0xa9: {  	s1 =	rddreg [dreg:$0x1];
	p0 =	sne.s32 s2, $0x0  }
0xaa: {  	s3 =	rddreg [dreg:$0x2];
	[bflag:$0x3] =	sbarrier.arrive $0xFFFF;
	s2 =	simm.s32 @!p0 $0x1C0B  }
0xab: {  	[timem:s3], [sflag:s2] =	dma.local @!p0 [hbm:s0], s1  }
0xac: {  	s0 =	simm.s32 @!p0 $0xB  }
0xad: {  	_ =	swait.ge @!p0 [sflag:s0], s1  }
0xae: {  	s1 =	ssub.s32 @!p0 $0x0, s1;
	[sflag:s0] =	ssyncset.done @!p0 $0x0  }
0xaf: {  	[sflag:s0] =	ssyncadd.s32 @!p0 s1  }
0xb0: {  	[bflag:$0x3] =	sbarrier.arrive $0xFFFF  }
0xb1: {  	_ =	shalt  }

// kernel: kernel.8.cloned.1.call-start
scs
__scs_entry_jumppad:
0x0: {  	(pc) =	sbr.rel $0x88, $3  }
0x1: {  	(tag) =	ssettag $0x0;
	lr =	simm.s32 $0x1  }
0x2: {  	[smem:$0x3F90] =	sst lr;
	_ =	strace $0xD0000000  }
0x3: {  	_ = 	snop  }
0x4: {  	_ = 	snop  }
0x5: {  	_ = 	snop  }
0x6: {  	_ = 	snop  }
0x7: {  	_ = 	snop  }
__scs_overlays_trampoline_lowered:
0x8: {  	[smem:$0x3F9F] =	sst s0  }
0x9: {  	[smem:$0x3FA0] =	sst s1  }
0xa: {  	[smem:$0x3FA1] =	sst s2  }
0xb: {  	[smem:$0x3FA2] =	sst s3  }
0xc: {  	[smem:$0x3FA3] =	sst s4  }
0xd: {  	[smem:$0x3FA4] =	sst s5  }
0xe: {  	[smem:$0x3FA5] =	sst s6  }
0xf: {  	[smem:$0x3FA6] =	sst s7  }
0x10: {  	[smem:$0x3FA7] =	sst s8  }
0x11: {  	[smem:$0x3FA8] =	sst s9;
	s0 =	simm.s32 @!p0 $0x0  }
0x12: {  	s1 =	sld [smem:$0x3F8E];
	s0 =	simm.s32 @p0 $0x1  }
0x13: {  	[smem:$0x3FA9] =	sst s0;
	s0 =	simm.s32 @!p1 $0x0  }
0x14: {  	s2 =	sld [smem:$0x3F8D];
	s0 =	simm.s32 @p1 $0x1  }
0x15: {  	[smem:$0x3FAA] =	sst s0;
	s0 =	simm.s32 @!p2 $0x0  }
0x16: {  	s3 =	sld [smem:$0x3FDB];
	s0 =	simm.s32 @p2 $0x1  }
0x17: {  	s4 =	simm.s32 $0x1BF5;
	[smem:$0x3FAC] =	sst s0  }
0x18: {  	s0 =	sld [smem:$0x3F8F];
	_ =	swait.ge [sflag:s4], $0x0  }
0x19: {  	s7 =	sld [smem:$0x3F90]  }
0x1a: {  	s8 =	sadd.s32 $0xFFFFE003, lr  }
0x1b: {  	s9 =	sadd.s32 $0xFFFFFEF7, lr;
	s5 =	simm.s32 $0xFFFFFFFF;
	p2 =	slt.u32 s8, $0xFFFFF086  }
0x1c: {  	p1 =	slt.u32 s9, $0xF7A;
	s5 =	simm.s32 @!p2 $0x0  }
0x1d: {  	s5 =	simm.s32 @p1 $0x1;
	p0 =	seq.s32 s7, s2  }
0x1e: {  	s7 =	smul.u32 @!p0 $0xF7A, s2;
	p2 =	seq.s32 @!p0 s5, $0x0  }
0x1f: {  	s9 =	smul.u32 $0xF7A, s1;
	s8 =	simm.s32 @!p0 $0x1BF5;
	p2 =	por !p2, p0  }
0x20: {  	[sflag:s8] =	ssyncset.s32 @!p0 $0xFFFFF086;
	s6 =	sadd.s32 @!p0 s3, s7;
	s7 =	simm.s32 @!p0 $0x108  }
0x21: {  	s3 =	sadd.s32 s3, s9;
	s6 =	sadd.s32 @!p0 $0x88, s6;
	s7 =	simm.s32 @p2 $0x1082  }
0x22: {  	[simem:s7], [sflag:s8] =	dma.local @!p0 [hbm:s6], $0xF7A  }
0x23: {  	s9 =	sor.u32 $0xD0000000, s2;
	s6 =	simm.s32 $0x108;
	_ =	swait.ge @!p0 [sflag:s8], $0x0  }
0x24: {  	s3 =	sadd.s32 $0x88, s3;
	s6 =	simm.s32 @!p1 $0x1082;
	[sflag:s4] =	ssyncset.s32 $0xFFFFF086  }
0x25: {  	[simem:s6], [sflag:s4] =	dma.local [hbm:s3], $0xF7A  }
0x26: {  	[smem:$0x3F90] =	sst s1;
	(tag) =	ssettag s2;
	_ =	strace s9  }
0x27: {  	s1 =	sld [smem:$0x3FA0]  }
0x28: {  	s2 =	sld [smem:$0x3FA1]  }
0x29: {  	s4 =	sld [smem:$0x3FA3]  }
0x2a: {  	p0 =	seq.s32 s5, $0x0;
	s5 =	sld [smem:$0x3FA4]  }
0x2b: {  	s6 =	sld [smem:$0x3FA5]  }
0x2c: {  	s7 =	sld [smem:$0x3FA6]  }
0x2d: {  	s3 =	simm.s32 $0x108;
	s8 =	sld [smem:$0x3FA7]  }
0x2e: {  	s3 =	simm.s32 @!p0 $0x1082;
	s9 =	sld [smem:$0x3FA8]  }
0x2f: {  	lr =	sadd.s32 s0, s3;
	s0 =	sld [smem:$0x3F9F]  }
0x30: {  	s3 =	sld [smem:$0x3FA2]  }
0x31: {  	[smem:$0x3FAB] =	sst s10  }
0x32: {  	s10 =	sld [smem:$0x3FA9];
	_ =	sdelay $0x3  }
0x33: {  	p0 =	seq.s32 s10, $0x1;
	s10 =	sld [smem:$0x3FAB];
	_ =	sdelay $0x3  }
0x34: {  	[smem:$0x3FAB] =	sst s10  }
0x35: {  	s10 =	sld [smem:$0x3FAA];
	_ =	sdelay $0x3  }
0x36: {  	p1 =	seq.s32 s10, $0x1;
	s10 =	sld [smem:$0x3FAB];
	_ =	sdelay $0x3  }
0x37: {  	[smem:$0x3FAB] =	sst s10  }
0x38: {  	s10 =	sld [smem:$0x3FAC]  }
0x39: {  	_ = 	snop;
	(pc) =	sbr.ind lr, $3  }
0x3a: {  	_ = 	snop  }
0x3b: {  	_ = 	snop  }
0x3c: {  	p2 =	seq.s32 s10, $0x1;
	s10 =	sld [smem:$0x3FAB]  }
0x3d: {  	_ =	shalt  }
0x3e: {  	_ =	shalt  }
0x3f: {  	_ =	shalt  }
0x40: {  	_ =	shalt  }
0x41: {  	_ =	shalt  }
0x42: {  	_ =	shalt  }
0x43: {  	_ =	shalt  }
0x44: {  	_ =	shalt  }
0x45: {  	_ =	shalt  }
0x46: {  	_ =	shalt  }
0x47: {  	_ =	shalt  }
0x48: {  	_ =	shalt  }
0x49: {  	_ =	shalt  }
0x4a: {  	_ =	shalt  }
0x4b: {  	_ =	shalt  }
0x4c: {  	_ =	shalt  }
0x4d: {  	_ =	shalt  }
0x4e: {  	_ =	shalt  }
0x4f: {  	_ =	shalt  }
0x50: {  	_ =	shalt  }
0x51: {  	_ =	shalt  }
0x52: {  	_ =	shalt  }
0x53: {  	_ =	shalt  }
0x54: {  	_ =	shalt  }
0x55: {  	_ =	shalt  }
0x56: {  	_ =	shalt  }
0x57: {  	_ =	shalt  }
0x58: {  	_ =	shalt  }
0x59: {  	_ =	shalt  }
0x5a: {  	_ =	shalt  }
0x5b: {  	_ =	shalt  }
0x5c: {  	_ =	shalt  }
0x5d: {  	_ =	shalt  }
0x5e: {  	_ =	shalt  }
0x5f: {  	_ =	shalt  }
0x60: {  	_ =	shalt  }
0x61: {  	_ =	shalt  }
0x62: {  	_ =	shalt  }
0x63: {  	_ =	shalt  }
0x64: {  	_ =	shalt  }
0x65: {  	_ =	shalt  }
0x66: {  	_ =	shalt  }
0x67: {  	_ =	shalt  }
0x68: {  	_ =	shalt  }
0x69: {  	_ =	shalt  }
0x6a: {  	_ =	shalt  }
0x6b: {  	_ =	shalt  }
0x6c: {  	_ =	shalt  }
0x6d: {  	_ =	shalt  }
0x6e: {  	_ =	shalt  }
0x6f: {  	_ =	shalt  }
0x70: {  	_ =	shalt  }
0x71: {  	_ =	shalt  }
0x72: {  	_ =	shalt  }
0x73: {  	_ =	shalt  }
0x74: {  	_ =	shalt  }
0x75: {  	_ =	shalt  }
0x76: {  	_ =	shalt  }
0x77: {  	_ =	shalt  }
0x78: {  	_ =	shalt  }
0x79: {  	_ =	shalt  }
0x7a: {  	_ =	shalt  }
0x7b: {  	_ =	shalt  }
0x7c: {  	_ =	shalt  }
0x7d: {  	_ =	shalt  }
0x7e: {  	_ =	shalt  }
0x7f: {  	_ =	shalt  }
0x80: {  	_ =	shalt  }
0x81: {  	_ =	shalt  }
0x82: {  	_ =	shalt  }
0x83: {  	_ =	shalt  }
0x84: {  	_ =	shalt  }
0x85: {  	_ =	shalt  }
0x86: {  	_ =	shalt  }
0x87: {  	_ =	shalt  }
.Lfunc_end0:
.L_simem_size_0:
called_computation_lowered:
.L_overlay_start_0:
0x88: {  	s2 =	sld [smem:$0x3FD9]  }
0x89: {  	s3 =	sld [smem:$0x3FFE];
	_ =	sdelay $0x1  }
0x8a: {  	s1 =	srdreg.scid  }
0x8b: {  	s0 =	sand.u32 $0x1, s1  }
0x8c: {  	s17 =	sshll.u32 s0, $0xA;
	s2 =	sadd.s32 s3, s2  }
0x8d: {  	s2 =	sadd.s32 s2, s17  }
0x8e: {  	[smem:$0x3FB7] =	sst s2  }
0x8f: {  	_ = 	snop  }
0x90: {  	(tm) =	ssettm $0x1  }
0x91: {  	s18 =	sld [smem:$0x3FFB];
	_ =	sdelay $0x3  }
0x92: {  	_ =	strace s18  }
0x93: {  	s2 =	sld [smem:$0x3FFC];
	_ =	sdelay $0x3  }
0x94: {  	_ =	strace s2  }
0x95: {  	s2 =	sld [smem:$0x3FFD];
	_ =	sdelay $0x3  }
0x96: {  	_ =	strace s2  }
0x97: {  	_ =	strace $0x8FFFFFFF  }
0x98: {  	s19 =	sld [smem:$0x3FDB];
	_ =	sdelay $0x1  }
0x99: {  	s20 =	simm.s32 $_scs_section_size  }
0x9a: {  	s4 =	simm.s32 $_size__tile_overlayer_lowered;
	s5 =	simm.s32 $_tile_overlayer_lowered  }
0x9b: {  	s6 =	simm.s32 $0x1BFF;
	s21 =	sshll.u32 s5, $0x1;
	s3 =	sadd.s32 s20, s19  }
0x9c: {  	s22 =	simm.s32 $0x0;
	s4 =	sshll.u32 s4, $0x1;
	s5 =	sadd.s32 s21, s3  }
0x9d: {  	[timem:s22], [sflag:s6] =	dma.local [hbm:s5], s4  }
0x9e: {  	_ =	swait.ge [sflag:s6], s4  }
0x9f: {  	s4 =	ssub.s32 $0x0, s4;
	[sflag:s6] =	ssyncset.done $0x0  }
0xa0: {  	[sflag:s6] =	ssyncadd.s32 s4;
	_ =	sdelay $0x1  }
0xa1: {  	s23 =	simm.s32 $0x1B8B  }
0xa2: {  	_ =	swait.ge [sflag:s23], $0x1  }
0xa3: {  	[sflag:s23] =	ssyncset.done $0x0  }
0xa4: {  	[sflag:s23] =	ssyncadd.s32 $0xFFFFFFFF  }
0xa5: {  	s4 =	sld [smem:$0x0]  }
0xa6: {  	s5 =	sand.u32 $0xFFFFFFFE, s1  }
0xa7: {  	p0 =	sne.s32 s1, s5  }
0xa8: {  	s5 =	sshll.u32 @p0 s5, $0xE  }
0xa9: {  	s5 =	sadd.s32 @p0 $0x11B8D, s5;
	s6 =	sshll.u32 @p0 s4, $0x11  }
0xaa: {  	s5 =	sor.u32 @p0 s6, s5  }
0xab: {  	[sflag:s5] =	ssyncadd.remote.s32 @p0 $0x1;
	_ =	sdelay $0x1  }
0xac: {  	s5 =	simm.s32 @p0 $0x1B8D  }
0xad: {  	_ =	swait.eq @p0 [sflag:s5], $0x1  }
0xae: {  	[sflag:s5] =	ssyncadd.s32 @p0 $0xFFFFFFFF  }
0xaf: {  	s6 =	sshll.u32 @!p0 s1, $0xE  }
0xb0: {  	s6 =	sor.u32 @!p0 $0x4000, s6;
	s5 =	simm.s32 @!p0 $0x1B8D  }
0xb1: {  	s4 =	sshll.u32 @!p0 s4, $0x11;
	s6 =	sadd.s32 @!p0 $0x11B8D, s6;
	_ =	swait.eq @!p0 [sflag:s5], $0x1  }
0xb2: {  	s4 =	sor.u32 @!p0 s4, s6;
	[sflag:s5] =	ssyncadd.s32 @!p0 $0xFFFFFFFF  }
0xb3: {  	s25 =	simm.s32 $0x1B8E;
	s24 =	sld [smem:$0x3FFE];
	[sflag:s4] =	ssyncadd.remote.s32 @!p0 $0x1  }
0xb4: {  	s26 =	simm.s32 $execute0_lowered;
	[smem:$0x3FD2] =	sst s25  }
0xb5: {  	s5 =	sshll.u32 s26, $0x1;
	_ =	strace $0x80000049;
	[dreg:$0x1] =	wrdreg $0xFFFFFFFF  }
0xb6: {  	s28 =	simm.s32 $_size_execute0_lowered;
	s3 =	sadd.s32 s3, s5;
	[dreg:$0x0] =	wrdreg $0x0  }
0xb7: {  	s5 =	sshll.u32 s28, $0x1;
	[dreg:$0x2] =	wrdreg s3  }
0xb8: {  	[dreg:$0x3] =	wrdreg s5  }
0xb9: {  	[dreg:$0x4] =	wrdreg $0xC0  }
0xba: {  	_ =	task [dreg:s22], $0x5FFFF  }
0xbb: {  	[dreg:$0x1] =	wrdreg $0xFFFFFFFF  }
0xbc: {  	[dreg:$0x0] =	wrdreg $0x60  }
0xbd: {  	[dreg:$0x2] =	wrdreg s24  }
0xbe: {  	[dreg:$0x3] =	wrdreg $0x38000  }
0xbf: {  	[dreg:$0x4] =	wrdreg $0x9  }
0xc0: {  	_ =	task.clear_ibuf [dreg:s22], $0x5FFFF;
	_ =	strace $0x90000049  }
0xc1: {  	s29 =	simm.s32 $0x9;
	_ =	strace $0x8000004B  }
0xc2: {  	_ =	swait.ge [sflag:s29], $0x1  }
0xc3: {  	[sflag:s29] =	ssyncadd.s32 $0xFFFFFFFF  }
0xc4: {  	_ =	strace $0x9000004B  }
0xc5: {  	_ =	sfence  }
0xc6: {  	s30 =	sld [smem:$0x0];
	_ =	sdelay $0x2  }
0xc7: {  	s31 =	sshll.u32 s1, $0xD;
	s1 =	sshrl.u32 s1, $0x2  }
0xc8: {  	s4 =	sand.u32 $0x4000, s31;
	s1 =	sadd.s32 s1, s30  }
0xc9: {  	s0 =	sor.u32 s4, s0;
	s1 =	sshll.u32 s1, $0x11  }
0xca: {  	s0 =	sor.u32 s1, s0  }
0xcb: {  	s0 =	sadd.s32 $0x8F2B, s0  }
0xcc: {  	[sflag:s0] =	ssyncadd.remote.s32 $0x1  }
0xcd: {  	_ =	sfence.sel $0xFFFF  }
0xce: {  	[dreg:$0x0] =	wrdreg $0xFFFFFFFF;
	(pc) =	sbr.abs _section_cstart, $3  }
0xcf: {  	[dreg:$0x1] =	wrdreg $0xFFFFFFFF  }
0xd0: {  	_ =	task.clear_ibuf [dreg:s22], $0x2FFFF;
	_ =	strace $0x9FFFFFFF  }
0xd1: {  	(tm) =	ssettm $0x7FFFFFFF  }
tec
execute0_lowered:
.L_overlay_start_1:
0x0: {  	(tag) =	ssettag $0x1  }
0x1: {  	s1 =	srdreg.scid;
	s4 =	rddreg [dreg:$0x0]  }
0x2: {  	s0 =	stileid.u32;
	s2 =	rddreg [dreg:$0x1];
	s3 =	simm.s32 $0x0  }
0x3: {  	s12 =	simm.s32 $0x1;
	s13 =	simm.s32 $0x3000;
	s6 =	smul.u32 $0x5000, s0  }
0x4: {  	s14 =	simm.s32 $0x80;
	s15 =	simm.s32 $0x2800;
	s8 =	smul.u32 $0x2720, s0  }
0x5: {  	s5 =	sand.u32 $0x1, s1;
	s1 =	rddreg [dreg:$0x2];
	s29 =	smul.u32 $0x9C80, s0  }
0x6: {  	s18 =	simm.s32 $0x0;
	[smem:$0x7FF] =	sst s3;
	s7 =	smul.u32 $0x2800, s5  }
0x7: {  	s16 =	sshll.u32 s0, $0x6;
	s9 =	smul.u32 $0x27200, s5;
	s5 =	ssub.s32 $0x2, s5  }
0x8: {  	_ =	strace $0x8000004A;
	s16 =	sor.u32 $0x1C01, s16;
	s30 =	sshrl.u32 s5, $0x1  }
0x9: {  	s31 =	sshrl.u32 s29, $0x2;
	s6 =	sadd.s32 s7, s6;
	s28 =	sadd.s32 s8, s9  }
0xa: {  	s11 =	ssub.s32 s5, s30;
	s9 =	sadd.s32 s31, s2;
	s5 =	sadd.s32 s8, s2  }
0xb: {  	s6 =	sshrl.u32 s6, $0x3;
	s7 =	sshrl.u32 s28, $0x3;
	s8 =	sadd.s32 $0x1800, s9  }
0xc: {  	s11 =	smax.u32 s11, $0x1;
	s17 =	sshrl.u32 s5, $0x3;
	s6 =	sadd.s32 s6, s4  }
0xd: {  	s10 =	sadd.s32 s7, s4;
	s7 =	sadd.s32 $0x1000, s9;
	s4 =	sadd.s32 $0x18A00, s6  }
0xe: {  	v0 =	vimm.s32 $0x1;
	v1 =	vimm.s32 $0x0;
	s6 =	sadd.s32 $0x800, s9;
	s9 =	sadd.s32 $0x2000, s9;
	s10 =	sadd.s32 $0x70E00, s10  }
.LBB2_1:
0xf: {  	[tilespmem:s3], [sflag:$0x1] =	stream.linear.gather [hbm4b:s4+s3], $0x2800, $0x38;
	[tilespmem:$0x5F20] =	vst v63  }
0x10: {  	_ =	swait.ge [sflag:s12], $0x2800  }
0x11: {  	[sflag:s12] =	ssyncset.done $0x0  }
0x12: {  	s19 =	simm.s32 $0x40;
	s20 =	simm.s32 $0x0;
	[sflag:s12] =	ssyncadd.s32 $0xFFFFD800  }
.LBB2_2:
0x13: {  	p0 =	sne.s32 s19, $0x1FC0;
	[tilespmem:s20+$0x2800] =	vst v0;
	s21 =	smov.u32 s19;
	s19 =	sadd.s32 $0x40, s19  }
.Ltmp0:
0x14: {  	[tilespmem:s20+$0x3000] =	vst v1;
	(pc) =	sbr.rel @p0 .LBB2_2-.Ltmp0, $2  }
0x15: {  	_ =	sdelay $0x2  }
0x16: {  	s20 =	sshra.s32 s21, $0x2  }
0x17: {  	[tilespmem:s20+$0x2800] =	vst v0  }
0x18: {  	[tilespmem:s20+$0x3000] =	vst v1  }
0x19: {  	[spmem:s5] =	stream.linear.scatter [tilespmem:s13], [sflag:$0x1], $0x800, $0x38;
	[tilespmem:$0x5F20] =	vst v63  }
0x1a: {  	_ =	swait.ge [sflag:s12], $0x800  }
0x1b: {  	[sflag:s12] =	ssyncset.done $0x0  }
0x1c: {  	[sflag:s12] =	ssyncadd.s32 $0xFFFFF800  }
0x1d: {  	[spmem:s6] =	stream.linear.scatter [tilespmem:s13], [sflag:$0x1], $0x800, $0x38;
	[tilespmem:$0x5F20] =	vst v63  }
0x1e: {  	_ =	swait.ge [sflag:s12], $0x800  }
0x1f: {  	[sflag:s12] =	ssyncset.done $0x0  }
0x20: {  	[sflag:s12] =	ssyncadd.s32 $0xFFFFF800  }
0x21: {  	[spmem:s7] =	stream.linear.scatter [tilespmem:s13], [sflag:$0x1], $0x800, $0x38;
	[tilespmem:$0x5F20] =	vst v63  }
0x22: {  	_ =	swait.ge [sflag:s12], $0x800  }
0x23: {  	[sflag:s12] =	ssyncset.done $0x0  }
0x24: {  	[sflag:s12] =	ssyncadd.s32 $0xFFFFF800  }
0x25: {  	[spmem:s8] =	stream.linear.scatter [tilespmem:s13], [sflag:$0x1], $0x800, $0x38;
	[tilespmem:$0x5F20] =	vst v63  }
0x26: {  	_ =	swait.ge [sflag:s12], $0x800  }
0x27: {  	[sflag:s12] =	ssyncset.done $0x0  }
0x28: {  	[sflag:s12] =	ssyncadd.s32 $0xFFFFF800  }
0x29: {  	[spmem:s9] =	stream.linear.scatter [tilespmem:s13], [sflag:$0x1], $0x720, $0x38;
	[tilespmem:$0x5F20] =	vst v63  }
0x2a: {  	_ =	swait.ge [sflag:s12], $0x720  }
0x2b: {  	[sflag:s12] =	ssyncset.done $0x0  }
0x2c: {  	[sflag:s12] =	ssyncadd.s32 $0xFFFFF8E0  }
0x2d: {  	s19 =	simm.s32 $0x0;
	[bflag:$0x0] =	sbarrier.arrive $0xFFFF  }
0x2e: {  	[spmem:s2] =	stream.indirect.scatter.add.s32 [tilespmem:s15], [sflag:$0x1], $0x10, s19, s14, $0xb8;
	[tilespmem:$0x5F20] =	vst v63  }
0x2f: {  	_ =	swait.ge [sflag:s12], $0x800  }
0x30: {  	s19 =	simm.s32 $0x200;
	[sflag:s12] =	ssyncset.done $0x0  }
.LBB2_4:
0x31: {  	s20 =	sshra.s32 s19, $0x2;
	[sflag:s12] =	ssyncadd.s32 $0xFFFFF800;
	p0 =	sne.s32 s19, $0x9E00  }
0x32: {  	[spmem:s2] =	stream.indirect.scatter.add.s32 [tilespmem:s15], [sflag:$0x1], $0x10, s20, s14, $0xb8;
	[tilespmem:$0x5F20] =	vst v63  }
.Ltmp1:
0x33: {  	_ = 	snop;
	(pc) =	sbr.rel @p0 .LBB2_4-.Ltmp1, $4  }
0x34: {  	_ = 	snop  }
0x35: {  	s19 =	sadd.s32 $0x200, s19  }
0x36: {  	_ =	swait.ge [sflag:s12], $0x800  }
0x37: {  	[sflag:s12] =	ssyncset.done $0x0  }
0x38: {  	s18 =	sadd.s32 $0x1, s18  }
0x39: {  	[sflag:s12] =	ssyncadd.s32 $0xFFFFF800;
	p0 =	sne.s32 s18, s11  }
.Ltmp2:
0x3a: {  	[bflag:$0x0] =	sbarrier.arrive $0xFFFF;
	(pc) =	sbr.rel @p0 .LBB2_1-.Ltmp2, $4  }
0x3b: {  	[hbm:s10], [sflag:s16] =	dma.local [spmem:s17], $0x4E4  }
0x3c: {  	_ =	swait.ge [sflag:s12], $0x4E4  }
0x3d: {  	[sflag:s12] =	ssyncset.done $0x0  }
0x3e: {  	[sflag:s12] =	ssyncadd.s32 $0xFFFFFB1C  }
0x3f: {  	_ =	sfence.sel $0x180000  }
0x40: {  	[bflag:$0x0] =	sbarrier.arrive $0xFFFF  }
0x41: {  	p0 =	sne.s32 s0, $0x0;
	_ =	strace $0x9000004A  }
0x42: {  	s0 =	sadd.s32 @!p0 $0x100000, s1;
	[bflag:$0x2] =	sbarrier.arrive $0xFFFF  }
0x43: {  	[sflag:s0] =	ssyncadd.tile.s32 @!p0 $0x1;
	_ =	shalt  }
.Lfunc_end2:
_tile_overlayer_lowered:
.L_overlay_start_2:
0x44: {  	(tag) =	ssettag $0x2  }
0x45: {  	s0 =	rddreg [dreg:$0x0];
	s2 =	stileid.u32  }
0x46: {  	s1 =	rddreg [dreg:$0x1];
	p0 =	sne.s32 s2, $0x0  }
0x47: {  	s3 =	rddreg [dreg:$0x2];
	[bflag:$0x3] =	sbarrier.arrive $0xFFFF;
	s2 =	simm.s32 @!p0 $0x1C01  }
0x48: {  	[timem:s3], [sflag:s2] =	dma.local @!p0 [hbm:s0], s1  }
0x49: {  	s0 =	simm.s32 @!p0 $0x1  }
0x4a: {  	_ =	swait.ge @!p0 [sflag:s0], s1  }
0x4b: {  	s1 =	ssub.s32 @!p0 $0x0, s1;
	[sflag:s0] =	ssyncset.done @!p0 $0x0  }
0x4c: {  	[sflag:s0] =	ssyncadd.s32 @!p0 s1  }
0x4d: {  	[bflag:$0x3] =	sbarrier.arrive $0xFFFF  }
0x4e: {  	_ =	shalt  }

</sc_bundles>
